<compile_context>
chip_gen: v7x
topology: tpu7x:2x2x1
jax: 0.10.2.dev20260603
libtpu: 0.0.44.dev20260713+nightly
codegen_flags: <defaults>
</compile_context>

<pallas_src>
import functools

import jax
import jax.numpy as jnp
from jax import lax
from jax.experimental import pallas as pl
from jax.experimental.pallas import tpu as pltpu
from jax.experimental.pallas import tpu_sc as plsc

_NC = 2
_NS = 16
_NW = _NC * _NS

_CHUNK = 3200
_NBUF = 8


def _make_sc_gather(n_tab, n_idx):
    per_tile = n_idx // _NW
    n_chunks = per_tile // _CHUNK
    mesh = plsc.VectorSubcoreMesh(core_axis_name="c", subcore_axis_name="s")

    @functools.partial(
        pl.kernel,
        mesh=mesh,
        out_type=jax.ShapeDtypeStruct((n_idx,), jnp.float32),
        scratch_types=[pltpu.VMEM_SHARED((n_tab,), jnp.float32)]
        + [pltpu.VMEM((_CHUNK,), jnp.int32)] * _NBUF
        + [pltpu.VMEM((_CHUNK,), jnp.float32)] * _NBUF
        + [pltpu.SemaphoreType.DMA] * (3 * _NBUF),
    )
    def gather_kernel(table_hbm, idx_hbm, out_hbm, spm, *rest):
        idx_v = rest[0:_NBUF]
        rows_v = rest[_NBUF : 2 * _NBUF]
        sems = rest[2 * _NBUF :]
        sem_i = sems[0:_NBUF]
        sem_g = sems[_NBUF : 2 * _NBUF]
        sem_o = sems[2 * _NBUF :]
        s = lax.axis_index("s")
        wid = s * _NC + lax.axis_index("c")

        @pl.when(s == 0)
        def _stage():
            pltpu.sync_copy(table_hbm, spm)

        plsc.subcore_barrier()
        base = wid * per_tile

        def idx_start(i):
            b = i % _NBUF
            src = idx_hbm.at[pl.ds(base + i * _CHUNK, _CHUNK)]
            return pltpu.async_copy(src, idx_v[b], sem_i[b])

        def gather_start(i):
            b = i % _NBUF
            return pltpu.async_copy(spm.at[idx_v[b]], rows_v[b], sem_g[b])

        def out_start(i):
            b = i % _NBUF
            dst = out_hbm.at[pl.ds(base + i * _CHUNK, _CHUNK)]
            return pltpu.async_copy(rows_v[b], dst, sem_o[b])

        def elu_rows(b):
            def body(j, _):
                v = rows_v[b][pl.ds(j * 16, 16)]
                rows_v[b][pl.ds(j * 16, 16)] = jnp.where(v > 0, v + 1.0, jnp.exp(v))
                return ()

            lax.fori_loop(0, _CHUNK // 16, body, ())

        cp = {0: idx_start(0)}
        g = {}
        o = {}
        for i in range(n_chunks):
            cp[i].wait()
            if i >= _NBUF:
                o[i - _NBUF].wait()
            g[i] = gather_start(i)
            if i >= 1:
                g[i - 1].wait()
                if i + 1 < n_chunks:
                    cp[i + 1] = idx_start(i + 1)
                elu_rows((i - 1) % _NBUF)
                o[i - 1] = out_start(i - 1)
            elif i + 1 < n_chunks:
                cp[i + 1] = idx_start(i + 1)
        g[n_chunks - 1].wait()
        elu_rows((n_chunks - 1) % _NBUF)
        o[n_chunks - 1] = out_start(n_chunks - 1)
        for j in range(max(0, n_chunks - _NBUF), n_chunks):
            o[j].wait()

    return gather_kernel


def kernel(points, uncertainty):
    b, t = points.shape
    table = uncertainty.reshape(-1)
    idx = points.reshape(-1)
    out = _make_sc_gather(table.shape[0], idx.shape[0])(table, idx)
    return out.reshape(b, t, 1)

# --- scband reference (transcript-rebuilt; emitter-appended) ---
"""Pipeline reference for scband-uncertainty-collection-tracks-15410342658072 (READ-ONLY COPY).

The authoritative reference and input builder live on the scoring server;
editing this copy changes nothing except your own understanding.
"""

import jax, jax.numpy as jnp
import numpy as np


def setup_inputs(seed: int = 0) -> dict:
    key = jax.random.key(seed)
    k1, k2 = jax.random.split(key)
    points = jax.random.randint(k1, (16384, 200), 0, 1000000)
    # learned parameter: uncertainty table [number_of_points, 1]
    # (torch init is zeros; use small random values to avoid a degenerate all-equal output)
    uncertainty = jax.random.normal(k2, (1000000, 1), dtype=jnp.float32) * 0.1
    return {"points": points, "uncertainty": uncertainty}


def reference(points, uncertainty):
    # faithful translation of: self.ELU(self.uncertainty[points]) + 1
    gathered = jnp.take(uncertainty, points, axis=0)  # [16384, 200, 1]
    return jax.nn.elu(gathered) + 1.0

if __name__ == "__main__":
    import jax
    _d = setup_inputs()
    print(jax.jit(kernel)(*tuple(_d.values())))

</pallas_src>

<mosaic_0001>
#map = affine_map<(d0, d1) -> (0)>
module attributes {stable_mosaic.version = 14 : i64} {
  func.func @gather_kernel(%arg0: i32, %arg1: i32, %arg2: memref<1000000xf32, #tpu.memory_space<hbm>>, %arg3: memref<3276800xi32, #tpu.memory_space<hbm>>, %arg4: memref<3276800xf32, #tpu.memory_space<hbm>>, %arg5: memref<1000000xf32, #tpu.memory_space<vmem_shared>>, %arg6: memref<3200xi32, #tpu.memory_space<vmem>>, %arg7: memref<3200xi32, #tpu.memory_space<vmem>>, %arg8: memref<3200xi32, #tpu.memory_space<vmem>>, %arg9: memref<3200xi32, #tpu.memory_space<vmem>>, %arg10: memref<3200xi32, #tpu.memory_space<vmem>>, %arg11: memref<3200xi32, #tpu.memory_space<vmem>>, %arg12: memref<3200xi32, #tpu.memory_space<vmem>>, %arg13: memref<3200xi32, #tpu.memory_space<vmem>>, %arg14: memref<3200xf32, #tpu.memory_space<vmem>>, %arg15: memref<3200xf32, #tpu.memory_space<vmem>>, %arg16: memref<3200xf32, #tpu.memory_space<vmem>>, %arg17: memref<3200xf32, #tpu.memory_space<vmem>>, %arg18: memref<3200xf32, #tpu.memory_space<vmem>>, %arg19: memref<3200xf32, #tpu.memory_space<vmem>>, %arg20: memref<3200xf32, #tpu.memory_space<vmem>>, %arg21: memref<3200xf32, #tpu.memory_space<vmem>>, %arg22: memref<!tpu.dma_semaphore, #tpu.memory_space<semaphore_mem>>, %arg23: memref<!tpu.dma_semaphore, #tpu.memory_space<semaphore_mem>>, %arg24: memref<!tpu.dma_semaphore, #tpu.memory_space<semaphore_mem>>, %arg25: memref<!tpu.dma_semaphore, #tpu.memory_space<semaphore_mem>>, %arg26: memref<!tpu.dma_semaphore, #tpu.memory_space<semaphore_mem>>, %arg27: memref<!tpu.dma_semaphore, #tpu.memory_space<semaphore_mem>>, %arg28: memref<!tpu.dma_semaphore, #tpu.memory_space<semaphore_mem>>, %arg29: memref<!tpu.dma_semaphore, #tpu.memory_space<semaphore_mem>>, %arg30: memref<!tpu.dma_semaphore, #tpu.memory_space<semaphore_mem>>, %arg31: memref<!tpu.dma_semaphore, #tpu.memory_space<semaphore_mem>>, %arg32: memref<!tpu.dma_semaphore, #tpu.memory_space<semaphore_mem>>, %arg33: memref<!tpu.dma_semaphore, #tpu.memory_space<semaphore_mem>>, %arg34: memref<!tpu.dma_semaphore, #tpu.memory_space<semaphore_mem>>, %arg35: memref<!tpu.dma_semaphore, #tpu.memory_space<semaphore_mem>>, %arg36: memref<!tpu.dma_semaphore, #tpu.memory_space<semaphore_mem>>, %arg37: memref<!tpu.dma_semaphore, #tpu.memory_space<semaphore_mem>>, %arg38: memref<!tpu.dma_semaphore, #tpu.memory_space<semaphore_mem>>, %arg39: memref<!tpu.dma_semaphore, #tpu.memory_space<semaphore_mem>>, %arg40: memref<!tpu.dma_semaphore, #tpu.memory_space<semaphore_mem>>, %arg41: memref<!tpu.dma_semaphore, #tpu.memory_space<semaphore_mem>>, %arg42: memref<!tpu.dma_semaphore, #tpu.memory_space<semaphore_mem>>, %arg43: memref<!tpu.dma_semaphore, #tpu.memory_space<semaphore_mem>>, %arg44: memref<!tpu.dma_semaphore, #tpu.memory_space<semaphore_mem>>, %arg45: memref<!tpu.dma_semaphore, #tpu.memory_space<semaphore_mem>>) attributes {dimension_semantics = [#tpu.dimension_semantics<core_parallel>, #tpu.dimension_semantics<subcore_parallel>], iteration_bounds = array<i64: 2, 16>, scalar_prefetch = 0 : i64, scratch_operands = 41 : i64, tpu.core_type = #tpu.core_type<sc_vector_subcore>, window_params = [{transform_indices = #map}, {transform_indices = #map}, {transform_indices = #map}]} {
    %mul3A = arith.constant 2 : i32
    %mul3A_0 = arith.muli %arg1, %mul3A : i32
    %add3A = arith.addi %mul3A_0, %arg0 : i32
    %eq3A = arith.constant 0 : i32
    %eq3A_1 = arith.cmpi eq, %arg1, %eq3A : i32
    %convert_element_type3A = arith.extui %eq3A_1 : i1 to i32
    %cond3A = arith.constant 0 : i32
    %cond3A_2 = arith.cmpi ne, %convert_element_type3A, %cond3A : i32
    scf.if %cond3A_2 {
      "tpu.region"() ({
        %run_scoped3A = tpu.sem_alloc : memref<!tpu.dma_semaphore, #tpu.memory_space<semaphore_mem>>
        tpu.enqueue_dma source(%arg2 : memref<1000000xf32, #tpu.memory_space<hbm>>) target(%arg5 : memref<1000000xf32, #tpu.memory_space<vmem_shared>>) target_semaphore(%run_scoped3A : memref<!tpu.dma_semaphore, #tpu.memory_space<semaphore_mem>>)
        tpu.wait_dma2 semaphore(%run_scoped3A : memref<!tpu.dma_semaphore, #tpu.memory_space<semaphore_mem>>) src(%arg2 : memref<1000000xf32, #tpu.memory_space<hbm>>) dst(%arg5 : memref<1000000xf32, #tpu.memory_space<vmem_shared>>)
        tpu.yield
      }) : () -> ()
    } else {
    }
    %barrier3A = arith.constant 0 : index
    tpu.barrier barrier_id(%barrier3A)
    %mul3A_3 = arith.constant 102400 : i32
    %mul3A_4 = arith.muli %add3A, %mul3A_3 : i32
    %add3A_5 = arith.constant 0 : i32
    %add3A_6 = arith.addi %mul3A_4, %add3A_5 : i32
    %dma_start3A = tpu.memref_slice %arg3[%add3A_6] : memref<3276800xi32, #tpu.memory_space<hbm>> -> memref<3200xi32, #tpu.memory_space<hbm>>
    %dma_start3A_7 = tpu.memref_slice %arg3[%add3A_6] : memref<3276800xi32, #tpu.memory_space<hbm>> -> memref<3200xi32, #tpu.memory_space<hbm>>
    tpu.enqueue_dma source(%dma_start3A_7 : memref<3200xi32, #tpu.memory_space<hbm>>) target(%arg6 : memref<3200xi32, #tpu.memory_space<vmem>>) target_semaphore(%arg22 : memref<!tpu.dma_semaphore, #tpu.memory_space<semaphore_mem>>)
    %dma_wait3A = tpu.memref_slice %arg3[%add3A_6] : memref<3276800xi32, #tpu.memory_space<hbm>> -> memref<3200xi32, #tpu.memory_space<hbm>>
    %dma_wait3A_8 = tpu.memref_slice %arg3[%add3A_6] : memref<3276800xi32, #tpu.memory_space<hbm>> -> memref<3200xi32, #tpu.memory_space<hbm>>
    tpu.wait_dma2 semaphore(%arg22 : memref<!tpu.dma_semaphore, #tpu.memory_space<semaphore_mem>>) src(%dma_wait3A_8 : memref<3200xi32, #tpu.memory_space<hbm>>) dst(%arg6 : memref<3200xi32, #tpu.memory_space<vmem>>)
    %dma_start3A_9 = arith.constant 0 : i32
    %dma_start3A_10 = tpu.memref_slice %arg5[%dma_start3A_9] : memref<1000000xf32, #tpu.memory_space<vmem_shared>> -> memref<1000000xf32, #tpu.memory_space<vmem_shared>>
    tpu.enqueue_indirect_dma source(%dma_start3A_10 : memref<1000000xf32, #tpu.memory_space<vmem_shared>>) target(%arg14 : memref<3200xf32, #tpu.memory_space<vmem>>) offsets(%arg6 : memref<3200xi32, #tpu.memory_space<vmem>>) semaphore(%arg30 : memref<!tpu.dma_semaphore, #tpu.memory_space<semaphore_mem>>)
    %add3A_11 = arith.constant 3200 : i32
    %add3A_12 = arith.addi %mul3A_4, %add3A_11 : i32
    %dma_start3A_13 = tpu.memref_slice %arg3[%add3A_12] : memref<3276800xi32, #tpu.memory_space<hbm>> -> memref<3200xi32, #tpu.memory_space<hbm>>
    %dma_start3A_14 = tpu.memref_slice %arg3[%add3A_12] : memref<3276800xi32, #tpu.memory_space<hbm>> -> memref<3200xi32, #tpu.memory_space<hbm>>
    tpu.enqueue_dma source(%dma_start3A_14 : memref<3200xi32, #tpu.memory_space<hbm>>) target(%arg7 : memref<3200xi32, #tpu.memory_space<vmem>>) target_semaphore(%arg23 : memref<!tpu.dma_semaphore, #tpu.memory_space<semaphore_mem>>)
    %dma_wait3A_15 = tpu.memref_slice %arg3[%add3A_12] : memref<3276800xi32, #tpu.memory_space<hbm>> -> memref<3200xi32, #tpu.memory_space<hbm>>
    %dma_wait3A_16 = tpu.memref_slice %arg3[%add3A_12] : memref<3276800xi32, #tpu.memory_space<hbm>> -> memref<3200xi32, #tpu.memory_space<hbm>>
    tpu.wait_dma2 semaphore(%arg23 : memref<!tpu.dma_semaphore, #tpu.memory_space<semaphore_mem>>) src(%dma_wait3A_16 : memref<3200xi32, #tpu.memory_space<hbm>>) dst(%arg7 : memref<3200xi32, #tpu.memory_space<vmem>>)
    %dma_start3A_17 = arith.constant 0 : i32
    %dma_start3A_18 = tpu.memref_slice %arg5[%dma_start3A_17] : memref<1000000xf32, #tpu.memory_space<vmem_shared>> -> memref<1000000xf32, #tpu.memory_space<vmem_shared>>
    tpu.enqueue_indirect_dma source(%dma_start3A_18 : memref<1000000xf32, #tpu.memory_space<vmem_shared>>) target(%arg15 : memref<3200xf32, #tpu.memory_space<vmem>>) offsets(%arg7 : memref<3200xi32, #tpu.memory_space<vmem>>) semaphore(%arg31 : memref<!tpu.dma_semaphore, #tpu.memory_space<semaphore_mem>>)
    %dma_wait3A_19 = arith.constant 0 : i32
    %dma_wait3A_20 = tpu.memref_slice %arg5[%dma_wait3A_19] : memref<1000000xf32, #tpu.memory_space<vmem_shared>> -> memref<1000000xf32, #tpu.memory_space<vmem_shared>>
    tpu.wait_indirect_dma semaphore(%arg30 : memref<!tpu.dma_semaphore, #tpu.memory_space<semaphore_mem>>) src(%dma_wait3A_20 : memref<1000000xf32, #tpu.memory_space<vmem_shared>>) dst(%arg14 : memref<3200xf32, #tpu.memory_space<vmem>>)
    %add3A_21 = arith.constant 6400 : i32
    %add3A_22 = arith.addi %mul3A_4, %add3A_21 : i32
    %dma_start3A_23 = tpu.memref_slice %arg3[%add3A_22] : memref<3276800xi32, #tpu.memory_space<hbm>> -> memref<3200xi32, #tpu.memory_space<hbm>>
    %dma_start3A_24 = tpu.memref_slice %arg3[%add3A_22] : memref<3276800xi32, #tpu.memory_space<hbm>> -> memref<3200xi32, #tpu.memory_space<hbm>>
    tpu.enqueue_dma source(%dma_start3A_24 : memref<3200xi32, #tpu.memory_space<hbm>>) target(%arg8 : memref<3200xi32, #tpu.memory_space<vmem>>) target_semaphore(%arg24 : memref<!tpu.dma_semaphore, #tpu.memory_space<semaphore_mem>>)
    %scan3A = arith.constant 0 : i32
    %scan3A_25 = arith.constant 200 : i32
    %scan3A_26 = arith.addi %scan3A, %scan3A_25 : i32
    %scan3A_27 = arith.constant 1 : i32
    scf.for %scan3A_674 = %scan3A to %scan3A_26 step %scan3A_27  : i32 {
      %mul3A_675 = arith.constant 16 : i32
      %mul3A_676 = arith.muli %scan3A_674, %mul3A_675 : i32
      %get3A = arith.index_cast %mul3A_676 : i32 to index
      %get3A_677 = tpu.vector_load %arg14[%get3A] {strides = array<i32>} : memref<3200xf32, #tpu.memory_space<vmem>>, vector<16xf32>,
      %get3A_678 = vector.shape_cast %get3A_677 : vector<16xf32> to vector<16xf32>
      %gt3A = arith.constant 0.000000e+00 : f32
      %gt3A_679 = vector.broadcast %gt3A : f32 to vector<16xf32>
      %gt3A_680 = arith.cmpf ogt, %get3A_678, %gt3A_679 : vector<16xf32>
      %add3A_681 = arith.constant 1.000000e+00 : f32
      %add3A_682 = vector.broadcast %add3A_681 : f32 to vector<16xf32>
      %add3A_683 = arith.addf %get3A_678, %add3A_682 : vector<16xf32>
      %exp3A = math.exp %get3A_678 : vector<16xf32>
      %select_n3A = arith.select %gt3A_680, %add3A_683, %exp3A : vector<16xi1>, vector<16xf32>
      %mul3A_684 = arith.constant 16 : i32
      %mul3A_685 = arith.muli %scan3A_674, %mul3A_684 : i32
      %swap3A = arith.index_cast %mul3A_685 : i32 to index
      %swap3A_686 = tpu.vector_load %arg14[%swap3A] {strides = array<i32>} : memref<3200xf32, #tpu.memory_space<vmem>>, vector<16xf32>,
      %swap3A_687 = vector.shape_cast %swap3A_686 : vector<16xf32> to vector<16xf32>
      %swap3A_688 = vector.shape_cast %select_n3A : vector<16xf32> to vector<16xf32>
      tpu.vector_store %arg14[%swap3A], %swap3A_688 {strides = array<i32>} : memref<3200xf32, #tpu.memory_space<vmem>>, vector<16xf32>,
    }
    %scan3A_28 = arith.constant 200 : i32
    %add3A_29 = arith.constant 0 : i32
    %add3A_30 = arith.addi %mul3A_4, %add3A_29 : i32
    %dma_start3A_31 = tpu.memref_slice %arg4[%add3A_30] : memref<3276800xf32, #tpu.memory_space<hbm>> -> memref<3200xf32, #tpu.memory_space<hbm>>
    %dma_start3A_32 = tpu.memref_slice %arg4[%add3A_30] : memref<3276800xf32, #tpu.memory_space<hbm>> -> memref<3200xf32, #tpu.memory_space<hbm>>
    tpu.enqueue_dma source(%arg14 : memref<3200xf32, #tpu.memory_space<vmem>>) target(%dma_start3A_32 : memref<3200xf32, #tpu.memory_space<hbm>>) target_semaphore(%arg38 : memref<!tpu.dma_semaphore, #tpu.memory_space<semaphore_mem>>)
    %dma_wait3A_33 = tpu.memref_slice %arg3[%add3A_22] : memref<3276800xi32, #tpu.memory_space<hbm>> -> memref<3200xi32, #tpu.memory_space<hbm>>
    %dma_wait3A_34 = tpu.memref_slice %arg3[%add3A_22] : memref<3276800xi32, #tpu.memory_space<hbm>> -> memref<3200xi32, #tpu.memory_space<hbm>>
    tpu.wait_dma2 semaphore(%arg24 : memref<!tpu.dma_semaphore, #tpu.memory_space<semaphore_mem>>) src(%dma_wait3A_34 : memref<3200xi32, #tpu.memory_space<hbm>>) dst(%arg8 : memref<3200xi32, #tpu.memory_space<vmem>>)
    %dma_start3A_35 = arith.constant 0 : i32
    %dma_start3A_36 = tpu.memref_slice %arg5[%dma_start3A_35] : memref<1000000xf32, #tpu.memory_space<vmem_shared>> -> memref<1000000xf32, #tpu.memory_space<vmem_shared>>
    tpu.enqueue_indirect_dma source(%dma_start3A_36 : memref<1000000xf32, #tpu.memory_space<vmem_shared>>) target(%arg16 : memref<3200xf32, #tpu.memory_space<vmem>>) offsets(%arg8 : memref<3200xi32, #tpu.memory_space<vmem>>) semaphore(%arg32 : memref<!tpu.dma_semaphore, #tpu.memory_space<semaphore_mem>>)
    %dma_wait3A_37 = arith.constant 0 : i32
    %dma_wait3A_38 = tpu.memref_slice %arg5[%dma_wait3A_37] : memref<1000000xf32, #tpu.memory_space<vmem_shared>> -> memref<1000000xf32, #tpu.memory_space<vmem_shared>>
    tpu.wait_indirect_dma semaphore(%arg31 : memref<!tpu.dma_semaphore, #tpu.memory_space<semaphore_mem>>) src(%dma_wait3A_38 : memref<1000000xf32, #tpu.memory_space<vmem_shared>>) dst(%arg15 : memref<3200xf32, #tpu.memory_space<vmem>>)
    %add3A_39 = arith.constant 9600 : i32
    %add3A_40 = arith.addi %mul3A_4, %add3A_39 : i32
    %dma_start3A_41 = tpu.memref_slice %arg3[%add3A_40] : memref<3276800xi32, #tpu.memory_space<hbm>> -> memref<3200xi32, #tpu.memory_space<hbm>>
    %dma_start3A_42 = tpu.memref_slice %arg3[%add3A_40] : memref<3276800xi32, #tpu.memory_space<hbm>> -> memref<3200xi32, #tpu.memory_space<hbm>>
    tpu.enqueue_dma source(%dma_start3A_42 : memref<3200xi32, #tpu.memory_space<hbm>>) target(%arg9 : memref<3200xi32, #tpu.memory_space<vmem>>) target_semaphore(%arg25 : memref<!tpu.dma_semaphore, #tpu.memory_space<semaphore_mem>>)
    %scan3A_43 = arith.constant 0 : i32
    %scan3A_44 = arith.constant 200 : i32
    %scan3A_45 = arith.addi %scan3A_43, %scan3A_44 : i32
    %scan3A_46 = arith.constant 1 : i32
    scf.for %scan3A_674 = %scan3A_43 to %scan3A_45 step %scan3A_46  : i32 {
      %mul3A_675 = arith.constant 16 : i32
      %mul3A_676 = arith.muli %scan3A_674, %mul3A_675 : i32
      %get3A = arith.index_cast %mul3A_676 : i32 to index
      %get3A_677 = tpu.vector_load %arg15[%get3A] {strides = array<i32>} : memref<3200xf32, #tpu.memory_space<vmem>>, vector<16xf32>,
      %get3A_678 = vector.shape_cast %get3A_677 : vector<16xf32> to vector<16xf32>
      %gt3A = arith.constant 0.000000e+00 : f32
      %gt3A_679 = vector.broadcast %gt3A : f32 to vector<16xf32>
      %gt3A_680 = arith.cmpf ogt, %get3A_678, %gt3A_679 : vector<16xf32>
      %add3A_681 = arith.constant 1.000000e+00 : f32
      %add3A_682 = vector.broadcast %add3A_681 : f32 to vector<16xf32>
      %add3A_683 = arith.addf %get3A_678, %add3A_682 : vector<16xf32>
      %exp3A = math.exp %get3A_678 : vector<16xf32>
      %select_n3A = arith.select %gt3A_680, %add3A_683, %exp3A : vector<16xi1>, vector<16xf32>
      %mul3A_684 = arith.constant 16 : i32
      %mul3A_685 = arith.muli %scan3A_674, %mul3A_684 : i32
      %swap3A = arith.index_cast %mul3A_685 : i32 to index
      %swap3A_686 = tpu.vector_load %arg15[%swap3A] {strides = array<i32>} : memref<3200xf32, #tpu.memory_space<vmem>>, vector<16xf32>,
      %swap3A_687 = vector.shape_cast %swap3A_686 : vector<16xf32> to vector<16xf32>
      %swap3A_688 = vector.shape_cast %select_n3A : vector<16xf32> to vector<16xf32>
      tpu.vector_store %arg15[%swap3A], %swap3A_688 {strides = array<i32>} : memref<3200xf32, #tpu.memory_space<vmem>>, vector<16xf32>,
    }
    %scan3A_47 = arith.constant 200 : i32
    %add3A_48 = arith.constant 3200 : i32
    %add3A_49 = arith.addi %mul3A_4, %add3A_48 : i32
    %dma_start3A_50 = tpu.memref_slice %arg4[%add3A_49] : memref<3276800xf32, #tpu.memory_space<hbm>> -> memref<3200xf32, #tpu.memory_space<hbm>>
    %dma_start3A_51 = tpu.memref_slice %arg4[%add3A_49] : memref<3276800xf32, #tpu.memory_space<hbm>> -> memref<3200xf32, #tpu.memory_space<hbm>>
    tpu.enqueue_dma source(%arg15 : memref<3200xf32, #tpu.memory_space<vmem>>) target(%dma_start3A_51 : memref<3200xf32, #tpu.memory_space<hbm>>) target_semaphore(%arg39 : memref<!tpu.dma_semaphore, #tpu.memory_space<semaphore_mem>>)
    %dma_wait3A_52 = tpu.memref_slice %arg3[%add3A_40] : memref<3276800xi32, #tpu.memory_space<hbm>> -> memref<3200xi32, #tpu.memory_space<hbm>>
    %dma_wait3A_53 = tpu.memref_slice %arg3[%add3A_40] : memref<3276800xi32, #tpu.memory_space<hbm>> -> memref<3200xi32, #tpu.memory_space<hbm>>
    tpu.wait_dma2 semaphore(%arg25 : memref<!tpu.dma_semaphore, #tpu.memory_space<semaphore_mem>>) src(%dma_wait3A_53 : memref<3200xi32, #tpu.memory_space<hbm>>) dst(%arg9 : memref<3200xi32, #tpu.memory_space<vmem>>)
    %dma_start3A_54 = arith.constant 0 : i32
    %dma_start3A_55 = tpu.memref_slice %arg5[%dma_start3A_54] : memref<1000000xf32, #tpu.memory_space<vmem_shared>> -> memref<1000000xf32, #tpu.memory_space<vmem_shared>>
    tpu.enqueue_indirect_dma source(%dma_start3A_55 : memref<1000000xf32, #tpu.memory_space<vmem_shared>>) target(%arg17 : memref<3200xf32, #tpu.memory_space<vmem>>) offsets(%arg9 : memref<3200xi32, #tpu.memory_space<vmem>>) semaphore(%arg33 : memref<!tpu.dma_semaphore, #tpu.memory_space<semaphore_mem>>)
    %dma_wait3A_56 = arith.constant 0 : i32
    %dma_wait3A_57 = tpu.memref_slice %arg5[%dma_wait3A_56] : memref<1000000xf32, #tpu.memory_space<vmem_shared>> -> memref<1000000xf32, #tpu.memory_space<vmem_shared>>
    tpu.wait_indirect_dma semaphore(%arg32 : memref<!tpu.dma_semaphore, #tpu.memory_space<semaphore_mem>>) src(%dma_wait3A_57 : memref<1000000xf32, #tpu.memory_space<vmem_shared>>) dst(%arg16 : memref<3200xf32, #tpu.memory_space<vmem>>)
    %add3A_58 = arith.constant 12800 : i32
    %add3A_59 = arith.addi %mul3A_4, %add3A_58 : i32
    %dma_start3A_60 = tpu.memref_slice %arg3[%add3A_59] : memref<3276800xi32, #tpu.memory_space<hbm>> -> memref<3200xi32, #tpu.memory_space<hbm>>
    %dma_start3A_61 = tpu.memref_slice %arg3[%add3A_59] : memref<3276800xi32, #tpu.memory_space<hbm>> -> memref<3200xi32, #tpu.memory_space<hbm>>
    tpu.enqueue_dma source(%dma_start3A_61 : memref<3200xi32, #tpu.memory_space<hbm>>) target(%arg10 : memref<3200xi32, #tpu.memory_space<vmem>>) target_semaphore(%arg26 : memref<!tpu.dma_semaphore, #tpu.memory_space<semaphore_mem>>)
    %scan3A_62 = arith.constant 0 : i32
    %scan3A_63 = arith.constant 200 : i32
    %scan3A_64 = arith.addi %scan3A_62, %scan3A_63 : i32
    %scan3A_65 = arith.constant 1 : i32
    scf.for %scan3A_674 = %scan3A_62 to %scan3A_64 step %scan3A_65  : i32 {
      %mul3A_675 = arith.constant 16 : i32
      %mul3A_676 = arith.muli %scan3A_674, %mul3A_675 : i32
      %get3A = arith.index_cast %mul3A_676 : i32 to index
      %get3A_677 = tpu.vector_load %arg16[%get3A] {strides = array<i32>} : memref<3200xf32, #tpu.memory_space<vmem>>, vector<16xf32>,
      %get3A_678 = vector.shape_cast %get3A_677 : vector<16xf32> to vector<16xf32>
      %gt3A = arith.constant 0.000000e+00 : f32
      %gt3A_679 = vector.broadcast %gt3A : f32 to vector<16xf32>
      %gt3A_680 = arith.cmpf ogt, %get3A_678, %gt3A_679 : vector<16xf32>
      %add3A_681 = arith.constant 1.000000e+00 : f32
      %add3A_682 = vector.broadcast %add3A_681 : f32 to vector<16xf32>
      %add3A_683 = arith.addf %get3A_678, %add3A_682 : vector<16xf32>
      %exp3A = math.exp %get3A_678 : vector<16xf32>
      %select_n3A = arith.select %gt3A_680, %add3A_683, %exp3A : vector<16xi1>, vector<16xf32>
      %mul3A_684 = arith.constant 16 : i32
      %mul3A_685 = arith.muli %scan3A_674, %mul3A_684 : i32
      %swap3A = arith.index_cast %mul3A_685 : i32 to index
      %swap3A_686 = tpu.vector_load %arg16[%swap3A] {strides = array<i32>} : memref<3200xf32, #tpu.memory_space<vmem>>, vector<16xf32>,
      %swap3A_687 = vector.shape_cast %swap3A_686 : vector<16xf32> to vector<16xf32>
      %swap3A_688 = vector.shape_cast %select_n3A : vector<16xf32> to vector<16xf32>
      tpu.vector_store %arg16[%swap3A], %swap3A_688 {strides = array<i32>} : memref<3200xf32, #tpu.memory_space<vmem>>, vector<16xf32>,
    }
    %scan3A_66 = arith.constant 200 : i32
    %add3A_67 = arith.constant 6400 : i32
    %add3A_68 = arith.addi %mul3A_4, %add3A_67 : i32
    %dma_start3A_69 = tpu.memref_slice %arg4[%add3A_68] : memref<3276800xf32, #tpu.memory_space<hbm>> -> memref<3200xf32, #tpu.memory_space<hbm>>
    %dma_start3A_70 = tpu.memref_slice %arg4[%add3A_68] : memref<3276800xf32, #tpu.memory_space<hbm>> -> memref<3200xf32, #tpu.memory_space<hbm>>
    tpu.enqueue_dma source(%arg16 : memref<3200xf32, #tpu.memory_space<vmem>>) target(%dma_start3A_70 : memref<3200xf32, #tpu.memory_space<hbm>>) target_semaphore(%arg40 : memref<!tpu.dma_semaphore, #tpu.memory_space<semaphore_mem>>)
    %dma_wait3A_71 = tpu.memref_slice %arg3[%add3A_59] : memref<3276800xi32, #tpu.memory_space<hbm>> -> memref<3200xi32, #tpu.memory_space<hbm>>
    %dma_wait3A_72 = tpu.memref_slice %arg3[%add3A_59] : memref<3276800xi32, #tpu.memory_space<hbm>> -> memref<3200xi32, #tpu.memory_space<hbm>>
    tpu.wait_dma2 semaphore(%arg26 : memref<!tpu.dma_semaphore, #tpu.memory_space<semaphore_mem>>) src(%dma_wait3A_72 : memref<3200xi32, #tpu.memory_space<hbm>>) dst(%arg10 : memref<3200xi32, #tpu.memory_space<vmem>>)
    %dma_start3A_73 = arith.constant 0 : i32
    %dma_start3A_74 = tpu.memref_slice %arg5[%dma_start3A_73] : memref<1000000xf32, #tpu.memory_space<vmem_shared>> -> memref<1000000xf32, #tpu.memory_space<vmem_shared>>
    tpu.enqueue_indirect_dma source(%dma_start3A_74 : memref<1000000xf32, #tpu.memory_space<vmem_shared>>) target(%arg18 : memref<3200xf32, #tpu.memory_space<vmem>>) offsets(%arg10 : memref<3200xi32, #tpu.memory_space<vmem>>) semaphore(%arg34 : memref<!tpu.dma_semaphore, #tpu.memory_space<semaphore_mem>>)
    %dma_wait3A_75 = arith.constant 0 : i32
    %dma_wait3A_76 = tpu.memref_slice %arg5[%dma_wait3A_75] : memref<1000000xf32, #tpu.memory_space<vmem_shared>> -> memref<1000000xf32, #tpu.memory_space<vmem_shared>>
    tpu.wait_indirect_dma semaphore(%arg33 : memref<!tpu.dma_semaphore, #tpu.memory_space<semaphore_mem>>) src(%dma_wait3A_76 : memref<1000000xf32, #tpu.memory_space<vmem_shared>>) dst(%arg17 : memref<3200xf32, #tpu.memory_space<vmem>>)
    %add3A_77 = arith.constant 16000 : i32
    %add3A_78 = arith.addi %mul3A_4, %add3A_77 : i32
    %dma_start3A_79 = tpu.memref_slice %arg3[%add3A_78] : memref<3276800xi32, #tpu.memory_space<hbm>> -> memref<3200xi32, #tpu.memory_space<hbm>>
    %dma_start3A_80 = tpu.memref_slice %arg3[%add3A_78] : memref<3276800xi32, #tpu.memory_space<hbm>> -> memref<3200xi32, #tpu.memory_space<hbm>>
    tpu.enqueue_dma source(%dma_start3A_80 : memref<3200xi32, #tpu.memory_space<hbm>>) target(%arg11 : memref<3200xi32, #tpu.memory_space<vmem>>) target_semaphore(%arg27 : memref<!tpu.dma_semaphore, #tpu.memory_space<semaphore_mem>>)
    %scan3A_81 = arith.constant 0 : i32
    %scan3A_82 = arith.constant 200 : i32
    %scan3A_83 = arith.addi %scan3A_81, %scan3A_82 : i32
    %scan3A_84 = arith.constant 1 : i32
    scf.for %scan3A_674 = %scan3A_81 to %scan3A_83 step %scan3A_84  : i32 {
      %mul3A_675 = arith.constant 16 : i32
      %mul3A_676 = arith.muli %scan3A_674, %mul3A_675 : i32
      %get3A = arith.index_cast %mul3A_676 : i32 to index
      %get3A_677 = tpu.vector_load %arg17[%get3A] {strides = array<i32>} : memref<3200xf32, #tpu.memory_space<vmem>>, vector<16xf32>,
      %get3A_678 = vector.shape_cast %get3A_677 : vector<16xf32> to vector<16xf32>
      %gt3A = arith.constant 0.000000e+00 : f32
      %gt3A_679 = vector.broadcast %gt3A : f32 to vector<16xf32>
      %gt3A_680 = arith.cmpf ogt, %get3A_678, %gt3A_679 : vector<16xf32>
      %add3A_681 = arith.constant 1.000000e+00 : f32
      %add3A_682 = vector.broadcast %add3A_681 : f32 to vector<16xf32>
      %add3A_683 = arith.addf %get3A_678, %add3A_682 : vector<16xf32>
      %exp3A = math.exp %get3A_678 : vector<16xf32>
      %select_n3A = arith.select %gt3A_680, %add3A_683, %exp3A : vector<16xi1>, vector<16xf32>
      %mul3A_684 = arith.constant 16 : i32
      %mul3A_685 = arith.muli %scan3A_674, %mul3A_684 : i32
      %swap3A = arith.index_cast %mul3A_685 : i32 to index
      %swap3A_686 = tpu.vector_load %arg17[%swap3A] {strides = array<i32>} : memref<3200xf32, #tpu.memory_space<vmem>>, vector<16xf32>,
      %swap3A_687 = vector.shape_cast %swap3A_686 : vector<16xf32> to vector<16xf32>
      %swap3A_688 = vector.shape_cast %select_n3A : vector<16xf32> to vector<16xf32>
      tpu.vector_store %arg17[%swap3A], %swap3A_688 {strides = array<i32>} : memref<3200xf32, #tpu.memory_space<vmem>>, vector<16xf32>,
    }
    %scan3A_85 = arith.constant 200 : i32
    %add3A_86 = arith.constant 9600 : i32
    %add3A_87 = arith.addi %mul3A_4, %add3A_86 : i32
    %dma_start3A_88 = tpu.memref_slice %arg4[%add3A_87] : memref<3276800xf32, #tpu.memory_space<hbm>> -> memref<3200xf32, #tpu.memory_space<hbm>>
    %dma_start3A_89 = tpu.memref_slice %arg4[%add3A_87] : memref<3276800xf32, #tpu.memory_space<hbm>> -> memref<3200xf32, #tpu.memory_space<hbm>>
    tpu.enqueue_dma source(%arg17 : memref<3200xf32, #tpu.memory_space<vmem>>) target(%dma_start3A_89 : memref<3200xf32, #tpu.memory_space<hbm>>) target_semaphore(%arg41 : memref<!tpu.dma_semaphore, #tpu.memory_space<semaphore_mem>>)
    %dma_wait3A_90 = tpu.memref_slice %arg3[%add3A_78] : memref<3276800xi32, #tpu.memory_space<hbm>> -> memref<3200xi32, #tpu.memory_space<hbm>>
    %dma_wait3A_91 = tpu.memref_slice %arg3[%add3A_78] : memref<3276800xi32, #tpu.memory_space<hbm>> -> memref<3200xi32, #tpu.memory_space<hbm>>
    tpu.wait_dma2 semaphore(%arg27 : memref<!tpu.dma_semaphore, #tpu.memory_space<semaphore_mem>>) src(%dma_wait3A_91 : memref<3200xi32, #tpu.memory_space<hbm>>) dst(%arg11 : memref<3200xi32, #tpu.memory_space<vmem>>)
    %dma_start3A_92 = arith.constant 0 : i32
    %dma_start3A_93 = tpu.memref_slice %arg5[%dma_start3A_92] : memref<1000000xf32, #tpu.memory_space<vmem_shared>> -> memref<1000000xf32, #tpu.memory_space<vmem_shared>>
    tpu.enqueue_indirect_dma source(%dma_start3A_93 : memref<1000000xf32, #tpu.memory_space<vmem_shared>>) target(%arg19 : memref<3200xf32, #tpu.memory_space<vmem>>) offsets(%arg11 : memref<3200xi32, #tpu.memory_space<vmem>>) semaphore(%arg35 : memref<!tpu.dma_semaphore, #tpu.memory_space<semaphore_mem>>)
    %dma_wait3A_94 = arith.constant 0 : i32
    %dma_wait3A_95 = tpu.memref_slice %arg5[%dma_wait3A_94] : memref<1000000xf32, #tpu.memory_space<vmem_shared>> -> memref<1000000xf32, #tpu.memory_space<vmem_shared>>
    tpu.wait_indirect_dma semaphore(%arg34 : memref<!tpu.dma_semaphore, #tpu.memory_space<semaphore_mem>>) src(%dma_wait3A_95 : memref<1000000xf32, #tpu.memory_space<vmem_shared>>) dst(%arg18 : memref<3200xf32, #tpu.memory_space<vmem>>)
    %add3A_96 = arith.constant 19200 : i32
    %add3A_97 = arith.addi %mul3A_4, %add3A_96 : i32
    %dma_start3A_98 = tpu.memref_slice %arg3[%add3A_97] : memref<3276800xi32, #tpu.memory_space<hbm>> -> memref<3200xi32, #tpu.memory_space<hbm>>
    %dma_start3A_99 = tpu.memref_slice %arg3[%add3A_97] : memref<3276800xi32, #tpu.memory_space<hbm>> -> memref<3200xi32, #tpu.memory_space<hbm>>
    tpu.enqueue_dma source(%dma_start3A_99 : memref<3200xi32, #tpu.memory_space<hbm>>) target(%arg12 : memref<3200xi32, #tpu.memory_space<vmem>>) target_semaphore(%arg28 : memref<!tpu.dma_semaphore, #tpu.memory_space<semaphore_mem>>)
    %scan3A_100 = arith.constant 0 : i32
    %scan3A_101 = arith.constant 200 : i32
    %scan3A_102 = arith.addi %scan3A_100, %scan3A_101 : i32
    %scan3A_103 = arith.constant 1 : i32
    scf.for %scan3A_674 = %scan3A_100 to %scan3A_102 step %scan3A_103  : i32 {
      %mul3A_675 = arith.constant 16 : i32
      %mul3A_676 = arith.muli %scan3A_674, %mul3A_675 : i32
      %get3A = arith.index_cast %mul3A_676 : i32 to index
      %get3A_677 = tpu.vector_load %arg18[%get3A] {strides = array<i32>} : memref<3200xf32, #tpu.memory_space<vmem>>, vector<16xf32>,
      %get3A_678 = vector.shape_cast %get3A_677 : vector<16xf32> to vector<16xf32>
      %gt3A = arith.constant 0.000000e+00 : f32
      %gt3A_679 = vector.broadcast %gt3A : f32 to vector<16xf32>
      %gt3A_680 = arith.cmpf ogt, %get3A_678, %gt3A_679 : vector<16xf32>
      %add3A_681 = arith.constant 1.000000e+00 : f32
      %add3A_682 = vector.broadcast %add3A_681 : f32 to vector<16xf32>
      %add3A_683 = arith.addf %get3A_678, %add3A_682 : vector<16xf32>
      %exp3A = math.exp %get3A_678 : vector<16xf32>
      %select_n3A = arith.select %gt3A_680, %add3A_683, %exp3A : vector<16xi1>, vector<16xf32>
      %mul3A_684 = arith.constant 16 : i32
      %mul3A_685 = arith.muli %scan3A_674, %mul3A_684 : i32
      %swap3A = arith.index_cast %mul3A_685 : i32 to index
      %swap3A_686 = tpu.vector_load %arg18[%swap3A] {strides = array<i32>} : memref<3200xf32, #tpu.memory_space<vmem>>, vector<16xf32>,
      %swap3A_687 = vector.shape_cast %swap3A_686 : vector<16xf32> to vector<16xf32>
      %swap3A_688 = vector.shape_cast %select_n3A : vector<16xf32> to vector<16xf32>
      tpu.vector_store %arg18[%swap3A], %swap3A_688 {strides = array<i32>} : memref<3200xf32, #tpu.memory_space<vmem>>, vector<16xf32>,
    }
    %scan3A_104 = arith.constant 200 : i32
    %add3A_105 = arith.constant 12800 : i32
    %add3A_106 = arith.addi %mul3A_4, %add3A_105 : i32
    %dma_start3A_107 = tpu.memref_slice %arg4[%add3A_106] : memref<3276800xf32, #tpu.memory_space<hbm>> -> memref<3200xf32, #tpu.memory_space<hbm>>
    %dma_start3A_108 = tpu.memref_slice %arg4[%add3A_106] : memref<3276800xf32, #tpu.memory_space<hbm>> -> memref<3200xf32, #tpu.memory_space<hbm>>
    tpu.enqueue_dma source(%arg18 : memref<3200xf32, #tpu.memory_space<vmem>>) target(%dma_start3A_108 : memref<3200xf32, #tpu.memory_space<hbm>>) target_semaphore(%arg42 : memref<!tpu.dma_semaphore, #tpu.memory_space<semaphore_mem>>)
    %dma_wait3A_109 = tpu.memref_slice %arg3[%add3A_97] : memref<3276800xi32, #tpu.memory_space<hbm>> -> memref<3200xi32, #tpu.memory_space<hbm>>
    %dma_wait3A_110 = tpu.memref_slice %arg3[%add3A_97] : memref<3276800xi32, #tpu.memory_space<hbm>> -> memref<3200xi32, #tpu.memory_space<hbm>>
    tpu.wait_dma2 semaphore(%arg28 : memref<!tpu.dma_semaphore, #tpu.memory_space<semaphore_mem>>) src(%dma_wait3A_110 : memref<3200xi32, #tpu.memory_space<hbm>>) dst(%arg12 : memref<3200xi32, #tpu.memory_space<vmem>>)
    %dma_start3A_111 = arith.constant 0 : i32
    %dma_start3A_112 = tpu.memref_slice %arg5[%dma_start3A_111] : memref<1000000xf32, #tpu.memory_space<vmem_shared>> -> memref<1000000xf32, #tpu.memory_space<vmem_shared>>
    tpu.enqueue_indirect_dma source(%dma_start3A_112 : memref<1000000xf32, #tpu.memory_space<vmem_shared>>) target(%arg20 : memref<3200xf32, #tpu.memory_space<vmem>>) offsets(%arg12 : memref<3200xi32, #tpu.memory_space<vmem>>) semaphore(%arg36 : memref<!tpu.dma_semaphore, #tpu.memory_space<semaphore_mem>>)
    %dma_wait3A_113 = arith.constant 0 : i32
    %dma_wait3A_114 = tpu.memref_slice %arg5[%dma_wait3A_113] : memref<1000000xf32, #tpu.memory_space<vmem_shared>> -> memref<1000000xf32, #tpu.memory_space<vmem_shared>>
    tpu.wait_indirect_dma semaphore(%arg35 : memref<!tpu.dma_semaphore, #tpu.memory_space<semaphore_mem>>) src(%dma_wait3A_114 : memref<1000000xf32, #tpu.memory_space<vmem_shared>>) dst(%arg19 : memref<3200xf32, #tpu.memory_space<vmem>>)
    %add3A_115 = arith.constant 22400 : i32
    %add3A_116 = arith.addi %mul3A_4, %add3A_115 : i32
    %dma_start3A_117 = tpu.memref_slice %arg3[%add3A_116] : memref<3276800xi32, #tpu.memory_space<hbm>> -> memref<3200xi32, #tpu.memory_space<hbm>>
    %dma_start3A_118 = tpu.memref_slice %arg3[%add3A_116] : memref<3276800xi32, #tpu.memory_space<hbm>> -> memref<3200xi32, #tpu.memory_space<hbm>>
    tpu.enqueue_dma source(%dma_start3A_118 : memref<3200xi32, #tpu.memory_space<hbm>>) target(%arg13 : memref<3200xi32, #tpu.memory_space<vmem>>) target_semaphore(%arg29 : memref<!tpu.dma_semaphore, #tpu.memory_space<semaphore_mem>>)
    %scan3A_119 = arith.constant 0 : i32
    %scan3A_120 = arith.constant 200 : i32
    %scan3A_121 = arith.addi %scan3A_119, %scan3A_120 : i32
    %scan3A_122 = arith.constant 1 : i32
    scf.for %scan3A_674 = %scan3A_119 to %scan3A_121 step %scan3A_122  : i32 {
      %mul3A_675 = arith.constant 16 : i32
      %mul3A_676 = arith.muli %scan3A_674, %mul3A_675 : i32
      %get3A = arith.index_cast %mul3A_676 : i32 to index
      %get3A_677 = tpu.vector_load %arg19[%get3A] {strides = array<i32>} : memref<3200xf32, #tpu.memory_space<vmem>>, vector<16xf32>,
      %get3A_678 = vector.shape_cast %get3A_677 : vector<16xf32> to vector<16xf32>
      %gt3A = arith.constant 0.000000e+00 : f32
      %gt3A_679 = vector.broadcast %gt3A : f32 to vector<16xf32>
      %gt3A_680 = arith.cmpf ogt, %get3A_678, %gt3A_679 : vector<16xf32>
      %add3A_681 = arith.constant 1.000000e+00 : f32
      %add3A_682 = vector.broadcast %add3A_681 : f32 to vector<16xf32>
      %add3A_683 = arith.addf %get3A_678, %add3A_682 : vector<16xf32>
      %exp3A = math.exp %get3A_678 : vector<16xf32>
      %select_n3A = arith.select %gt3A_680, %add3A_683, %exp3A : vector<16xi1>, vector<16xf32>
      %mul3A_684 = arith.constant 16 : i32
      %mul3A_685 = arith.muli %scan3A_674, %mul3A_684 : i32
      %swap3A = arith.index_cast %mul3A_685 : i32 to index
      %swap3A_686 = tpu.vector_load %arg19[%swap3A] {strides = array<i32>} : memref<3200xf32, #tpu.memory_space<vmem>>, vector<16xf32>,
      %swap3A_687 = vector.shape_cast %swap3A_686 : vector<16xf32> to vector<16xf32>
      %swap3A_688 = vector.shape_cast %select_n3A : vector<16xf32> to vector<16xf32>
      tpu.vector_store %arg19[%swap3A], %swap3A_688 {strides = array<i32>} : memref<3200xf32, #tpu.memory_space<vmem>>, vector<16xf32>,
    }
    %scan3A_123 = arith.constant 200 : i32
    %add3A_124 = arith.constant 16000 : i32
    %add3A_125 = arith.addi %mul3A_4, %add3A_124 : i32
    %dma_start3A_126 = tpu.memref_slice %arg4[%add3A_125] : memref<3276800xf32, #tpu.memory_space<hbm>> -> memref<3200xf32, #tpu.memory_space<hbm>>
    %dma_start3A_127 = tpu.memref_slice %arg4[%add3A_125] : memref<3276800xf32, #tpu.memory_space<hbm>> -> memref<3200xf32, #tpu.memory_space<hbm>>
    tpu.enqueue_dma source(%arg19 : memref<3200xf32, #tpu.memory_space<vmem>>) target(%dma_start3A_127 : memref<3200xf32, #tpu.memory_space<hbm>>) target_semaphore(%arg43 : memref<!tpu.dma_semaphore, #tpu.memory_space<semaphore_mem>>)
    %dma_wait3A_128 = tpu.memref_slice %arg3[%add3A_116] : memref<3276800xi32, #tpu.memory_space<hbm>> -> memref<3200xi32, #tpu.memory_space<hbm>>
    %dma_wait3A_129 = tpu.memref_slice %arg3[%add3A_116] : memref<3276800xi32, #tpu.memory_space<hbm>> -> memref<3200xi32, #tpu.memory_space<hbm>>
    tpu.wait_dma2 semaphore(%arg29 : memref<!tpu.dma_semaphore, #tpu.memory_space<semaphore_mem>>) src(%dma_wait3A_129 : memref<3200xi32, #tpu.memory_space<hbm>>) dst(%arg13 : memref<3200xi32, #tpu.memory_space<vmem>>)
    %dma_start3A_130 = arith.constant 0 : i32
    %dma_start3A_131 = tpu.memref_slice %arg5[%dma_start3A_130] : memref<1000000xf32, #tpu.memory_space<vmem_shared>> -> memref<1000000xf32, #tpu.memory_space<vmem_shared>>
    tpu.enqueue_indirect_dma source(%dma_start3A_131 : memref<1000000xf32, #tpu.memory_space<vmem_shared>>) target(%arg21 : memref<3200xf32, #tpu.memory_space<vmem>>) offsets(%arg13 : memref<3200xi32, #tpu.memory_space<vmem>>) semaphore(%arg37 : memref<!tpu.dma_semaphore, #tpu.memory_space<semaphore_mem>>)
    %dma_wait3A_132 = arith.constant 0 : i32
    %dma_wait3A_133 = tpu.memref_slice %arg5[%dma_wait3A_132] : memref<1000000xf32, #tpu.memory_space<vmem_shared>> -> memref<1000000xf32, #tpu.memory_space<vmem_shared>>
    tpu.wait_indirect_dma semaphore(%arg36 : memref<!tpu.dma_semaphore, #tpu.memory_space<semaphore_mem>>) src(%dma_wait3A_133 : memref<1000000xf32, #tpu.memory_space<vmem_shared>>) dst(%arg20 : memref<3200xf32, #tpu.memory_space<vmem>>)
    %add3A_134 = arith.constant 25600 : i32
    %add3A_135 = arith.addi %mul3A_4, %add3A_134 : i32
    %dma_start3A_136 = tpu.memref_slice %arg3[%add3A_135] : memref<3276800xi32, #tpu.memory_space<hbm>> -> memref<3200xi32, #tpu.memory_space<hbm>>
    %dma_start3A_137 = tpu.memref_slice %arg3[%add3A_135] : memref<3276800xi32, #tpu.memory_space<hbm>> -> memref<3200xi32, #tpu.memory_space<hbm>>
    tpu.enqueue_dma source(%dma_start3A_137 : memref<3200xi32, #tpu.memory_space<hbm>>) target(%arg6 : memref<3200xi32, #tpu.memory_space<vmem>>) target_semaphore(%arg22 : memref<!tpu.dma_semaphore, #tpu.memory_space<semaphore_mem>>)
    %scan3A_138 = arith.constant 0 : i32
    %scan3A_139 = arith.constant 200 : i32
    %scan3A_140 = arith.addi %scan3A_138, %scan3A_139 : i32
    %scan3A_141 = arith.constant 1 : i32
    scf.for %scan3A_674 = %scan3A_138 to %scan3A_140 step %scan3A_141  : i32 {
      %mul3A_675 = arith.constant 16 : i32
      %mul3A_676 = arith.muli %scan3A_674, %mul3A_675 : i32
      %get3A = arith.index_cast %mul3A_676 : i32 to index
      %get3A_677 = tpu.vector_load %arg20[%get3A] {strides = array<i32>} : memref<3200xf32, #tpu.memory_space<vmem>>, vector<16xf32>,
      %get3A_678 = vector.shape_cast %get3A_677 : vector<16xf32> to vector<16xf32>
      %gt3A = arith.constant 0.000000e+00 : f32
      %gt3A_679 = vector.broadcast %gt3A : f32 to vector<16xf32>
      %gt3A_680 = arith.cmpf ogt, %get3A_678, %gt3A_679 : vector<16xf32>
      %add3A_681 = arith.constant 1.000000e+00 : f32
      %add3A_682 = vector.broadcast %add3A_681 : f32 to vector<16xf32>
      %add3A_683 = arith.addf %get3A_678, %add3A_682 : vector<16xf32>
      %exp3A = math.exp %get3A_678 : vector<16xf32>
      %select_n3A = arith.select %gt3A_680, %add3A_683, %exp3A : vector<16xi1>, vector<16xf32>
      %mul3A_684 = arith.constant 16 : i32
      %mul3A_685 = arith.muli %scan3A_674, %mul3A_684 : i32
      %swap3A = arith.index_cast %mul3A_685 : i32 to index
      %swap3A_686 = tpu.vector_load %arg20[%swap3A] {strides = array<i32>} : memref<3200xf32, #tpu.memory_space<vmem>>, vector<16xf32>,
      %swap3A_687 = vector.shape_cast %swap3A_686 : vector<16xf32> to vector<16xf32>
      %swap3A_688 = vector.shape_cast %select_n3A : vector<16xf32> to vector<16xf32>
      tpu.vector_store %arg20[%swap3A], %swap3A_688 {strides = array<i32>} : memref<3200xf32, #tpu.memory_space<vmem>>, vector<16xf32>,
    }
    %scan3A_142 = arith.constant 200 : i32
    %add3A_143 = arith.constant 19200 : i32
    %add3A_144 = arith.addi %mul3A_4, %add3A_143 : i32
    %dma_start3A_145 = tpu.memref_slice %arg4[%add3A_144] : memref<3276800xf32, #tpu.memory_space<hbm>> -> memref<3200xf32, #tpu.memory_space<hbm>>
    %dma_start3A_146 = tpu.memref_slice %arg4[%add3A_144] : memref<3276800xf32, #tpu.memory_space<hbm>> -> memref<3200xf32, #tpu.memory_space<hbm>>
    tpu.enqueue_dma source(%arg20 : memref<3200xf32, #tpu.memory_space<vmem>>) target(%dma_start3A_146 : memref<3200xf32, #tpu.memory_space<hbm>>) target_semaphore(%arg44 : memref<!tpu.dma_semaphore, #tpu.memory_space<semaphore_mem>>)
    %dma_wait3A_147 = tpu.memref_slice %arg3[%add3A_135] : memref<3276800xi32, #tpu.memory_space<hbm>> -> memref<3200xi32, #tpu.memory_space<hbm>>
    %dma_wait3A_148 = tpu.memref_slice %arg3[%add3A_135] : memref<3276800xi32, #tpu.memory_space<hbm>> -> memref<3200xi32, #tpu.memory_space<hbm>>
    tpu.wait_dma2 semaphore(%arg22 : memref<!tpu.dma_semaphore, #tpu.memory_space<semaphore_mem>>) src(%dma_wait3A_148 : memref<3200xi32, #tpu.memory_space<hbm>>) dst(%arg6 : memref<3200xi32, #tpu.memory_space<vmem>>)
    %dma_wait3A_149 = tpu.memref_slice %arg4[%add3A_30] : memref<3276800xf32, #tpu.memory_space<hbm>> -> memref<3200xf32, #tpu.memory_space<hbm>>
    %dma_wait3A_150 = tpu.memref_slice %arg4[%add3A_30] : memref<3276800xf32, #tpu.memory_space<hbm>> -> memref<3200xf32, #tpu.memory_space<hbm>>
    tpu.wait_dma2 semaphore(%arg38 : memref<!tpu.dma_semaphore, #tpu.memory_space<semaphore_mem>>) src(%arg14 : memref<3200xf32, #tpu.memory_space<vmem>>) dst(%dma_wait3A_150 : memref<3200xf32, #tpu.memory_space<hbm>>)
    %dma_start3A_151 = arith.constant 0 : i32
    %dma_start3A_152 = tpu.memref_slice %arg5[%dma_start3A_151] : memref<1000000xf32, #tpu.memory_space<vmem_shared>> -> memref<1000000xf32, #tpu.memory_space<vmem_shared>>
    tpu.enqueue_indirect_dma source(%dma_start3A_152 : memref<1000000xf32, #tpu.memory_space<vmem_shared>>) target(%arg14 : memref<3200xf32, #tpu.memory_space<vmem>>) offsets(%arg6 : memref<3200xi32, #tpu.memory_space<vmem>>) semaphore(%arg30 : memref<!tpu.dma_semaphore, #tpu.memory_space<semaphore_mem>>)
    %dma_wait3A_153 = arith.constant 0 : i32
    %dma_wait3A_154 = tpu.memref_slice %arg5[%dma_wait3A_153] : memref<1000000xf32, #tpu.memory_space<vmem_shared>> -> memref<1000000xf32, #tpu.memory_space<vmem_shared>>
    tpu.wait_indirect_dma semaphore(%arg37 : memref<!tpu.dma_semaphore, #tpu.memory_space<semaphore_mem>>) src(%dma_wait3A_154 : memref<1000000xf32, #tpu.memory_space<vmem_shared>>) dst(%arg21 : memref<3200xf32, #tpu.memory_space<vmem>>)
    %add3A_155 = arith.constant 28800 : i32
    %add3A_156 = arith.addi %mul3A_4, %add3A_155 : i32
    %dma_start3A_157 = tpu.memref_slice %arg3[%add3A_156] : memref<3276800xi32, #tpu.memory_space<hbm>> -> memref<3200xi32, #tpu.memory_space<hbm>>
    %dma_start3A_158 = tpu.memref_slice %arg3[%add3A_156] : memref<3276800xi32, #tpu.memory_space<hbm>> -> memref<3200xi32, #tpu.memory_space<hbm>>
    tpu.enqueue_dma source(%dma_start3A_158 : memref<3200xi32, #tpu.memory_space<hbm>>) target(%arg7 : memref<3200xi32, #tpu.memory_space<vmem>>) target_semaphore(%arg23 : memref<!tpu.dma_semaphore, #tpu.memory_space<semaphore_mem>>)
    %scan3A_159 = arith.constant 0 : i32
    %scan3A_160 = arith.constant 200 : i32
    %scan3A_161 = arith.addi %scan3A_159, %scan3A_160 : i32
    %scan3A_162 = arith.constant 1 : i32
    scf.for %scan3A_674 = %scan3A_159 to %scan3A_161 step %scan3A_162  : i32 {
      %mul3A_675 = arith.constant 16 : i32
      %mul3A_676 = arith.muli %scan3A_674, %mul3A_675 : i32
      %get3A = arith.index_cast %mul3A_676 : i32 to index
      %get3A_677 = tpu.vector_load %arg21[%get3A] {strides = array<i32>} : memref<3200xf32, #tpu.memory_space<vmem>>, vector<16xf32>,
      %get3A_678 = vector.shape_cast %get3A_677 : vector<16xf32> to vector<16xf32>
      %gt3A = arith.constant 0.000000e+00 : f32
      %gt3A_679 = vector.broadcast %gt3A : f32 to vector<16xf32>
      %gt3A_680 = arith.cmpf ogt, %get3A_678, %gt3A_679 : vector<16xf32>
      %add3A_681 = arith.constant 1.000000e+00 : f32
      %add3A_682 = vector.broadcast %add3A_681 : f32 to vector<16xf32>
      %add3A_683 = arith.addf %get3A_678, %add3A_682 : vector<16xf32>
      %exp3A = math.exp %get3A_678 : vector<16xf32>
      %select_n3A = arith.select %gt3A_680, %add3A_683, %exp3A : vector<16xi1>, vector<16xf32>
      %mul3A_684 = arith.constant 16 : i32
      %mul3A_685 = arith.muli %scan3A_674, %mul3A_684 : i32
      %swap3A = arith.index_cast %mul3A_685 : i32 to index
      %swap3A_686 = tpu.vector_load %arg21[%swap3A] {strides = array<i32>} : memref<3200xf32, #tpu.memory_space<vmem>>, vector<16xf32>,
      %swap3A_687 = vector.shape_cast %swap3A_686 : vector<16xf32> to vector<16xf32>
      %swap3A_688 = vector.shape_cast %select_n3A : vector<16xf32> to vector<16xf32>
      tpu.vector_store %arg21[%swap3A], %swap3A_688 {strides = array<i32>} : memref<3200xf32, #tpu.memory_space<vmem>>, vector<16xf32>,
    }
    %scan3A_163 = arith.constant 200 : i32
    %add3A_164 = arith.constant 22400 : i32
    %add3A_165 = arith.addi %mul3A_4, %add3A_164 : i32
    %dma_start3A_166 = tpu.memref_slice %arg4[%add3A_165] : memref<3276800xf32, #tpu.memory_space<hbm>> -> memref<3200xf32, #tpu.memory_space<hbm>>
    %dma_start3A_167 = tpu.memref_slice %arg4[%add3A_165] : memref<3276800xf32, #tpu.memory_space<hbm>> -> memref<3200xf32, #tpu.memory_space<hbm>>
    tpu.enqueue_dma source(%arg21 : memref<3200xf32, #tpu.memory_space<vmem>>) target(%dma_start3A_167 : memref<3200xf32, #tpu.memory_space<hbm>>) target_semaphore(%arg45 : memref<!tpu.dma_semaphore, #tpu.memory_space<semaphore_mem>>)
    %dma_wait3A_168 = tpu.memref_slice %arg3[%add3A_156] : memref<3276800xi32, #tpu.memory_space<hbm>> -> memref<3200xi32, #tpu.memory_space<hbm>>
    %dma_wait3A_169 = tpu.memref_slice %arg3[%add3A_156] : memref<3276800xi32, #tpu.memory_space<hbm>> -> memref<3200xi32, #tpu.memory_space<hbm>>
    tpu.wait_dma2 semaphore(%arg23 : memref<!tpu.dma_semaphore, #tpu.memory_space<semaphore_mem>>) src(%dma_wait3A_169 : memref<3200xi32, #tpu.memory_space<hbm>>) dst(%arg7 : memref<3200xi32, #tpu.memory_space<vmem>>)
    %dma_wait3A_170 = tpu.memref_slice %arg4[%add3A_49] : memref<3276800xf32, #tpu.memory_space<hbm>> -> memref<3200xf32, #tpu.memory_space<hbm>>
    %dma_wait3A_171 = tpu.memref_slice %arg4[%add3A_49] : memref<3276800xf32, #tpu.memory_space<hbm>> -> memref<3200xf32, #tpu.memory_space<hbm>>
    tpu.wait_dma2 semaphore(%arg39 : memref<!tpu.dma_semaphore, #tpu.memory_space<semaphore_mem>>) src(%arg15 : memref<3200xf32, #tpu.memory_space<vmem>>) dst(%dma_wait3A_171 : memref<3200xf32, #tpu.memory_space<hbm>>)
    %dma_start3A_172 = arith.constant 0 : i32
    %dma_start3A_173 = tpu.memref_slice %arg5[%dma_start3A_172] : memref<1000000xf32, #tpu.memory_space<vmem_shared>> -> memref<1000000xf32, #tpu.memory_space<vmem_shared>>
    tpu.enqueue_indirect_dma source(%dma_start3A_173 : memref<1000000xf32, #tpu.memory_space<vmem_shared>>) target(%arg15 : memref<3200xf32, #tpu.memory_space<vmem>>) offsets(%arg7 : memref<3200xi32, #tpu.memory_space<vmem>>) semaphore(%arg31 : memref<!tpu.dma_semaphore, #tpu.memory_space<semaphore_mem>>)
    %dma_wait3A_174 = arith.constant 0 : i32
    %dma_wait3A_175 = tpu.memref_slice %arg5[%dma_wait3A_174] : memref<1000000xf32, #tpu.memory_space<vmem_shared>> -> memref<1000000xf32, #tpu.memory_space<vmem_shared>>
    tpu.wait_indirect_dma semaphore(%arg30 : memref<!tpu.dma_semaphore, #tpu.memory_space<semaphore_mem>>) src(%dma_wait3A_175 : memref<1000000xf32, #tpu.memory_space<vmem_shared>>) dst(%arg14 : memref<3200xf32, #tpu.memory_space<vmem>>)
    %add3A_176 = arith.constant 32000 : i32
    %add3A_177 = arith.addi %mul3A_4, %add3A_176 : i32
    %dma_start3A_178 = tpu.memref_slice %arg3[%add3A_177] : memref<3276800xi32, #tpu.memory_space<hbm>> -> memref<3200xi32, #tpu.memory_space<hbm>>
    %dma_start3A_179 = tpu.memref_slice %arg3[%add3A_177] : memref<3276800xi32, #tpu.memory_space<hbm>> -> memref<3200xi32, #tpu.memory_space<hbm>>
    tpu.enqueue_dma source(%dma_start3A_179 : memref<3200xi32, #tpu.memory_space<hbm>>) target(%arg8 : memref<3200xi32, #tpu.memory_space<vmem>>) target_semaphore(%arg24 : memref<!tpu.dma_semaphore, #tpu.memory_space<semaphore_mem>>)
    %scan3A_180 = arith.constant 0 : i32
    %scan3A_181 = arith.constant 200 : i32
    %scan3A_182 = arith.addi %scan3A_180, %scan3A_181 : i32
    %scan3A_183 = arith.constant 1 : i32
    scf.for %scan3A_674 = %scan3A_180 to %scan3A_182 step %scan3A_183  : i32 {
      %mul3A_675 = arith.constant 16 : i32
      %mul3A_676 = arith.muli %scan3A_674, %mul3A_675 : i32
      %get3A = arith.index_cast %mul3A_676 : i32 to index
      %get3A_677 = tpu.vector_load %arg14[%get3A] {strides = array<i32>} : memref<3200xf32, #tpu.memory_space<vmem>>, vector<16xf32>,
      %get3A_678 = vector.shape_cast %get3A_677 : vector<16xf32> to vector<16xf32>
      %gt3A = arith.constant 0.000000e+00 : f32
      %gt3A_679 = vector.broadcast %gt3A : f32 to vector<16xf32>
      %gt3A_680 = arith.cmpf ogt, %get3A_678, %gt3A_679 : vector<16xf32>
      %add3A_681 = arith.constant 1.000000e+00 : f32
      %add3A_682 = vector.broadcast %add3A_681 : f32 to vector<16xf32>
      %add3A_683 = arith.addf %get3A_678, %add3A_682 : vector<16xf32>
      %exp3A = math.exp %get3A_678 : vector<16xf32>
      %select_n3A = arith.select %gt3A_680, %add3A_683, %exp3A : vector<16xi1>, vector<16xf32>
      %mul3A_684 = arith.constant 16 : i32
      %mul3A_685 = arith.muli %scan3A_674, %mul3A_684 : i32
      %swap3A = arith.index_cast %mul3A_685 : i32 to index
      %swap3A_686 = tpu.vector_load %arg14[%swap3A] {strides = array<i32>} : memref<3200xf32, #tpu.memory_space<vmem>>, vector<16xf32>,
      %swap3A_687 = vector.shape_cast %swap3A_686 : vector<16xf32> to vector<16xf32>
      %swap3A_688 = vector.shape_cast %select_n3A : vector<16xf32> to vector<16xf32>
      tpu.vector_store %arg14[%swap3A], %swap3A_688 {strides = array<i32>} : memref<3200xf32, #tpu.memory_space<vmem>>, vector<16xf32>,
    }
    %scan3A_184 = arith.constant 200 : i32
    %add3A_185 = arith.constant 25600 : i32
    %add3A_186 = arith.addi %mul3A_4, %add3A_185 : i32
    %dma_start3A_187 = tpu.memref_slice %arg4[%add3A_186] : memref<3276800xf32, #tpu.memory_space<hbm>> -> memref<3200xf32, #tpu.memory_space<hbm>>
    %dma_start3A_188 = tpu.memref_slice %arg4[%add3A_186] : memref<3276800xf32, #tpu.memory_space<hbm>> -> memref<3200xf32, #tpu.memory_space<hbm>>
    tpu.enqueue_dma source(%arg14 : memref<3200xf32, #tpu.memory_space<vmem>>) target(%dma_start3A_188 : memref<3200xf32, #tpu.memory_space<hbm>>) target_semaphore(%arg38 : memref<!tpu.dma_semaphore, #tpu.memory_space<semaphore_mem>>)
    %dma_wait3A_189 = tpu.memref_slice %arg3[%add3A_177] : memref<3276800xi32, #tpu.memory_space<hbm>> -> memref<3200xi32, #tpu.memory_space<hbm>>
    %dma_wait3A_190 = tpu.memref_slice %arg3[%add3A_177] : memref<3276800xi32, #tpu.memory_space<hbm>> -> memref<3200xi32, #tpu.memory_space<hbm>>
    tpu.wait_dma2 semaphore(%arg24 : memref<!tpu.dma_semaphore, #tpu.memory_space<semaphore_mem>>) src(%dma_wait3A_190 : memref<3200xi32, #tpu.memory_space<hbm>>) dst(%arg8 : memref<3200xi32, #tpu.memory_space<vmem>>)
    %dma_wait3A_191 = tpu.memref_slice %arg4[%add3A_68] : memref<3276800xf32, #tpu.memory_space<hbm>> -> memref<3200xf32, #tpu.memory_space<hbm>>
    %dma_wait3A_192 = tpu.memref_slice %arg4[%add3A_68] : memref<3276800xf32, #tpu.memory_space<hbm>> -> memref<3200xf32, #tpu.memory_space<hbm>>
    tpu.wait_dma2 semaphore(%arg40 : memref<!tpu.dma_semaphore, #tpu.memory_space<semaphore_mem>>) src(%arg16 : memref<3200xf32, #tpu.memory_space<vmem>>) dst(%dma_wait3A_192 : memref<3200xf32, #tpu.memory_space<hbm>>)
    %dma_start3A_193 = arith.constant 0 : i32
    %dma_start3A_194 = tpu.memref_slice %arg5[%dma_start3A_193] : memref<1000000xf32, #tpu.memory_space<vmem_shared>> -> memref<1000000xf32, #tpu.memory_space<vmem_shared>>
    tpu.enqueue_indirect_dma source(%dma_start3A_194 : memref<1000000xf32, #tpu.memory_space<vmem_shared>>) target(%arg16 : memref<3200xf32, #tpu.memory_space<vmem>>) offsets(%arg8 : memref<3200xi32, #tpu.memory_space<vmem>>) semaphore(%arg32 : memref<!tpu.dma_semaphore, #tpu.memory_space<semaphore_mem>>)
    %dma_wait3A_195 = arith.constant 0 : i32
    %dma_wait3A_196 = tpu.memref_slice %arg5[%dma_wait3A_195] : memref<1000000xf32, #tpu.memory_space<vmem_shared>> -> memref<1000000xf32, #tpu.memory_space<vmem_shared>>
    tpu.wait_indirect_dma semaphore(%arg31 : memref<!tpu.dma_semaphore, #tpu.memory_space<semaphore_mem>>) src(%dma_wait3A_196 : memref<1000000xf32, #tpu.memory_space<vmem_shared>>) dst(%arg15 : memref<3200xf32, #tpu.memory_space<vmem>>)
    %add3A_197 = arith.constant 35200 : i32
    %add3A_198 = arith.addi %mul3A_4, %add3A_197 : i32
    %dma_start3A_199 = tpu.memref_slice %arg3[%add3A_198] : memref<3276800xi32, #tpu.memory_space<hbm>> -> memref<3200xi32, #tpu.memory_space<hbm>>
    %dma_start3A_200 = tpu.memref_slice %arg3[%add3A_198] : memref<3276800xi32, #tpu.memory_space<hbm>> -> memref<3200xi32, #tpu.memory_space<hbm>>
    tpu.enqueue_dma source(%dma_start3A_200 : memref<3200xi32, #tpu.memory_space<hbm>>) target(%arg9 : memref<3200xi32, #tpu.memory_space<vmem>>) target_semaphore(%arg25 : memref<!tpu.dma_semaphore, #tpu.memory_space<semaphore_mem>>)
    %scan3A_201 = arith.constant 0 : i32
    %scan3A_202 = arith.constant 200 : i32
    %scan3A_203 = arith.addi %scan3A_201, %scan3A_202 : i32
    %scan3A_204 = arith.constant 1 : i32
    scf.for %scan3A_674 = %scan3A_201 to %scan3A_203 step %scan3A_204  : i32 {
      %mul3A_675 = arith.constant 16 : i32
      %mul3A_676 = arith.muli %scan3A_674, %mul3A_675 : i32
      %get3A = arith.index_cast %mul3A_676 : i32 to index
      %get3A_677 = tpu.vector_load %arg15[%get3A] {strides = array<i32>} : memref<3200xf32, #tpu.memory_space<vmem>>, vector<16xf32>,
      %get3A_678 = vector.shape_cast %get3A_677 : vector<16xf32> to vector<16xf32>
      %gt3A = arith.constant 0.000000e+00 : f32
      %gt3A_679 = vector.broadcast %gt3A : f32 to vector<16xf32>
      %gt3A_680 = arith.cmpf ogt, %get3A_678, %gt3A_679 : vector<16xf32>
      %add3A_681 = arith.constant 1.000000e+00 : f32
      %add3A_682 = vector.broadcast %add3A_681 : f32 to vector<16xf32>
      %add3A_683 = arith.addf %get3A_678, %add3A_682 : vector<16xf32>
      %exp3A = math.exp %get3A_678 : vector<16xf32>
      %select_n3A = arith.select %gt3A_680, %add3A_683, %exp3A : vector<16xi1>, vector<16xf32>
      %mul3A_684 = arith.constant 16 : i32
      %mul3A_685 = arith.muli %scan3A_674, %mul3A_684 : i32
      %swap3A = arith.index_cast %mul3A_685 : i32 to index
      %swap3A_686 = tpu.vector_load %arg15[%swap3A] {strides = array<i32>} : memref<3200xf32, #tpu.memory_space<vmem>>, vector<16xf32>,
      %swap3A_687 = vector.shape_cast %swap3A_686 : vector<16xf32> to vector<16xf32>
      %swap3A_688 = vector.shape_cast %select_n3A : vector<16xf32> to vector<16xf32>
      tpu.vector_store %arg15[%swap3A], %swap3A_688 {strides = array<i32>} : memref<3200xf32, #tpu.memory_space<vmem>>, vector<16xf32>,
    }
    %scan3A_205 = arith.constant 200 : i32
    %add3A_206 = arith.constant 28800 : i32
    %add3A_207 = arith.addi %mul3A_4, %add3A_206 : i32
    %dma_start3A_208 = tpu.memref_slice %arg4[%add3A_207] : memref<3276800xf32, #tpu.memory_space<hbm>> -> memref<3200xf32, #tpu.memory_space<hbm>>
    %dma_start3A_209 = tpu.memref_slice %arg4[%add3A_207] : memref<3276800xf32, #tpu.memory_space<hbm>> -> memref<3200xf32, #tpu.memory_space<hbm>>
    tpu.enqueue_dma source(%arg15 : memref<3200xf32, #tpu.memory_space<vmem>>) target(%dma_start3A_209 : memref<3200xf32, #tpu.memory_space<hbm>>) target_semaphore(%arg39 : memref<!tpu.dma_semaphore, #tpu.memory_space<semaphore_mem>>)
    %dma_wait3A_210 = tpu.memref_slice %arg3[%add3A_198] : memref<3276800xi32, #tpu.memory_space<hbm>> -> memref<3200xi32, #tpu.memory_space<hbm>>
    %dma_wait3A_211 = tpu.memref_slice %arg3[%add3A_198] : memref<3276800xi32, #tpu.memory_space<hbm>> -> memref<3200xi32, #tpu.memory_space<hbm>>
    tpu.wait_dma2 semaphore(%arg25 : memref<!tpu.dma_semaphore, #tpu.memory_space<semaphore_mem>>) src(%dma_wait3A_211 : memref<3200xi32, #tpu.memory_space<hbm>>) dst(%arg9 : memref<3200xi32, #tpu.memory_space<vmem>>)
    %dma_wait3A_212 = tpu.memref_slice %arg4[%add3A_87] : memref<3276800xf32, #tpu.memory_space<hbm>> -> memref<3200xf32, #tpu.memory_space<hbm>>
    %dma_wait3A_213 = tpu.memref_slice %arg4[%add3A_87] : memref<3276800xf32, #tpu.memory_space<hbm>> -> memref<3200xf32, #tpu.memory_space<hbm>>
    tpu.wait_dma2 semaphore(%arg41 : memref<!tpu.dma_semaphore, #tpu.memory_space<semaphore_mem>>) src(%arg17 : memref<3200xf32, #tpu.memory_space<vmem>>) dst(%dma_wait3A_213 : memref<3200xf32, #tpu.memory_space<hbm>>)
    %dma_start3A_214 = arith.constant 0 : i32
    %dma_start3A_215 = tpu.memref_slice %arg5[%dma_start3A_214] : memref<1000000xf32, #tpu.memory_space<vmem_shared>> -> memref<1000000xf32, #tpu.memory_space<vmem_shared>>
    tpu.enqueue_indirect_dma source(%dma_start3A_215 : memref<1000000xf32, #tpu.memory_space<vmem_shared>>) target(%arg17 : memref<3200xf32, #tpu.memory_space<vmem>>) offsets(%arg9 : memref<3200xi32, #tpu.memory_space<vmem>>) semaphore(%arg33 : memref<!tpu.dma_semaphore, #tpu.memory_space<semaphore_mem>>)
    %dma_wait3A_216 = arith.constant 0 : i32
    %dma_wait3A_217 = tpu.memref_slice %arg5[%dma_wait3A_216] : memref<1000000xf32, #tpu.memory_space<vmem_shared>> -> memref<1000000xf32, #tpu.memory_space<vmem_shared>>
    tpu.wait_indirect_dma semaphore(%arg32 : memref<!tpu.dma_semaphore, #tpu.memory_space<semaphore_mem>>) src(%dma_wait3A_217 : memref<1000000xf32, #tpu.memory_space<vmem_shared>>) dst(%arg16 : memref<3200xf32, #tpu.memory_space<vmem>>)
    %add3A_218 = arith.constant 38400 : i32
    %add3A_219 = arith.addi %mul3A_4, %add3A_218 : i32
    %dma_start3A_220 = tpu.memref_slice %arg3[%add3A_219] : memref<3276800xi32, #tpu.memory_space<hbm>> -> memref<3200xi32, #tpu.memory_space<hbm>>
    %dma_start3A_221 = tpu.memref_slice %arg3[%add3A_219] : memref<3276800xi32, #tpu.memory_space<hbm>> -> memref<3200xi32, #tpu.memory_space<hbm>>
    tpu.enqueue_dma source(%dma_start3A_221 : memref<3200xi32, #tpu.memory_space<hbm>>) target(%arg10 : memref<3200xi32, #tpu.memory_space<vmem>>) target_semaphore(%arg26 : memref<!tpu.dma_semaphore, #tpu.memory_space<semaphore_mem>>)
    %scan3A_222 = arith.constant 0 : i32
    %scan3A_223 = arith.constant 200 : i32
    %scan3A_224 = arith.addi %scan3A_222, %scan3A_223 : i32
    %scan3A_225 = arith.constant 1 : i32
    scf.for %scan3A_674 = %scan3A_222 to %scan3A_224 step %scan3A_225  : i32 {
      %mul3A_675 = arith.constant 16 : i32
      %mul3A_676 = arith.muli %scan3A_674, %mul3A_675 : i32
      %get3A = arith.index_cast %mul3A_676 : i32 to index
      %get3A_677 = tpu.vector_load %arg16[%get3A] {strides = array<i32>} : memref<3200xf32, #tpu.memory_space<vmem>>, vector<16xf32>,
      %get3A_678 = vector.shape_cast %get3A_677 : vector<16xf32> to vector<16xf32>
      %gt3A = arith.constant 0.000000e+00 : f32
      %gt3A_679 = vector.broadcast %gt3A : f32 to vector<16xf32>
      %gt3A_680 = arith.cmpf ogt, %get3A_678, %gt3A_679 : vector<16xf32>
      %add3A_681 = arith.constant 1.000000e+00 : f32
      %add3A_682 = vector.broadcast %add3A_681 : f32 to vector<16xf32>
      %add3A_683 = arith.addf %get3A_678, %add3A_682 : vector<16xf32>
      %exp3A = math.exp %get3A_678 : vector<16xf32>
      %select_n3A = arith.select %gt3A_680, %add3A_683, %exp3A : vector<16xi1>, vector<16xf32>
      %mul3A_684 = arith.constant 16 : i32
      %mul3A_685 = arith.muli %scan3A_674, %mul3A_684 : i32
      %swap3A = arith.index_cast %mul3A_685 : i32 to index
      %swap3A_686 = tpu.vector_load %arg16[%swap3A] {strides = array<i32>} : memref<3200xf32, #tpu.memory_space<vmem>>, vector<16xf32>,
      %swap3A_687 = vector.shape_cast %swap3A_686 : vector<16xf32> to vector<16xf32>
      %swap3A_688 = vector.shape_cast %select_n3A : vector<16xf32> to vector<16xf32>
      tpu.vector_store %arg16[%swap3A], %swap3A_688 {strides = array<i32>} : memref<3200xf32, #tpu.memory_space<vmem>>, vector<16xf32>,
    }
    %scan3A_226 = arith.constant 200 : i32
    %add3A_227 = arith.constant 32000 : i32
    %add3A_228 = arith.addi %mul3A_4, %add3A_227 : i32
    %dma_start3A_229 = tpu.memref_slice %arg4[%add3A_228] : memref<3276800xf32, #tpu.memory_space<hbm>> -> memref<3200xf32, #tpu.memory_space<hbm>>
    %dma_start3A_230 = tpu.memref_slice %arg4[%add3A_228] : memref<3276800xf32, #tpu.memory_space<hbm>> -> memref<3200xf32, #tpu.memory_space<hbm>>
    tpu.enqueue_dma source(%arg16 : memref<3200xf32, #tpu.memory_space<vmem>>) target(%dma_start3A_230 : memref<3200xf32, #tpu.memory_space<hbm>>) target_semaphore(%arg40 : memref<!tpu.dma_semaphore, #tpu.memory_space<semaphore_mem>>)
    %dma_wait3A_231 = tpu.memref_slice %arg3[%add3A_219] : memref<3276800xi32, #tpu.memory_space<hbm>> -> memref<3200xi32, #tpu.memory_space<hbm>>
    %dma_wait3A_232 = tpu.memref_slice %arg3[%add3A_219] : memref<3276800xi32, #tpu.memory_space<hbm>> -> memref<3200xi32, #tpu.memory_space<hbm>>
    tpu.wait_dma2 semaphore(%arg26 : memref<!tpu.dma_semaphore, #tpu.memory_space<semaphore_mem>>) src(%dma_wait3A_232 : memref<3200xi32, #tpu.memory_space<hbm>>) dst(%arg10 : memref<3200xi32, #tpu.memory_space<vmem>>)
    %dma_wait3A_233 = tpu.memref_slice %arg4[%add3A_106] : memref<3276800xf32, #tpu.memory_space<hbm>> -> memref<3200xf32, #tpu.memory_space<hbm>>
    %dma_wait3A_234 = tpu.memref_slice %arg4[%add3A_106] : memref<3276800xf32, #tpu.memory_space<hbm>> -> memref<3200xf32, #tpu.memory_space<hbm>>
    tpu.wait_dma2 semaphore(%arg42 : memref<!tpu.dma_semaphore, #tpu.memory_space<semaphore_mem>>) src(%arg18 : memref<3200xf32, #tpu.memory_space<vmem>>) dst(%dma_wait3A_234 : memref<3200xf32, #tpu.memory_space<hbm>>)
    %dma_start3A_235 = arith.constant 0 : i32
    %dma_start3A_236 = tpu.memref_slice %arg5[%dma_start3A_235] : memref<1000000xf32, #tpu.memory_space<vmem_shared>> -> memref<1000000xf32, #tpu.memory_space<vmem_shared>>
    tpu.enqueue_indirect_dma source(%dma_start3A_236 : memref<1000000xf32, #tpu.memory_space<vmem_shared>>) target(%arg18 : memref<3200xf32, #tpu.memory_space<vmem>>) offsets(%arg10 : memref<3200xi32, #tpu.memory_space<vmem>>) semaphore(%arg34 : memref<!tpu.dma_semaphore, #tpu.memory_space<semaphore_mem>>)
    %dma_wait3A_237 = arith.constant 0 : i32
    %dma_wait3A_238 = tpu.memref_slice %arg5[%dma_wait3A_237] : memref<1000000xf32, #tpu.memory_space<vmem_shared>> -> memref<1000000xf32, #tpu.memory_space<vmem_shared>>
    tpu.wait_indirect_dma semaphore(%arg33 : memref<!tpu.dma_semaphore, #tpu.memory_space<semaphore_mem>>) src(%dma_wait3A_238 : memref<1000000xf32, #tpu.memory_space<vmem_shared>>) dst(%arg17 : memref<3200xf32, #tpu.memory_space<vmem>>)
    %add3A_239 = arith.constant 41600 : i32
    %add3A_240 = arith.addi %mul3A_4, %add3A_239 : i32
    %dma_start3A_241 = tpu.memref_slice %arg3[%add3A_240] : memref<3276800xi32, #tpu.memory_space<hbm>> -> memref<3200xi32, #tpu.memory_space<hbm>>
    %dma_start3A_242 = tpu.memref_slice %arg3[%add3A_240] : memref<3276800xi32, #tpu.memory_space<hbm>> -> memref<3200xi32, #tpu.memory_space<hbm>>
    tpu.enqueue_dma source(%dma_start3A_242 : memref<3200xi32, #tpu.memory_space<hbm>>) target(%arg11 : memref<3200xi32, #tpu.memory_space<vmem>>) target_semaphore(%arg27 : memref<!tpu.dma_semaphore, #tpu.memory_space<semaphore_mem>>)
    %scan3A_243 = arith.constant 0 : i32
    %scan3A_244 = arith.constant 200 : i32
    %scan3A_245 = arith.addi %scan3A_243, %scan3A_244 : i32
    %scan3A_246 = arith.constant 1 : i32
    scf.for %scan3A_674 = %scan3A_243 to %scan3A_245 step %scan3A_246  : i32 {
      %mul3A_675 = arith.constant 16 : i32
      %mul3A_676 = arith.muli %scan3A_674, %mul3A_675 : i32
      %get3A = arith.index_cast %mul3A_676 : i32 to index
      %get3A_677 = tpu.vector_load %arg17[%get3A] {strides = array<i32>} : memref<3200xf32, #tpu.memory_space<vmem>>, vector<16xf32>,
      %get3A_678 = vector.shape_cast %get3A_677 : vector<16xf32> to vector<16xf32>
      %gt3A = arith.constant 0.000000e+00 : f32
      %gt3A_679 = vector.broadcast %gt3A : f32 to vector<16xf32>
      %gt3A_680 = arith.cmpf ogt, %get3A_678, %gt3A_679 : vector<16xf32>
      %add3A_681 = arith.constant 1.000000e+00 : f32
      %add3A_682 = vector.broadcast %add3A_681 : f32 to vector<16xf32>
      %add3A_683 = arith.addf %get3A_678, %add3A_682 : vector<16xf32>
      %exp3A = math.exp %get3A_678 : vector<16xf32>
      %select_n3A = arith.select %gt3A_680, %add3A_683, %exp3A : vector<16xi1>, vector<16xf32>
      %mul3A_684 = arith.constant 16 : i32
      %mul3A_685 = arith.muli %scan3A_674, %mul3A_684 : i32
      %swap3A = arith.index_cast %mul3A_685 : i32 to index
      %swap3A_686 = tpu.vector_load %arg17[%swap3A] {strides = array<i32>} : memref<3200xf32, #tpu.memory_space<vmem>>, vector<16xf32>,
      %swap3A_687 = vector.shape_cast %swap3A_686 : vector<16xf32> to vector<16xf32>
      %swap3A_688 = vector.shape_cast %select_n3A : vector<16xf32> to vector<16xf32>
      tpu.vector_store %arg17[%swap3A], %swap3A_688 {strides = array<i32>} : memref<3200xf32, #tpu.memory_space<vmem>>, vector<16xf32>,
    }
    %scan3A_247 = arith.constant 200 : i32
    %add3A_248 = arith.constant 35200 : i32
    %add3A_249 = arith.addi %mul3A_4, %add3A_248 : i32
    %dma_start3A_250 = tpu.memref_slice %arg4[%add3A_249] : memref<3276800xf32, #tpu.memory_space<hbm>> -> memref<3200xf32, #tpu.memory_space<hbm>>
    %dma_start3A_251 = tpu.memref_slice %arg4[%add3A_249] : memref<3276800xf32, #tpu.memory_space<hbm>> -> memref<3200xf32, #tpu.memory_space<hbm>>
    tpu.enqueue_dma source(%arg17 : memref<3200xf32, #tpu.memory_space<vmem>>) target(%dma_start3A_251 : memref<3200xf32, #tpu.memory_space<hbm>>) target_semaphore(%arg41 : memref<!tpu.dma_semaphore, #tpu.memory_space<semaphore_mem>>)
    %dma_wait3A_252 = tpu.memref_slice %arg3[%add3A_240] : memref<3276800xi32, #tpu.memory_space<hbm>> -> memref<3200xi32, #tpu.memory_space<hbm>>
    %dma_wait3A_253 = tpu.memref_slice %arg3[%add3A_240] : memref<3276800xi32, #tpu.memory_space<hbm>> -> memref<3200xi32, #tpu.memory_space<hbm>>
    tpu.wait_dma2 semaphore(%arg27 : memref<!tpu.dma_semaphore, #tpu.memory_space<semaphore_mem>>) src(%dma_wait3A_253 : memref<3200xi32, #tpu.memory_space<hbm>>) dst(%arg11 : memref<3200xi32, #tpu.memory_space<vmem>>)
    %dma_wait3A_254 = tpu.memref_slice %arg4[%add3A_125] : memref<3276800xf32, #tpu.memory_space<hbm>> -> memref<3200xf32, #tpu.memory_space<hbm>>
    %dma_wait3A_255 = tpu.memref_slice %arg4[%add3A_125] : memref<3276800xf32, #tpu.memory_space<hbm>> -> memref<3200xf32, #tpu.memory_space<hbm>>
    tpu.wait_dma2 semaphore(%arg43 : memref<!tpu.dma_semaphore, #tpu.memory_space<semaphore_mem>>) src(%arg19 : memref<3200xf32, #tpu.memory_space<vmem>>) dst(%dma_wait3A_255 : memref<3200xf32, #tpu.memory_space<hbm>>)
    %dma_start3A_256 = arith.constant 0 : i32
    %dma_start3A_257 = tpu.memref_slice %arg5[%dma_start3A_256] : memref<1000000xf32, #tpu.memory_space<vmem_shared>> -> memref<1000000xf32, #tpu.memory_space<vmem_shared>>
    tpu.enqueue_indirect_dma source(%dma_start3A_257 : memref<1000000xf32, #tpu.memory_space<vmem_shared>>) target(%arg19 : memref<3200xf32, #tpu.memory_space<vmem>>) offsets(%arg11 : memref<3200xi32, #tpu.memory_space<vmem>>) semaphore(%arg35 : memref<!tpu.dma_semaphore, #tpu.memory_space<semaphore_mem>>)
    %dma_wait3A_258 = arith.constant 0 : i32
    %dma_wait3A_259 = tpu.memref_slice %arg5[%dma_wait3A_258] : memref<1000000xf32, #tpu.memory_space<vmem_shared>> -> memref<1000000xf32, #tpu.memory_space<vmem_shared>>
    tpu.wait_indirect_dma semaphore(%arg34 : memref<!tpu.dma_semaphore, #tpu.memory_space<semaphore_mem>>) src(%dma_wait3A_259 : memref<1000000xf32, #tpu.memory_space<vmem_shared>>) dst(%arg18 : memref<3200xf32, #tpu.memory_space<vmem>>)
    %add3A_260 = arith.constant 44800 : i32
    %add3A_261 = arith.addi %mul3A_4, %add3A_260 : i32
    %dma_start3A_262 = tpu.memref_slice %arg3[%add3A_261] : memref<3276800xi32, #tpu.memory_space<hbm>> -> memref<3200xi32, #tpu.memory_space<hbm>>
    %dma_start3A_263 = tpu.memref_slice %arg3[%add3A_261] : memref<3276800xi32, #tpu.memory_space<hbm>> -> memref<3200xi32, #tpu.memory_space<hbm>>
    tpu.enqueue_dma source(%dma_start3A_263 : memref<3200xi32, #tpu.memory_space<hbm>>) target(%arg12 : memref<3200xi32, #tpu.memory_space<vmem>>) target_semaphore(%arg28 : memref<!tpu.dma_semaphore, #tpu.memory_space<semaphore_mem>>)
    %scan3A_264 = arith.constant 0 : i32
    %scan3A_265 = arith.constant 200 : i32
    %scan3A_266 = arith.addi %scan3A_264, %scan3A_265 : i32
    %scan3A_267 = arith.constant 1 : i32
    scf.for %scan3A_674 = %scan3A_264 to %scan3A_266 step %scan3A_267  : i32 {
      %mul3A_675 = arith.constant 16 : i32
      %mul3A_676 = arith.muli %scan3A_674, %mul3A_675 : i32
      %get3A = arith.index_cast %mul3A_676 : i32 to index
      %get3A_677 = tpu.vector_load %arg18[%get3A] {strides = array<i32>} : memref<3200xf32, #tpu.memory_space<vmem>>, vector<16xf32>,
      %get3A_678 = vector.shape_cast %get3A_677 : vector<16xf32> to vector<16xf32>
      %gt3A = arith.constant 0.000000e+00 : f32
      %gt3A_679 = vector.broadcast %gt3A : f32 to vector<16xf32>
      %gt3A_680 = arith.cmpf ogt, %get3A_678, %gt3A_679 : vector<16xf32>
      %add3A_681 = arith.constant 1.000000e+00 : f32
      %add3A_682 = vector.broadcast %add3A_681 : f32 to vector<16xf32>
      %add3A_683 = arith.addf %get3A_678, %add3A_682 : vector<16xf32>
      %exp3A = math.exp %get3A_678 : vector<16xf32>
      %select_n3A = arith.select %gt3A_680, %add3A_683, %exp3A : vector<16xi1>, vector<16xf32>
      %mul3A_684 = arith.constant 16 : i32
      %mul3A_685 = arith.muli %scan3A_674, %mul3A_684 : i32
      %swap3A = arith.index_cast %mul3A_685 : i32 to index
      %swap3A_686 = tpu.vector_load %arg18[%swap3A] {strides = array<i32>} : memref<3200xf32, #tpu.memory_space<vmem>>, vector<16xf32>,
      %swap3A_687 = vector.shape_cast %swap3A_686 : vector<16xf32> to vector<16xf32>
      %swap3A_688 = vector.shape_cast %select_n3A : vector<16xf32> to vector<16xf32>
      tpu.vector_store %arg18[%swap3A], %swap3A_688 {strides = array<i32>} : memref<3200xf32, #tpu.memory_space<vmem>>, vector<16xf32>,
    }
    %scan3A_268 = arith.constant 200 : i32
    %add3A_269 = arith.constant 38400 : i32
    %add3A_270 = arith.addi %mul3A_4, %add3A_269 : i32
    %dma_start3A_271 = tpu.memref_slice %arg4[%add3A_270] : memref<3276800xf32, #tpu.memory_space<hbm>> -> memref<3200xf32, #tpu.memory_space<hbm>>
    %dma_start3A_272 = tpu.memref_slice %arg4[%add3A_270] : memref<3276800xf32, #tpu.memory_space<hbm>> -> memref<3200xf32, #tpu.memory_space<hbm>>
    tpu.enqueue_dma source(%arg18 : memref<3200xf32, #tpu.memory_space<vmem>>) target(%dma_start3A_272 : memref<3200xf32, #tpu.memory_space<hbm>>) target_semaphore(%arg42 : memref<!tpu.dma_semaphore, #tpu.memory_space<semaphore_mem>>)
    %dma_wait3A_273 = tpu.memref_slice %arg3[%add3A_261] : memref<3276800xi32, #tpu.memory_space<hbm>> -> memref<3200xi32, #tpu.memory_space<hbm>>
    %dma_wait3A_274 = tpu.memref_slice %arg3[%add3A_261] : memref<3276800xi32, #tpu.memory_space<hbm>> -> memref<3200xi32, #tpu.memory_space<hbm>>
    tpu.wait_dma2 semaphore(%arg28 : memref<!tpu.dma_semaphore, #tpu.memory_space<semaphore_mem>>) src(%dma_wait3A_274 : memref<3200xi32, #tpu.memory_space<hbm>>) dst(%arg12 : memref<3200xi32, #tpu.memory_space<vmem>>)
    %dma_wait3A_275 = tpu.memref_slice %arg4[%add3A_144] : memref<3276800xf32, #tpu.memory_space<hbm>> -> memref<3200xf32, #tpu.memory_space<hbm>>
    %dma_wait3A_276 = tpu.memref_slice %arg4[%add3A_144] : memref<3276800xf32, #tpu.memory_space<hbm>> -> memref<3200xf32, #tpu.memory_space<hbm>>
    tpu.wait_dma2 semaphore(%arg44 : memref<!tpu.dma_semaphore, #tpu.memory_space<semaphore_mem>>) src(%arg20 : memref<3200xf32, #tpu.memory_space<vmem>>) dst(%dma_wait3A_276 : memref<3200xf32, #tpu.memory_space<hbm>>)
    %dma_start3A_277 = arith.constant 0 : i32
    %dma_start3A_278 = tpu.memref_slice %arg5[%dma_start3A_277] : memref<1000000xf32, #tpu.memory_space<vmem_shared>> -> memref<1000000xf32, #tpu.memory_space<vmem_shared>>
    tpu.enqueue_indirect_dma source(%dma_start3A_278 : memref<1000000xf32, #tpu.memory_space<vmem_shared>>) target(%arg20 : memref<3200xf32, #tpu.memory_space<vmem>>) offsets(%arg12 : memref<3200xi32, #tpu.memory_space<vmem>>) semaphore(%arg36 : memref<!tpu.dma_semaphore, #tpu.memory_space<semaphore_mem>>)
    %dma_wait3A_279 = arith.constant 0 : i32
    %dma_wait3A_280 = tpu.memref_slice %arg5[%dma_wait3A_279] : memref<1000000xf32, #tpu.memory_space<vmem_shared>> -> memref<1000000xf32, #tpu.memory_space<vmem_shared>>
    tpu.wait_indirect_dma semaphore(%arg35 : memref<!tpu.dma_semaphore, #tpu.memory_space<semaphore_mem>>) src(%dma_wait3A_280 : memref<1000000xf32, #tpu.memory_space<vmem_shared>>) dst(%arg19 : memref<3200xf32, #tpu.memory_space<vmem>>)
    %add3A_281 = arith.constant 48000 : i32
    %add3A_282 = arith.addi %mul3A_4, %add3A_281 : i32
    %dma_start3A_283 = tpu.memref_slice %arg3[%add3A_282] : memref<3276800xi32, #tpu.memory_space<hbm>> -> memref<3200xi32, #tpu.memory_space<hbm>>
    %dma_start3A_284 = tpu.memref_slice %arg3[%add3A_282] : memref<3276800xi32, #tpu.memory_space<hbm>> -> memref<3200xi32, #tpu.memory_space<hbm>>
    tpu.enqueue_dma source(%dma_start3A_284 : memref<3200xi32, #tpu.memory_space<hbm>>) target(%arg13 : memref<3200xi32, #tpu.memory_space<vmem>>) target_semaphore(%arg29 : memref<!tpu.dma_semaphore, #tpu.memory_space<semaphore_mem>>)
    %scan3A_285 = arith.constant 0 : i32
    %scan3A_286 = arith.constant 200 : i32
    %scan3A_287 = arith.addi %scan3A_285, %scan3A_286 : i32
    %scan3A_288 = arith.constant 1 : i32
    scf.for %scan3A_674 = %scan3A_285 to %scan3A_287 step %scan3A_288  : i32 {
      %mul3A_675 = arith.constant 16 : i32
      %mul3A_676 = arith.muli %scan3A_674, %mul3A_675 : i32
      %get3A = arith.index_cast %mul3A_676 : i32 to index
      %get3A_677 = tpu.vector_load %arg19[%get3A] {strides = array<i32>} : memref<3200xf32, #tpu.memory_space<vmem>>, vector<16xf32>,
      %get3A_678 = vector.shape_cast %get3A_677 : vector<16xf32> to vector<16xf32>
      %gt3A = arith.constant 0.000000e+00 : f32
      %gt3A_679 = vector.broadcast %gt3A : f32 to vector<16xf32>
      %gt3A_680 = arith.cmpf ogt, %get3A_678, %gt3A_679 : vector<16xf32>
      %add3A_681 = arith.constant 1.000000e+00 : f32
      %add3A_682 = vector.broadcast %add3A_681 : f32 to vector<16xf32>
      %add3A_683 = arith.addf %get3A_678, %add3A_682 : vector<16xf32>
      %exp3A = math.exp %get3A_678 : vector<16xf32>
      %select_n3A = arith.select %gt3A_680, %add3A_683, %exp3A : vector<16xi1>, vector<16xf32>
      %mul3A_684 = arith.constant 16 : i32
      %mul3A_685 = arith.muli %scan3A_674, %mul3A_684 : i32
      %swap3A = arith.index_cast %mul3A_685 : i32 to index
      %swap3A_686 = tpu.vector_load %arg19[%swap3A] {strides = array<i32>} : memref<3200xf32, #tpu.memory_space<vmem>>, vector<16xf32>,
      %swap3A_687 = vector.shape_cast %swap3A_686 : vector<16xf32> to vector<16xf32>
      %swap3A_688 = vector.shape_cast %select_n3A : vector<16xf32> to vector<16xf32>
      tpu.vector_store %arg19[%swap3A], %swap3A_688 {strides = array<i32>} : memref<3200xf32, #tpu.memory_space<vmem>>, vector<16xf32>,
    }
    %scan3A_289 = arith.constant 200 : i32
    %add3A_290 = arith.constant 41600 : i32
    %add3A_291 = arith.addi %mul3A_4, %add3A_290 : i32
    %dma_start3A_292 = tpu.memref_slice %arg4[%add3A_291] : memref<3276800xf32, #tpu.memory_space<hbm>> -> memref<3200xf32, #tpu.memory_space<hbm>>
    %dma_start3A_293 = tpu.memref_slice %arg4[%add3A_291] : memref<3276800xf32, #tpu.memory_space<hbm>> -> memref<3200xf32, #tpu.memory_space<hbm>>
    tpu.enqueue_dma source(%arg19 : memref<3200xf32, #tpu.memory_space<vmem>>) target(%dma_start3A_293 : memref<3200xf32, #tpu.memory_space<hbm>>) target_semaphore(%arg43 : memref<!tpu.dma_semaphore, #tpu.memory_space<semaphore_mem>>)
    %dma_wait3A_294 = tpu.memref_slice %arg3[%add3A_282] : memref<3276800xi32, #tpu.memory_space<hbm>> -> memref<3200xi32, #tpu.memory_space<hbm>>
    %dma_wait3A_295 = tpu.memref_slice %arg3[%add3A_282] : memref<3276800xi32, #tpu.memory_space<hbm>> -> memref<3200xi32, #tpu.memory_space<hbm>>
    tpu.wait_dma2 semaphore(%arg29 : memref<!tpu.dma_semaphore, #tpu.memory_space<semaphore_mem>>) src(%dma_wait3A_295 : memref<3200xi32, #tpu.memory_space<hbm>>) dst(%arg13 : memref<3200xi32, #tpu.memory_space<vmem>>)
    %dma_wait3A_296 = tpu.memref_slice %arg4[%add3A_165] : memref<3276800xf32, #tpu.memory_space<hbm>> -> memref<3200xf32, #tpu.memory_space<hbm>>
    %dma_wait3A_297 = tpu.memref_slice %arg4[%add3A_165] : memref<3276800xf32, #tpu.memory_space<hbm>> -> memref<3200xf32, #tpu.memory_space<hbm>>
    tpu.wait_dma2 semaphore(%arg45 : memref<!tpu.dma_semaphore, #tpu.memory_space<semaphore_mem>>) src(%arg21 : memref<3200xf32, #tpu.memory_space<vmem>>) dst(%dma_wait3A_297 : memref<3200xf32, #tpu.memory_space<hbm>>)
    %dma_start3A_298 = arith.constant 0 : i32
    %dma_start3A_299 = tpu.memref_slice %arg5[%dma_start3A_298] : memref<1000000xf32, #tpu.memory_space<vmem_shared>> -> memref<1000000xf32, #tpu.memory_space<vmem_shared>>
    tpu.enqueue_indirect_dma source(%dma_start3A_299 : memref<1000000xf32, #tpu.memory_space<vmem_shared>>) target(%arg21 : memref<3200xf32, #tpu.memory_space<vmem>>) offsets(%arg13 : memref<3200xi32, #tpu.memory_space<vmem>>) semaphore(%arg37 : memref<!tpu.dma_semaphore, #tpu.memory_space<semaphore_mem>>)
    %dma_wait3A_300 = arith.constant 0 : i32
    %dma_wait3A_301 = tpu.memref_slice %arg5[%dma_wait3A_300] : memref<1000000xf32, #tpu.memory_space<vmem_shared>> -> memref<1000000xf32, #tpu.memory_space<vmem_shared>>
    tpu.wait_indirect_dma semaphore(%arg36 : memref<!tpu.dma_semaphore, #tpu.memory_space<semaphore_mem>>) src(%dma_wait3A_301 : memref<1000000xf32, #tpu.memory_space<vmem_shared>>) dst(%arg20 : memref<3200xf32, #tpu.memory_space<vmem>>)
    %add3A_302 = arith.constant 51200 : i32
    %add3A_303 = arith.addi %mul3A_4, %add3A_302 : i32
    %dma_start3A_304 = tpu.memref_slice %arg3[%add3A_303] : memref<3276800xi32, #tpu.memory_space<hbm>> -> memref<3200xi32, #tpu.memory_space<hbm>>
    %dma_start3A_305 = tpu.memref_slice %arg3[%add3A_303] : memref<3276800xi32, #tpu.memory_space<hbm>> -> memref<3200xi32, #tpu.memory_space<hbm>>
    tpu.enqueue_dma source(%dma_start3A_305 : memref<3200xi32, #tpu.memory_space<hbm>>) target(%arg6 : memref<3200xi32, #tpu.memory_space<vmem>>) target_semaphore(%arg22 : memref<!tpu.dma_semaphore, #tpu.memory_space<semaphore_mem>>)
    %scan3A_306 = arith.constant 0 : i32
    %scan3A_307 = arith.constant 200 : i32
    %scan3A_308 = arith.addi %scan3A_306, %scan3A_307 : i32
    %scan3A_309 = arith.constant 1 : i32
    scf.for %scan3A_674 = %scan3A_306 to %scan3A_308 step %scan3A_309  : i32 {
      %mul3A_675 = arith.constant 16 : i32
      %mul3A_676 = arith.muli %scan3A_674, %mul3A_675 : i32
      %get3A = arith.index_cast %mul3A_676 : i32 to index
      %get3A_677 = tpu.vector_load %arg20[%get3A] {strides = array<i32>} : memref<3200xf32, #tpu.memory_space<vmem>>, vector<16xf32>,
      %get3A_678 = vector.shape_cast %get3A_677 : vector<16xf32> to vector<16xf32>
      %gt3A = arith.constant 0.000000e+00 : f32
      %gt3A_679 = vector.broadcast %gt3A : f32 to vector<16xf32>
      %gt3A_680 = arith.cmpf ogt, %get3A_678, %gt3A_679 : vector<16xf32>
      %add3A_681 = arith.constant 1.000000e+00 : f32
      %add3A_682 = vector.broadcast %add3A_681 : f32 to vector<16xf32>
      %add3A_683 = arith.addf %get3A_678, %add3A_682 : vector<16xf32>
      %exp3A = math.exp %get3A_678 : vector<16xf32>
      %select_n3A = arith.select %gt3A_680, %add3A_683, %exp3A : vector<16xi1>, vector<16xf32>
      %mul3A_684 = arith.constant 16 : i32
      %mul3A_685 = arith.muli %scan3A_674, %mul3A_684 : i32
      %swap3A = arith.index_cast %mul3A_685 : i32 to index
      %swap3A_686 = tpu.vector_load %arg20[%swap3A] {strides = array<i32>} : memref<3200xf32, #tpu.memory_space<vmem>>, vector<16xf32>,
      %swap3A_687 = vector.shape_cast %swap3A_686 : vector<16xf32> to vector<16xf32>
      %swap3A_688 = vector.shape_cast %select_n3A : vector<16xf32> to vector<16xf32>
      tpu.vector_store %arg20[%swap3A], %swap3A_688 {strides = array<i32>} : memref<3200xf32, #tpu.memory_space<vmem>>, vector<16xf32>,
    }
    %scan3A_310 = arith.constant 200 : i32
    %add3A_311 = arith.constant 44800 : i32
    %add3A_312 = arith.addi %mul3A_4, %add3A_311 : i32
    %dma_start3A_313 = tpu.memref_slice %arg4[%add3A_312] : memref<3276800xf32, #tpu.memory_space<hbm>> -> memref<3200xf32, #tpu.memory_space<hbm>>
    %dma_start3A_314 = tpu.memref_slice %arg4[%add3A_312] : memref<3276800xf32, #tpu.memory_space<hbm>> -> memref<3200xf32, #tpu.memory_space<hbm>>
    tpu.enqueue_dma source(%arg20 : memref<3200xf32, #tpu.memory_space<vmem>>) target(%dma_start3A_314 : memref<3200xf32, #tpu.memory_space<hbm>>) target_semaphore(%arg44 : memref<!tpu.dma_semaphore, #tpu.memory_space<semaphore_mem>>)
    %dma_wait3A_315 = tpu.memref_slice %arg3[%add3A_303] : memref<3276800xi32, #tpu.memory_space<hbm>> -> memref<3200xi32, #tpu.memory_space<hbm>>
    %dma_wait3A_316 = tpu.memref_slice %arg3[%add3A_303] : memref<3276800xi32, #tpu.memory_space<hbm>> -> memref<3200xi32, #tpu.memory_space<hbm>>
    tpu.wait_dma2 semaphore(%arg22 : memref<!tpu.dma_semaphore, #tpu.memory_space<semaphore_mem>>) src(%dma_wait3A_316 : memref<3200xi32, #tpu.memory_space<hbm>>) dst(%arg6 : memref<3200xi32, #tpu.memory_space<vmem>>)
    %dma_wait3A_317 = tpu.memref_slice %arg4[%add3A_186] : memref<3276800xf32, #tpu.memory_space<hbm>> -> memref<3200xf32, #tpu.memory_space<hbm>>
    %dma_wait3A_318 = tpu.memref_slice %arg4[%add3A_186] : memref<3276800xf32, #tpu.memory_space<hbm>> -> memref<3200xf32, #tpu.memory_space<hbm>>
    tpu.wait_dma2 semaphore(%arg38 : memref<!tpu.dma_semaphore, #tpu.memory_space<semaphore_mem>>) src(%arg14 : memref<3200xf32, #tpu.memory_space<vmem>>) dst(%dma_wait3A_318 : memref<3200xf32, #tpu.memory_space<hbm>>)
    %dma_start3A_319 = arith.constant 0 : i32
    %dma_start3A_320 = tpu.memref_slice %arg5[%dma_start3A_319] : memref<1000000xf32, #tpu.memory_space<vmem_shared>> -> memref<1000000xf32, #tpu.memory_space<vmem_shared>>
    tpu.enqueue_indirect_dma source(%dma_start3A_320 : memref<1000000xf32, #tpu.memory_space<vmem_shared>>) target(%arg14 : memref<3200xf32, #tpu.memory_space<vmem>>) offsets(%arg6 : memref<3200xi32, #tpu.memory_space<vmem>>) semaphore(%arg30 : memref<!tpu.dma_semaphore, #tpu.memory_space<semaphore_mem>>)
    %dma_wait3A_321 = arith.constant 0 : i32
    %dma_wait3A_322 = tpu.memref_slice %arg5[%dma_wait3A_321] : memref<1000000xf32, #tpu.memory_space<vmem_shared>> -> memref<1000000xf32, #tpu.memory_space<vmem_shared>>
    tpu.wait_indirect_dma semaphore(%arg37 : memref<!tpu.dma_semaphore, #tpu.memory_space<semaphore_mem>>) src(%dma_wait3A_322 : memref<1000000xf32, #tpu.memory_space<vmem_shared>>) dst(%arg21 : memref<3200xf32, #tpu.memory_space<vmem>>)
    %add3A_323 = arith.constant 54400 : i32
    %add3A_324 = arith.addi %mul3A_4, %add3A_323 : i32
    %dma_start3A_325 = tpu.memref_slice %arg3[%add3A_324] : memref<3276800xi32, #tpu.memory_space<hbm>> -> memref<3200xi32, #tpu.memory_space<hbm>>
    %dma_start3A_326 = tpu.memref_slice %arg3[%add3A_324] : memref<3276800xi32, #tpu.memory_space<hbm>> -> memref<3200xi32, #tpu.memory_space<hbm>>
    tpu.enqueue_dma source(%dma_start3A_326 : memref<3200xi32, #tpu.memory_space<hbm>>) target(%arg7 : memref<3200xi32, #tpu.memory_space<vmem>>) target_semaphore(%arg23 : memref<!tpu.dma_semaphore, #tpu.memory_space<semaphore_mem>>)
    %scan3A_327 = arith.constant 0 : i32
    %scan3A_328 = arith.constant 200 : i32
    %scan3A_329 = arith.addi %scan3A_327, %scan3A_328 : i32
    %scan3A_330 = arith.constant 1 : i32
    scf.for %scan3A_674 = %scan3A_327 to %scan3A_329 step %scan3A_330  : i32 {
      %mul3A_675 = arith.constant 16 : i32
      %mul3A_676 = arith.muli %scan3A_674, %mul3A_675 : i32
      %get3A = arith.index_cast %mul3A_676 : i32 to index
      %get3A_677 = tpu.vector_load %arg21[%get3A] {strides = array<i32>} : memref<3200xf32, #tpu.memory_space<vmem>>, vector<16xf32>,
      %get3A_678 = vector.shape_cast %get3A_677 : vector<16xf32> to vector<16xf32>
      %gt3A = arith.constant 0.000000e+00 : f32
      %gt3A_679 = vector.broadcast %gt3A : f32 to vector<16xf32>
      %gt3A_680 = arith.cmpf ogt, %get3A_678, %gt3A_679 : vector<16xf32>
      %add3A_681 = arith.constant 1.000000e+00 : f32
      %add3A_682 = vector.broadcast %add3A_681 : f32 to vector<16xf32>
      %add3A_683 = arith.addf %get3A_678, %add3A_682 : vector<16xf32>
      %exp3A = math.exp %get3A_678 : vector<16xf32>
      %select_n3A = arith.select %gt3A_680, %add3A_683, %exp3A : vector<16xi1>, vector<16xf32>
      %mul3A_684 = arith.constant 16 : i32
      %mul3A_685 = arith.muli %scan3A_674, %mul3A_684 : i32
      %swap3A = arith.index_cast %mul3A_685 : i32 to index
      %swap3A_686 = tpu.vector_load %arg21[%swap3A] {strides = array<i32>} : memref<3200xf32, #tpu.memory_space<vmem>>, vector<16xf32>,
      %swap3A_687 = vector.shape_cast %swap3A_686 : vector<16xf32> to vector<16xf32>
      %swap3A_688 = vector.shape_cast %select_n3A : vector<16xf32> to vector<16xf32>
      tpu.vector_store %arg21[%swap3A], %swap3A_688 {strides = array<i32>} : memref<3200xf32, #tpu.memory_space<vmem>>, vector<16xf32>,
    }
    %scan3A_331 = arith.constant 200 : i32
    %add3A_332 = arith.constant 48000 : i32
    %add3A_333 = arith.addi %mul3A_4, %add3A_332 : i32
    %dma_start3A_334 = tpu.memref_slice %arg4[%add3A_333] : memref<3276800xf32, #tpu.memory_space<hbm>> -> memref<3200xf32, #tpu.memory_space<hbm>>
    %dma_start3A_335 = tpu.memref_slice %arg4[%add3A_333] : memref<3276800xf32, #tpu.memory_space<hbm>> -> memref<3200xf32, #tpu.memory_space<hbm>>
    tpu.enqueue_dma source(%arg21 : memref<3200xf32, #tpu.memory_space<vmem>>) target(%dma_start3A_335 : memref<3200xf32, #tpu.memory_space<hbm>>) target_semaphore(%arg45 : memref<!tpu.dma_semaphore, #tpu.memory_space<semaphore_mem>>)
    %dma_wait3A_336 = tpu.memref_slice %arg3[%add3A_324] : memref<3276800xi32, #tpu.memory_space<hbm>> -> memref<3200xi32, #tpu.memory_space<hbm>>
    %dma_wait3A_337 = tpu.memref_slice %arg3[%add3A_324] : memref<3276800xi32, #tpu.memory_space<hbm>> -> memref<3200xi32, #tpu.memory_space<hbm>>
    tpu.wait_dma2 semaphore(%arg23 : memref<!tpu.dma_semaphore, #tpu.memory_space<semaphore_mem>>) src(%dma_wait3A_337 : memref<3200xi32, #tpu.memory_space<hbm>>) dst(%arg7 : memref<3200xi32, #tpu.memory_space<vmem>>)
    %dma_wait3A_338 = tpu.memref_slice %arg4[%add3A_207] : memref<3276800xf32, #tpu.memory_space<hbm>> -> memref<3200xf32, #tpu.memory_space<hbm>>
    %dma_wait3A_339 = tpu.memref_slice %arg4[%add3A_207] : memref<3276800xf32, #tpu.memory_space<hbm>> -> memref<3200xf32, #tpu.memory_space<hbm>>
    tpu.wait_dma2 semaphore(%arg39 : memref<!tpu.dma_semaphore, #tpu.memory_space<semaphore_mem>>) src(%arg15 : memref<3200xf32, #tpu.memory_space<vmem>>) dst(%dma_wait3A_339 : memref<3200xf32, #tpu.memory_space<hbm>>)
    %dma_start3A_340 = arith.constant 0 : i32
    %dma_start3A_341 = tpu.memref_slice %arg5[%dma_start3A_340] : memref<1000000xf32, #tpu.memory_space<vmem_shared>> -> memref<1000000xf32, #tpu.memory_space<vmem_shared>>
    tpu.enqueue_indirect_dma source(%dma_start3A_341 : memref<1000000xf32, #tpu.memory_space<vmem_shared>>) target(%arg15 : memref<3200xf32, #tpu.memory_space<vmem>>) offsets(%arg7 : memref<3200xi32, #tpu.memory_space<vmem>>) semaphore(%arg31 : memref<!tpu.dma_semaphore, #tpu.memory_space<semaphore_mem>>)
    %dma_wait3A_342 = arith.constant 0 : i32
    %dma_wait3A_343 = tpu.memref_slice %arg5[%dma_wait3A_342] : memref<1000000xf32, #tpu.memory_space<vmem_shared>> -> memref<1000000xf32, #tpu.memory_space<vmem_shared>>
    tpu.wait_indirect_dma semaphore(%arg30 : memref<!tpu.dma_semaphore, #tpu.memory_space<semaphore_mem>>) src(%dma_wait3A_343 : memref<1000000xf32, #tpu.memory_space<vmem_shared>>) dst(%arg14 : memref<3200xf32, #tpu.memory_space<vmem>>)
    %add3A_344 = arith.constant 57600 : i32
    %add3A_345 = arith.addi %mul3A_4, %add3A_344 : i32
    %dma_start3A_346 = tpu.memref_slice %arg3[%add3A_345] : memref<3276800xi32, #tpu.memory_space<hbm>> -> memref<3200xi32, #tpu.memory_space<hbm>>
    %dma_start3A_347 = tpu.memref_slice %arg3[%add3A_345] : memref<3276800xi32, #tpu.memory_space<hbm>> -> memref<3200xi32, #tpu.memory_space<hbm>>
    tpu.enqueue_dma source(%dma_start3A_347 : memref<3200xi32, #tpu.memory_space<hbm>>) target(%arg8 : memref<3200xi32, #tpu.memory_space<vmem>>) target_semaphore(%arg24 : memref<!tpu.dma_semaphore, #tpu.memory_space<semaphore_mem>>)
    %scan3A_348 = arith.constant 0 : i32
    %scan3A_349 = arith.constant 200 : i32
    %scan3A_350 = arith.addi %scan3A_348, %scan3A_349 : i32
    %scan3A_351 = arith.constant 1 : i32
    scf.for %scan3A_674 = %scan3A_348 to %scan3A_350 step %scan3A_351  : i32 {
      %mul3A_675 = arith.constant 16 : i32
      %mul3A_676 = arith.muli %scan3A_674, %mul3A_675 : i32
      %get3A = arith.index_cast %mul3A_676 : i32 to index
      %get3A_677 = tpu.vector_load %arg14[%get3A] {strides = array<i32>} : memref<3200xf32, #tpu.memory_space<vmem>>, vector<16xf32>,
      %get3A_678 = vector.shape_cast %get3A_677 : vector<16xf32> to vector<16xf32>
      %gt3A = arith.constant 0.000000e+00 : f32
      %gt3A_679 = vector.broadcast %gt3A : f32 to vector<16xf32>
      %gt3A_680 = arith.cmpf ogt, %get3A_678, %gt3A_679 : vector<16xf32>
      %add3A_681 = arith.constant 1.000000e+00 : f32
      %add3A_682 = vector.broadcast %add3A_681 : f32 to vector<16xf32>
      %add3A_683 = arith.addf %get3A_678, %add3A_682 : vector<16xf32>
      %exp3A = math.exp %get3A_678 : vector<16xf32>
      %select_n3A = arith.select %gt3A_680, %add3A_683, %exp3A : vector<16xi1>, vector<16xf32>
      %mul3A_684 = arith.constant 16 : i32
      %mul3A_685 = arith.muli %scan3A_674, %mul3A_684 : i32
      %swap3A = arith.index_cast %mul3A_685 : i32 to index
      %swap3A_686 = tpu.vector_load %arg14[%swap3A] {strides = array<i32>} : memref<3200xf32, #tpu.memory_space<vmem>>, vector<16xf32>,
      %swap3A_687 = vector.shape_cast %swap3A_686 : vector<16xf32> to vector<16xf32>
      %swap3A_688 = vector.shape_cast %select_n3A : vector<16xf32> to vector<16xf32>
      tpu.vector_store %arg14[%swap3A], %swap3A_688 {strides = array<i32>} : memref<3200xf32, #tpu.memory_space<vmem>>, vector<16xf32>,
    }
    %scan3A_352 = arith.constant 200 : i32
    %add3A_353 = arith.constant 51200 : i32
    %add3A_354 = arith.addi %mul3A_4, %add3A_353 : i32
    %dma_start3A_355 = tpu.memref_slice %arg4[%add3A_354] : memref<3276800xf32, #tpu.memory_space<hbm>> -> memref<3200xf32, #tpu.memory_space<hbm>>
    %dma_start3A_356 = tpu.memref_slice %arg4[%add3A_354] : memref<3276800xf32, #tpu.memory_space<hbm>> -> memref<3200xf32, #tpu.memory_space<hbm>>
    tpu.enqueue_dma source(%arg14 : memref<3200xf32, #tpu.memory_space<vmem>>) target(%dma_start3A_356 : memref<3200xf32, #tpu.memory_space<hbm>>) target_semaphore(%arg38 : memref<!tpu.dma_semaphore, #tpu.memory_space<semaphore_mem>>)
    %dma_wait3A_357 = tpu.memref_slice %arg3[%add3A_345] : memref<3276800xi32, #tpu.memory_space<hbm>> -> memref<3200xi32, #tpu.memory_space<hbm>>
    %dma_wait3A_358 = tpu.memref_slice %arg3[%add3A_345] : memref<3276800xi32, #tpu.memory_space<hbm>> -> memref<3200xi32, #tpu.memory_space<hbm>>
    tpu.wait_dma2 semaphore(%arg24 : memref<!tpu.dma_semaphore, #tpu.memory_space<semaphore_mem>>) src(%dma_wait3A_358 : memref<3200xi32, #tpu.memory_space<hbm>>) dst(%arg8 : memref<3200xi32, #tpu.memory_space<vmem>>)
    %dma_wait3A_359 = tpu.memref_slice %arg4[%add3A_228] : memref<3276800xf32, #tpu.memory_space<hbm>> -> memref<3200xf32, #tpu.memory_space<hbm>>
    %dma_wait3A_360 = tpu.memref_slice %arg4[%add3A_228] : memref<3276800xf32, #tpu.memory_space<hbm>> -> memref<3200xf32, #tpu.memory_space<hbm>>
    tpu.wait_dma2 semaphore(%arg40 : memref<!tpu.dma_semaphore, #tpu.memory_space<semaphore_mem>>) src(%arg16 : memref<3200xf32, #tpu.memory_space<vmem>>) dst(%dma_wait3A_360 : memref<3200xf32, #tpu.memory_space<hbm>>)
    %dma_start3A_361 = arith.constant 0 : i32
    %dma_start3A_362 = tpu.memref_slice %arg5[%dma_start3A_361] : memref<1000000xf32, #tpu.memory_space<vmem_shared>> -> memref<1000000xf32, #tpu.memory_space<vmem_shared>>
    tpu.enqueue_indirect_dma source(%dma_start3A_362 : memref<1000000xf32, #tpu.memory_space<vmem_shared>>) target(%arg16 : memref<3200xf32, #tpu.memory_space<vmem>>) offsets(%arg8 : memref<3200xi32, #tpu.memory_space<vmem>>) semaphore(%arg32 : memref<!tpu.dma_semaphore, #tpu.memory_space<semaphore_mem>>)
    %dma_wait3A_363 = arith.constant 0 : i32
    %dma_wait3A_364 = tpu.memref_slice %arg5[%dma_wait3A_363] : memref<1000000xf32, #tpu.memory_space<vmem_shared>> -> memref<1000000xf32, #tpu.memory_space<vmem_shared>>
    tpu.wait_indirect_dma semaphore(%arg31 : memref<!tpu.dma_semaphore, #tpu.memory_space<semaphore_mem>>) src(%dma_wait3A_364 : memref<1000000xf32, #tpu.memory_space<vmem_shared>>) dst(%arg15 : memref<3200xf32, #tpu.memory_space<vmem>>)
    %add3A_365 = arith.constant 60800 : i32
    %add3A_366 = arith.addi %mul3A_4, %add3A_365 : i32
    %dma_start3A_367 = tpu.memref_slice %arg3[%add3A_366] : memref<3276800xi32, #tpu.memory_space<hbm>> -> memref<3200xi32, #tpu.memory_space<hbm>>
    %dma_start3A_368 = tpu.memref_slice %arg3[%add3A_366] : memref<3276800xi32, #tpu.memory_space<hbm>> -> memref<3200xi32, #tpu.memory_space<hbm>>
    tpu.enqueue_dma source(%dma_start3A_368 : memref<3200xi32, #tpu.memory_space<hbm>>) target(%arg9 : memref<3200xi32, #tpu.memory_space<vmem>>) target_semaphore(%arg25 : memref<!tpu.dma_semaphore, #tpu.memory_space<semaphore_mem>>)
    %scan3A_369 = arith.constant 0 : i32
    %scan3A_370 = arith.constant 200 : i32
    %scan3A_371 = arith.addi %scan3A_369, %scan3A_370 : i32
    %scan3A_372 = arith.constant 1 : i32
    scf.for %scan3A_674 = %scan3A_369 to %scan3A_371 step %scan3A_372  : i32 {
      %mul3A_675 = arith.constant 16 : i32
      %mul3A_676 = arith.muli %scan3A_674, %mul3A_675 : i32
      %get3A = arith.index_cast %mul3A_676 : i32 to index
      %get3A_677 = tpu.vector_load %arg15[%get3A] {strides = array<i32>} : memref<3200xf32, #tpu.memory_space<vmem>>, vector<16xf32>,
      %get3A_678 = vector.shape_cast %get3A_677 : vector<16xf32> to vector<16xf32>
      %gt3A = arith.constant 0.000000e+00 : f32
      %gt3A_679 = vector.broadcast %gt3A : f32 to vector<16xf32>
      %gt3A_680 = arith.cmpf ogt, %get3A_678, %gt3A_679 : vector<16xf32>
      %add3A_681 = arith.constant 1.000000e+00 : f32
      %add3A_682 = vector.broadcast %add3A_681 : f32 to vector<16xf32>
      %add3A_683 = arith.addf %get3A_678, %add3A_682 : vector<16xf32>
      %exp3A = math.exp %get3A_678 : vector<16xf32>
      %select_n3A = arith.select %gt3A_680, %add3A_683, %exp3A : vector<16xi1>, vector<16xf32>
      %mul3A_684 = arith.constant 16 : i32
      %mul3A_685 = arith.muli %scan3A_674, %mul3A_684 : i32
      %swap3A = arith.index_cast %mul3A_685 : i32 to index
      %swap3A_686 = tpu.vector_load %arg15[%swap3A] {strides = array<i32>} : memref<3200xf32, #tpu.memory_space<vmem>>, vector<16xf32>,
      %swap3A_687 = vector.shape_cast %swap3A_686 : vector<16xf32> to vector<16xf32>
      %swap3A_688 = vector.shape_cast %select_n3A : vector<16xf32> to vector<16xf32>
      tpu.vector_store %arg15[%swap3A], %swap3A_688 {strides = array<i32>} : memref<3200xf32, #tpu.memory_space<vmem>>, vector<16xf32>,
    }
    %scan3A_373 = arith.constant 200 : i32
    %add3A_374 = arith.constant 54400 : i32
    %add3A_375 = arith.addi %mul3A_4, %add3A_374 : i32
    %dma_start3A_376 = tpu.memref_slice %arg4[%add3A_375] : memref<3276800xf32, #tpu.memory_space<hbm>> -> memref<3200xf32, #tpu.memory_space<hbm>>
    %dma_start3A_377 = tpu.memref_slice %arg4[%add3A_375] : memref<3276800xf32, #tpu.memory_space<hbm>> -> memref<3200xf32, #tpu.memory_space<hbm>>
    tpu.enqueue_dma source(%arg15 : memref<3200xf32, #tpu.memory_space<vmem>>) target(%dma_start3A_377 : memref<3200xf32, #tpu.memory_space<hbm>>) target_semaphore(%arg39 : memref<!tpu.dma_semaphore, #tpu.memory_space<semaphore_mem>>)
    %dma_wait3A_378 = tpu.memref_slice %arg3[%add3A_366] : memref<3276800xi32, #tpu.memory_space<hbm>> -> memref<3200xi32, #tpu.memory_space<hbm>>
    %dma_wait3A_379 = tpu.memref_slice %arg3[%add3A_366] : memref<3276800xi32, #tpu.memory_space<hbm>> -> memref<3200xi32, #tpu.memory_space<hbm>>
    tpu.wait_dma2 semaphore(%arg25 : memref<!tpu.dma_semaphore, #tpu.memory_space<semaphore_mem>>) src(%dma_wait3A_379 : memref<3200xi32, #tpu.memory_space<hbm>>) dst(%arg9 : memref<3200xi32, #tpu.memory_space<vmem>>)
    %dma_wait3A_380 = tpu.memref_slice %arg4[%add3A_249] : memref<3276800xf32, #tpu.memory_space<hbm>> -> memref<3200xf32, #tpu.memory_space<hbm>>
    %dma_wait3A_381 = tpu.memref_slice %arg4[%add3A_249] : memref<3276800xf32, #tpu.memory_space<hbm>> -> memref<3200xf32, #tpu.memory_space<hbm>>
    tpu.wait_dma2 semaphore(%arg41 : memref<!tpu.dma_semaphore, #tpu.memory_space<semaphore_mem>>) src(%arg17 : memref<3200xf32, #tpu.memory_space<vmem>>) dst(%dma_wait3A_381 : memref<3200xf32, #tpu.memory_space<hbm>>)
    %dma_start3A_382 = arith.constant 0 : i32
    %dma_start3A_383 = tpu.memref_slice %arg5[%dma_start3A_382] : memref<1000000xf32, #tpu.memory_space<vmem_shared>> -> memref<1000000xf32, #tpu.memory_space<vmem_shared>>
    tpu.enqueue_indirect_dma source(%dma_start3A_383 : memref<1000000xf32, #tpu.memory_space<vmem_shared>>) target(%arg17 : memref<3200xf32, #tpu.memory_space<vmem>>) offsets(%arg9 : memref<3200xi32, #tpu.memory_space<vmem>>) semaphore(%arg33 : memref<!tpu.dma_semaphore, #tpu.memory_space<semaphore_mem>>)
    %dma_wait3A_384 = arith.constant 0 : i32
    %dma_wait3A_385 = tpu.memref_slice %arg5[%dma_wait3A_384] : memref<1000000xf32, #tpu.memory_space<vmem_shared>> -> memref<1000000xf32, #tpu.memory_space<vmem_shared>>
    tpu.wait_indirect_dma semaphore(%arg32 : memref<!tpu.dma_semaphore, #tpu.memory_space<semaphore_mem>>) src(%dma_wait3A_385 : memref<1000000xf32, #tpu.memory_space<vmem_shared>>) dst(%arg16 : memref<3200xf32, #tpu.memory_space<vmem>>)
    %add3A_386 = arith.constant 64000 : i32
    %add3A_387 = arith.addi %mul3A_4, %add3A_386 : i32
    %dma_start3A_388 = tpu.memref_slice %arg3[%add3A_387] : memref<3276800xi32, #tpu.memory_space<hbm>> -> memref<3200xi32, #tpu.memory_space<hbm>>
    %dma_start3A_389 = tpu.memref_slice %arg3[%add3A_387] : memref<3276800xi32, #tpu.memory_space<hbm>> -> memref<3200xi32, #tpu.memory_space<hbm>>
    tpu.enqueue_dma source(%dma_start3A_389 : memref<3200xi32, #tpu.memory_space<hbm>>) target(%arg10 : memref<3200xi32, #tpu.memory_space<vmem>>) target_semaphore(%arg26 : memref<!tpu.dma_semaphore, #tpu.memory_space<semaphore_mem>>)
    %scan3A_390 = arith.constant 0 : i32
    %scan3A_391 = arith.constant 200 : i32
    %scan3A_392 = arith.addi %scan3A_390, %scan3A_391 : i32
    %scan3A_393 = arith.constant 1 : i32
    scf.for %scan3A_674 = %scan3A_390 to %scan3A_392 step %scan3A_393  : i32 {
      %mul3A_675 = arith.constant 16 : i32
      %mul3A_676 = arith.muli %scan3A_674, %mul3A_675 : i32
      %get3A = arith.index_cast %mul3A_676 : i32 to index
      %get3A_677 = tpu.vector_load %arg16[%get3A] {strides = array<i32>} : memref<3200xf32, #tpu.memory_space<vmem>>, vector<16xf32>,
      %get3A_678 = vector.shape_cast %get3A_677 : vector<16xf32> to vector<16xf32>
      %gt3A = arith.constant 0.000000e+00 : f32
      %gt3A_679 = vector.broadcast %gt3A : f32 to vector<16xf32>
      %gt3A_680 = arith.cmpf ogt, %get3A_678, %gt3A_679 : vector<16xf32>
      %add3A_681 = arith.constant 1.000000e+00 : f32
      %add3A_682 = vector.broadcast %add3A_681 : f32 to vector<16xf32>
      %add3A_683 = arith.addf %get3A_678, %add3A_682 : vector<16xf32>
      %exp3A = math.exp %get3A_678 : vector<16xf32>
      %select_n3A = arith.select %gt3A_680, %add3A_683, %exp3A : vector<16xi1>, vector<16xf32>
      %mul3A_684 = arith.constant 16 : i32
      %mul3A_685 = arith.muli %scan3A_674, %mul3A_684 : i32
      %swap3A = arith.index_cast %mul3A_685 : i32 to index
      %swap3A_686 = tpu.vector_load %arg16[%swap3A] {strides = array<i32>} : memref<3200xf32, #tpu.memory_space<vmem>>, vector<16xf32>,
      %swap3A_687 = vector.shape_cast %swap3A_686 : vector<16xf32> to vector<16xf32>
      %swap3A_688 = vector.shape_cast %select_n3A : vector<16xf32> to vector<16xf32>
      tpu.vector_store %arg16[%swap3A], %swap3A_688 {strides = array<i32>} : memref<3200xf32, #tpu.memory_space<vmem>>, vector<16xf32>,
    }
    %scan3A_394 = arith.constant 200 : i32
    %add3A_395 = arith.constant 57600 : i32
    %add3A_396 = arith.addi %mul3A_4, %add3A_395 : i32
    %dma_start3A_397 = tpu.memref_slice %arg4[%add3A_396] : memref<3276800xf32, #tpu.memory_space<hbm>> -> memref<3200xf32, #tpu.memory_space<hbm>>
    %dma_start3A_398 = tpu.memref_slice %arg4[%add3A_396] : memref<3276800xf32, #tpu.memory_space<hbm>> -> memref<3200xf32, #tpu.memory_space<hbm>>
    tpu.enqueue_dma source(%arg16 : memref<3200xf32, #tpu.memory_space<vmem>>) target(%dma_start3A_398 : memref<3200xf32, #tpu.memory_space<hbm>>) target_semaphore(%arg40 : memref<!tpu.dma_semaphore, #tpu.memory_space<semaphore_mem>>)
    %dma_wait3A_399 = tpu.memref_slice %arg3[%add3A_387] : memref<3276800xi32, #tpu.memory_space<hbm>> -> memref<3200xi32, #tpu.memory_space<hbm>>
    %dma_wait3A_400 = tpu.memref_slice %arg3[%add3A_387] : memref<3276800xi32, #tpu.memory_space<hbm>> -> memref<3200xi32, #tpu.memory_space<hbm>>
    tpu.wait_dma2 semaphore(%arg26 : memref<!tpu.dma_semaphore, #tpu.memory_space<semaphore_mem>>) src(%dma_wait3A_400 : memref<3200xi32, #tpu.memory_space<hbm>>) dst(%arg10 : memref<3200xi32, #tpu.memory_space<vmem>>)
    %dma_wait3A_401 = tpu.memref_slice %arg4[%add3A_270] : memref<3276800xf32, #tpu.memory_space<hbm>> -> memref<3200xf32, #tpu.memory_space<hbm>>
    %dma_wait3A_402 = tpu.memref_slice %arg4[%add3A_270] : memref<3276800xf32, #tpu.memory_space<hbm>> -> memref<3200xf32, #tpu.memory_space<hbm>>
    tpu.wait_dma2 semaphore(%arg42 : memref<!tpu.dma_semaphore, #tpu.memory_space<semaphore_mem>>) src(%arg18 : memref<3200xf32, #tpu.memory_space<vmem>>) dst(%dma_wait3A_402 : memref<3200xf32, #tpu.memory_space<hbm>>)
    %dma_start3A_403 = arith.constant 0 : i32
    %dma_start3A_404 = tpu.memref_slice %arg5[%dma_start3A_403] : memref<1000000xf32, #tpu.memory_space<vmem_shared>> -> memref<1000000xf32, #tpu.memory_space<vmem_shared>>
    tpu.enqueue_indirect_dma source(%dma_start3A_404 : memref<1000000xf32, #tpu.memory_space<vmem_shared>>) target(%arg18 : memref<3200xf32, #tpu.memory_space<vmem>>) offsets(%arg10 : memref<3200xi32, #tpu.memory_space<vmem>>) semaphore(%arg34 : memref<!tpu.dma_semaphore, #tpu.memory_space<semaphore_mem>>)
    %dma_wait3A_405 = arith.constant 0 : i32
    %dma_wait3A_406 = tpu.memref_slice %arg5[%dma_wait3A_405] : memref<1000000xf32, #tpu.memory_space<vmem_shared>> -> memref<1000000xf32, #tpu.memory_space<vmem_shared>>
    tpu.wait_indirect_dma semaphore(%arg33 : memref<!tpu.dma_semaphore, #tpu.memory_space<semaphore_mem>>) src(%dma_wait3A_406 : memref<1000000xf32, #tpu.memory_space<vmem_shared>>) dst(%arg17 : memref<3200xf32, #tpu.memory_space<vmem>>)
    %add3A_407 = arith.constant 67200 : i32
    %add3A_408 = arith.addi %mul3A_4, %add3A_407 : i32
    %dma_start3A_409 = tpu.memref_slice %arg3[%add3A_408] : memref<3276800xi32, #tpu.memory_space<hbm>> -> memref<3200xi32, #tpu.memory_space<hbm>>
    %dma_start3A_410 = tpu.memref_slice %arg3[%add3A_408] : memref<3276800xi32, #tpu.memory_space<hbm>> -> memref<3200xi32, #tpu.memory_space<hbm>>
    tpu.enqueue_dma source(%dma_start3A_410 : memref<3200xi32, #tpu.memory_space<hbm>>) target(%arg11 : memref<3200xi32, #tpu.memory_space<vmem>>) target_semaphore(%arg27 : memref<!tpu.dma_semaphore, #tpu.memory_space<semaphore_mem>>)
    %scan3A_411 = arith.constant 0 : i32
    %scan3A_412 = arith.constant 200 : i32
    %scan3A_413 = arith.addi %scan3A_411, %scan3A_412 : i32
    %scan3A_414 = arith.constant 1 : i32
    scf.for %scan3A_674 = %scan3A_411 to %scan3A_413 step %scan3A_414  : i32 {
      %mul3A_675 = arith.constant 16 : i32
      %mul3A_676 = arith.muli %scan3A_674, %mul3A_675 : i32
      %get3A = arith.index_cast %mul3A_676 : i32 to index
      %get3A_677 = tpu.vector_load %arg17[%get3A] {strides = array<i32>} : memref<3200xf32, #tpu.memory_space<vmem>>, vector<16xf32>,
      %get3A_678 = vector.shape_cast %get3A_677 : vector<16xf32> to vector<16xf32>
      %gt3A = arith.constant 0.000000e+00 : f32
      %gt3A_679 = vector.broadcast %gt3A : f32 to vector<16xf32>
      %gt3A_680 = arith.cmpf ogt, %get3A_678, %gt3A_679 : vector<16xf32>
      %add3A_681 = arith.constant 1.000000e+00 : f32
      %add3A_682 = vector.broadcast %add3A_681 : f32 to vector<16xf32>
      %add3A_683 = arith.addf %get3A_678, %add3A_682 : vector<16xf32>
      %exp3A = math.exp %get3A_678 : vector<16xf32>
      %select_n3A = arith.select %gt3A_680, %add3A_683, %exp3A : vector<16xi1>, vector<16xf32>
      %mul3A_684 = arith.constant 16 : i32
      %mul3A_685 = arith.muli %scan3A_674, %mul3A_684 : i32
      %swap3A = arith.index_cast %mul3A_685 : i32 to index
      %swap3A_686 = tpu.vector_load %arg17[%swap3A] {strides = array<i32>} : memref<3200xf32, #tpu.memory_space<vmem>>, vector<16xf32>,
      %swap3A_687 = vector.shape_cast %swap3A_686 : vector<16xf32> to vector<16xf32>
      %swap3A_688 = vector.shape_cast %select_n3A : vector<16xf32> to vector<16xf32>
      tpu.vector_store %arg17[%swap3A], %swap3A_688 {strides = array<i32>} : memref<3200xf32, #tpu.memory_space<vmem>>, vector<16xf32>,
    }
    %scan3A_415 = arith.constant 200 : i32
    %add3A_416 = arith.constant 60800 : i32
    %add3A_417 = arith.addi %mul3A_4, %add3A_416 : i32
    %dma_start3A_418 = tpu.memref_slice %arg4[%add3A_417] : memref<3276800xf32, #tpu.memory_space<hbm>> -> memref<3200xf32, #tpu.memory_space<hbm>>
    %dma_start3A_419 = tpu.memref_slice %arg4[%add3A_417] : memref<3276800xf32, #tpu.memory_space<hbm>> -> memref<3200xf32, #tpu.memory_space<hbm>>
    tpu.enqueue_dma source(%arg17 : memref<3200xf32, #tpu.memory_space<vmem>>) target(%dma_start3A_419 : memref<3200xf32, #tpu.memory_space<hbm>>) target_semaphore(%arg41 : memref<!tpu.dma_semaphore, #tpu.memory_space<semaphore_mem>>)
    %dma_wait3A_420 = tpu.memref_slice %arg3[%add3A_408] : memref<3276800xi32, #tpu.memory_space<hbm>> -> memref<3200xi32, #tpu.memory_space<hbm>>
    %dma_wait3A_421 = tpu.memref_slice %arg3[%add3A_408] : memref<3276800xi32, #tpu.memory_space<hbm>> -> memref<3200xi32, #tpu.memory_space<hbm>>
    tpu.wait_dma2 semaphore(%arg27 : memref<!tpu.dma_semaphore, #tpu.memory_space<semaphore_mem>>) src(%dma_wait3A_421 : memref<3200xi32, #tpu.memory_space<hbm>>) dst(%arg11 : memref<3200xi32, #tpu.memory_space<vmem>>)
    %dma_wait3A_422 = tpu.memref_slice %arg4[%add3A_291] : memref<3276800xf32, #tpu.memory_space<hbm>> -> memref<3200xf32, #tpu.memory_space<hbm>>
    %dma_wait3A_423 = tpu.memref_slice %arg4[%add3A_291] : memref<3276800xf32, #tpu.memory_space<hbm>> -> memref<3200xf32, #tpu.memory_space<hbm>>
    tpu.wait_dma2 semaphore(%arg43 : memref<!tpu.dma_semaphore, #tpu.memory_space<semaphore_mem>>) src(%arg19 : memref<3200xf32, #tpu.memory_space<vmem>>) dst(%dma_wait3A_423 : memref<3200xf32, #tpu.memory_space<hbm>>)
    %dma_start3A_424 = arith.constant 0 : i32
    %dma_start3A_425 = tpu.memref_slice %arg5[%dma_start3A_424] : memref<1000000xf32, #tpu.memory_space<vmem_shared>> -> memref<1000000xf32, #tpu.memory_space<vmem_shared>>
    tpu.enqueue_indirect_dma source(%dma_start3A_425 : memref<1000000xf32, #tpu.memory_space<vmem_shared>>) target(%arg19 : memref<3200xf32, #tpu.memory_space<vmem>>) offsets(%arg11 : memref<3200xi32, #tpu.memory_space<vmem>>) semaphore(%arg35 : memref<!tpu.dma_semaphore, #tpu.memory_space<semaphore_mem>>)
    %dma_wait3A_426 = arith.constant 0 : i32
    %dma_wait3A_427 = tpu.memref_slice %arg5[%dma_wait3A_426] : memref<1000000xf32, #tpu.memory_space<vmem_shared>> -> memref<1000000xf32, #tpu.memory_space<vmem_shared>>
    tpu.wait_indirect_dma semaphore(%arg34 : memref<!tpu.dma_semaphore, #tpu.memory_space<semaphore_mem>>) src(%dma_wait3A_427 : memref<1000000xf32, #tpu.memory_space<vmem_shared>>) dst(%arg18 : memref<3200xf32, #tpu.memory_space<vmem>>)
    %add3A_428 = arith.constant 70400 : i32
    %add3A_429 = arith.addi %mul3A_4, %add3A_428 : i32
    %dma_start3A_430 = tpu.memref_slice %arg3[%add3A_429] : memref<3276800xi32, #tpu.memory_space<hbm>> -> memref<3200xi32, #tpu.memory_space<hbm>>
    %dma_start3A_431 = tpu.memref_slice %arg3[%add3A_429] : memref<3276800xi32, #tpu.memory_space<hbm>> -> memref<3200xi32, #tpu.memory_space<hbm>>
    tpu.enqueue_dma source(%dma_start3A_431 : memref<3200xi32, #tpu.memory_space<hbm>>) target(%arg12 : memref<3200xi32, #tpu.memory_space<vmem>>) target_semaphore(%arg28 : memref<!tpu.dma_semaphore, #tpu.memory_space<semaphore_mem>>)
    %scan3A_432 = arith.constant 0 : i32
    %scan3A_433 = arith.constant 200 : i32
    %scan3A_434 = arith.addi %scan3A_432, %scan3A_433 : i32
    %scan3A_435 = arith.constant 1 : i32
    scf.for %scan3A_674 = %scan3A_432 to %scan3A_434 step %scan3A_435  : i32 {
      %mul3A_675 = arith.constant 16 : i32
      %mul3A_676 = arith.muli %scan3A_674, %mul3A_675 : i32
      %get3A = arith.index_cast %mul3A_676 : i32 to index
      %get3A_677 = tpu.vector_load %arg18[%get3A] {strides = array<i32>} : memref<3200xf32, #tpu.memory_space<vmem>>, vector<16xf32>,
      %get3A_678 = vector.shape_cast %get3A_677 : vector<16xf32> to vector<16xf32>
      %gt3A = arith.constant 0.000000e+00 : f32
      %gt3A_679 = vector.broadcast %gt3A : f32 to vector<16xf32>
      %gt3A_680 = arith.cmpf ogt, %get3A_678, %gt3A_679 : vector<16xf32>
      %add3A_681 = arith.constant 1.000000e+00 : f32
      %add3A_682 = vector.broadcast %add3A_681 : f32 to vector<16xf32>
      %add3A_683 = arith.addf %get3A_678, %add3A_682 : vector<16xf32>
      %exp3A = math.exp %get3A_678 : vector<16xf32>
      %select_n3A = arith.select %gt3A_680, %add3A_683, %exp3A : vector<16xi1>, vector<16xf32>
      %mul3A_684 = arith.constant 16 : i32
      %mul3A_685 = arith.muli %scan3A_674, %mul3A_684 : i32
      %swap3A = arith.index_cast %mul3A_685 : i32 to index
      %swap3A_686 = tpu.vector_load %arg18[%swap3A] {strides = array<i32>} : memref<3200xf32, #tpu.memory_space<vmem>>, vector<16xf32>,
      %swap3A_687 = vector.shape_cast %swap3A_686 : vector<16xf32> to vector<16xf32>
      %swap3A_688 = vector.shape_cast %select_n3A : vector<16xf32> to vector<16xf32>
      tpu.vector_store %arg18[%swap3A], %swap3A_688 {strides = array<i32>} : memref<3200xf32, #tpu.memory_space<vmem>>, vector<16xf32>,
    }
    %scan3A_436 = arith.constant 200 : i32
    %add3A_437 = arith.constant 64000 : i32
    %add3A_438 = arith.addi %mul3A_4, %add3A_437 : i32
    %dma_start3A_439 = tpu.memref_slice %arg4[%add3A_438] : memref<3276800xf32, #tpu.memory_space<hbm>> -> memref<3200xf32, #tpu.memory_space<hbm>>
    %dma_start3A_440 = tpu.memref_slice %arg4[%add3A_438] : memref<3276800xf32, #tpu.memory_space<hbm>> -> memref<3200xf32, #tpu.memory_space<hbm>>
    tpu.enqueue_dma source(%arg18 : memref<3200xf32, #tpu.memory_space<vmem>>) target(%dma_start3A_440 : memref<3200xf32, #tpu.memory_space<hbm>>) target_semaphore(%arg42 : memref<!tpu.dma_semaphore, #tpu.memory_space<semaphore_mem>>)
    %dma_wait3A_441 = tpu.memref_slice %arg3[%add3A_429] : memref<3276800xi32, #tpu.memory_space<hbm>> -> memref<3200xi32, #tpu.memory_space<hbm>>
    %dma_wait3A_442 = tpu.memref_slice %arg3[%add3A_429] : memref<3276800xi32, #tpu.memory_space<hbm>> -> memref<3200xi32, #tpu.memory_space<hbm>>
    tpu.wait_dma2 semaphore(%arg28 : memref<!tpu.dma_semaphore, #tpu.memory_space<semaphore_mem>>) src(%dma_wait3A_442 : memref<3200xi32, #tpu.memory_space<hbm>>) dst(%arg12 : memref<3200xi32, #tpu.memory_space<vmem>>)
    %dma_wait3A_443 = tpu.memref_slice %arg4[%add3A_312] : memref<3276800xf32, #tpu.memory_space<hbm>> -> memref<3200xf32, #tpu.memory_space<hbm>>
    %dma_wait3A_444 = tpu.memref_slice %arg4[%add3A_312] : memref<3276800xf32, #tpu.memory_space<hbm>> -> memref<3200xf32, #tpu.memory_space<hbm>>
    tpu.wait_dma2 semaphore(%arg44 : memref<!tpu.dma_semaphore, #tpu.memory_space<semaphore_mem>>) src(%arg20 : memref<3200xf32, #tpu.memory_space<vmem>>) dst(%dma_wait3A_444 : memref<3200xf32, #tpu.memory_space<hbm>>)
    %dma_start3A_445 = arith.constant 0 : i32
    %dma_start3A_446 = tpu.memref_slice %arg5[%dma_start3A_445] : memref<1000000xf32, #tpu.memory_space<vmem_shared>> -> memref<1000000xf32, #tpu.memory_space<vmem_shared>>
    tpu.enqueue_indirect_dma source(%dma_start3A_446 : memref<1000000xf32, #tpu.memory_space<vmem_shared>>) target(%arg20 : memref<3200xf32, #tpu.memory_space<vmem>>) offsets(%arg12 : memref<3200xi32, #tpu.memory_space<vmem>>) semaphore(%arg36 : memref<!tpu.dma_semaphore, #tpu.memory_space<semaphore_mem>>)
    %dma_wait3A_447 = arith.constant 0 : i32
    %dma_wait3A_448 = tpu.memref_slice %arg5[%dma_wait3A_447] : memref<1000000xf32, #tpu.memory_space<vmem_shared>> -> memref<1000000xf32, #tpu.memory_space<vmem_shared>>
    tpu.wait_indirect_dma semaphore(%arg35 : memref<!tpu.dma_semaphore, #tpu.memory_space<semaphore_mem>>) src(%dma_wait3A_448 : memref<1000000xf32, #tpu.memory_space<vmem_shared>>) dst(%arg19 : memref<3200xf32, #tpu.memory_space<vmem>>)
    %add3A_449 = arith.constant 73600 : i32
    %add3A_450 = arith.addi %mul3A_4, %add3A_449 : i32
    %dma_start3A_451 = tpu.memref_slice %arg3[%add3A_450] : memref<3276800xi32, #tpu.memory_space<hbm>> -> memref<3200xi32, #tpu.memory_space<hbm>>
    %dma_start3A_452 = tpu.memref_slice %arg3[%add3A_450] : memref<3276800xi32, #tpu.memory_space<hbm>> -> memref<3200xi32, #tpu.memory_space<hbm>>
    tpu.enqueue_dma source(%dma_start3A_452 : memref<3200xi32, #tpu.memory_space<hbm>>) target(%arg13 : memref<3200xi32, #tpu.memory_space<vmem>>) target_semaphore(%arg29 : memref<!tpu.dma_semaphore, #tpu.memory_space<semaphore_mem>>)
    %scan3A_453 = arith.constant 0 : i32
    %scan3A_454 = arith.constant 200 : i32
    %scan3A_455 = arith.addi %scan3A_453, %scan3A_454 : i32
    %scan3A_456 = arith.constant 1 : i32
    scf.for %scan3A_674 = %scan3A_453 to %scan3A_455 step %scan3A_456  : i32 {
      %mul3A_675 = arith.constant 16 : i32
      %mul3A_676 = arith.muli %scan3A_674, %mul3A_675 : i32
      %get3A = arith.index_cast %mul3A_676 : i32 to index
      %get3A_677 = tpu.vector_load %arg19[%get3A] {strides = array<i32>} : memref<3200xf32, #tpu.memory_space<vmem>>, vector<16xf32>,
      %get3A_678 = vector.shape_cast %get3A_677 : vector<16xf32> to vector<16xf32>
      %gt3A = arith.constant 0.000000e+00 : f32
      %gt3A_679 = vector.broadcast %gt3A : f32 to vector<16xf32>
      %gt3A_680 = arith.cmpf ogt, %get3A_678, %gt3A_679 : vector<16xf32>
      %add3A_681 = arith.constant 1.000000e+00 : f32
      %add3A_682 = vector.broadcast %add3A_681 : f32 to vector<16xf32>
      %add3A_683 = arith.addf %get3A_678, %add3A_682 : vector<16xf32>
      %exp3A = math.exp %get3A_678 : vector<16xf32>
      %select_n3A = arith.select %gt3A_680, %add3A_683, %exp3A : vector<16xi1>, vector<16xf32>
      %mul3A_684 = arith.constant 16 : i32
      %mul3A_685 = arith.muli %scan3A_674, %mul3A_684 : i32
      %swap3A = arith.index_cast %mul3A_685 : i32 to index
      %swap3A_686 = tpu.vector_load %arg19[%swap3A] {strides = array<i32>} : memref<3200xf32, #tpu.memory_space<vmem>>, vector<16xf32>,
      %swap3A_687 = vector.shape_cast %swap3A_686 : vector<16xf32> to vector<16xf32>
      %swap3A_688 = vector.shape_cast %select_n3A : vector<16xf32> to vector<16xf32>
      tpu.vector_store %arg19[%swap3A], %swap3A_688 {strides = array<i32>} : memref<3200xf32, #tpu.memory_space<vmem>>, vector<16xf32>,
    }
    %scan3A_457 = arith.constant 200 : i32
    %add3A_458 = arith.constant 67200 : i32
    %add3A_459 = arith.addi %mul3A_4, %add3A_458 : i32
    %dma_start3A_460 = tpu.memref_slice %arg4[%add3A_459] : memref<3276800xf32, #tpu.memory_space<hbm>> -> memref<3200xf32, #tpu.memory_space<hbm>>
    %dma_start3A_461 = tpu.memref_slice %arg4[%add3A_459] : memref<3276800xf32, #tpu.memory_space<hbm>> -> memref<3200xf32, #tpu.memory_space<hbm>>
    tpu.enqueue_dma source(%arg19 : memref<3200xf32, #tpu.memory_space<vmem>>) target(%dma_start3A_461 : memref<3200xf32, #tpu.memory_space<hbm>>) target_semaphore(%arg43 : memref<!tpu.dma_semaphore, #tpu.memory_space<semaphore_mem>>)
    %dma_wait3A_462 = tpu.memref_slice %arg3[%add3A_450] : memref<3276800xi32, #tpu.memory_space<hbm>> -> memref<3200xi32, #tpu.memory_space<hbm>>
    %dma_wait3A_463 = tpu.memref_slice %arg3[%add3A_450] : memref<3276800xi32, #tpu.memory_space<hbm>> -> memref<3200xi32, #tpu.memory_space<hbm>>
    tpu.wait_dma2 semaphore(%arg29 : memref<!tpu.dma_semaphore, #tpu.memory_space<semaphore_mem>>) src(%dma_wait3A_463 : memref<3200xi32, #tpu.memory_space<hbm>>) dst(%arg13 : memref<3200xi32, #tpu.memory_space<vmem>>)
    %dma_wait3A_464 = tpu.memref_slice %arg4[%add3A_333] : memref<3276800xf32, #tpu.memory_space<hbm>> -> memref<3200xf32, #tpu.memory_space<hbm>>
    %dma_wait3A_465 = tpu.memref_slice %arg4[%add3A_333] : memref<3276800xf32, #tpu.memory_space<hbm>> -> memref<3200xf32, #tpu.memory_space<hbm>>
    tpu.wait_dma2 semaphore(%arg45 : memref<!tpu.dma_semaphore, #tpu.memory_space<semaphore_mem>>) src(%arg21 : memref<3200xf32, #tpu.memory_space<vmem>>) dst(%dma_wait3A_465 : memref<3200xf32, #tpu.memory_space<hbm>>)
    %dma_start3A_466 = arith.constant 0 : i32
    %dma_start3A_467 = tpu.memref_slice %arg5[%dma_start3A_466] : memref<1000000xf32, #tpu.memory_space<vmem_shared>> -> memref<1000000xf32, #tpu.memory_space<vmem_shared>>
    tpu.enqueue_indirect_dma source(%dma_start3A_467 : memref<1000000xf32, #tpu.memory_space<vmem_shared>>) target(%arg21 : memref<3200xf32, #tpu.memory_space<vmem>>) offsets(%arg13 : memref<3200xi32, #tpu.memory_space<vmem>>) semaphore(%arg37 : memref<!tpu.dma_semaphore, #tpu.memory_space<semaphore_mem>>)
    %dma_wait3A_468 = arith.constant 0 : i32
    %dma_wait3A_469 = tpu.memref_slice %arg5[%dma_wait3A_468] : memref<1000000xf32, #tpu.memory_space<vmem_shared>> -> memref<1000000xf32, #tpu.memory_space<vmem_shared>>
    tpu.wait_indirect_dma semaphore(%arg36 : memref<!tpu.dma_semaphore, #tpu.memory_space<semaphore_mem>>) src(%dma_wait3A_469 : memref<1000000xf32, #tpu.memory_space<vmem_shared>>) dst(%arg20 : memref<3200xf32, #tpu.memory_space<vmem>>)
    %add3A_470 = arith.constant 76800 : i32
    %add3A_471 = arith.addi %mul3A_4, %add3A_470 : i32
    %dma_start3A_472 = tpu.memref_slice %arg3[%add3A_471] : memref<3276800xi32, #tpu.memory_space<hbm>> -> memref<3200xi32, #tpu.memory_space<hbm>>
    %dma_start3A_473 = tpu.memref_slice %arg3[%add3A_471] : memref<3276800xi32, #tpu.memory_space<hbm>> -> memref<3200xi32, #tpu.memory_space<hbm>>
    tpu.enqueue_dma source(%dma_start3A_473 : memref<3200xi32, #tpu.memory_space<hbm>>) target(%arg6 : memref<3200xi32, #tpu.memory_space<vmem>>) target_semaphore(%arg22 : memref<!tpu.dma_semaphore, #tpu.memory_space<semaphore_mem>>)
    %scan3A_474 = arith.constant 0 : i32
    %scan3A_475 = arith.constant 200 : i32
    %scan3A_476 = arith.addi %scan3A_474, %scan3A_475 : i32
    %scan3A_477 = arith.constant 1 : i32
    scf.for %scan3A_674 = %scan3A_474 to %scan3A_476 step %scan3A_477  : i32 {
      %mul3A_675 = arith.constant 16 : i32
      %mul3A_676 = arith.muli %scan3A_674, %mul3A_675 : i32
      %get3A = arith.index_cast %mul3A_676 : i32 to index
      %get3A_677 = tpu.vector_load %arg20[%get3A] {strides = array<i32>} : memref<3200xf32, #tpu.memory_space<vmem>>, vector<16xf32>,
      %get3A_678 = vector.shape_cast %get3A_677 : vector<16xf32> to vector<16xf32>
      %gt3A = arith.constant 0.000000e+00 : f32
      %gt3A_679 = vector.broadcast %gt3A : f32 to vector<16xf32>
      %gt3A_680 = arith.cmpf ogt, %get3A_678, %gt3A_679 : vector<16xf32>
      %add3A_681 = arith.constant 1.000000e+00 : f32
      %add3A_682 = vector.broadcast %add3A_681 : f32 to vector<16xf32>
      %add3A_683 = arith.addf %get3A_678, %add3A_682 : vector<16xf32>
      %exp3A = math.exp %get3A_678 : vector<16xf32>
      %select_n3A = arith.select %gt3A_680, %add3A_683, %exp3A : vector<16xi1>, vector<16xf32>
      %mul3A_684 = arith.constant 16 : i32
      %mul3A_685 = arith.muli %scan3A_674, %mul3A_684 : i32
      %swap3A = arith.index_cast %mul3A_685 : i32 to index
      %swap3A_686 = tpu.vector_load %arg20[%swap3A] {strides = array<i32>} : memref<3200xf32, #tpu.memory_space<vmem>>, vector<16xf32>,
      %swap3A_687 = vector.shape_cast %swap3A_686 : vector<16xf32> to vector<16xf32>
      %swap3A_688 = vector.shape_cast %select_n3A : vector<16xf32> to vector<16xf32>
      tpu.vector_store %arg20[%swap3A], %swap3A_688 {strides = array<i32>} : memref<3200xf32, #tpu.memory_space<vmem>>, vector<16xf32>,
    }
    %scan3A_478 = arith.constant 200 : i32
    %add3A_479 = arith.constant 70400 : i32
    %add3A_480 = arith.addi %mul3A_4, %add3A_479 : i32
    %dma_start3A_481 = tpu.memref_slice %arg4[%add3A_480] : memref<3276800xf32, #tpu.memory_space<hbm>> -> memref<3200xf32, #tpu.memory_space<hbm>>
    %dma_start3A_482 = tpu.memref_slice %arg4[%add3A_480] : memref<3276800xf32, #tpu.memory_space<hbm>> -> memref<3200xf32, #tpu.memory_space<hbm>>
    tpu.enqueue_dma source(%arg20 : memref<3200xf32, #tpu.memory_space<vmem>>) target(%dma_start3A_482 : memref<3200xf32, #tpu.memory_space<hbm>>) target_semaphore(%arg44 : memref<!tpu.dma_semaphore, #tpu.memory_space<semaphore_mem>>)
    %dma_wait3A_483 = tpu.memref_slice %arg3[%add3A_471] : memref<3276800xi32, #tpu.memory_space<hbm>> -> memref<3200xi32, #tpu.memory_space<hbm>>
    %dma_wait3A_484 = tpu.memref_slice %arg3[%add3A_471] : memref<3276800xi32, #tpu.memory_space<hbm>> -> memref<3200xi32, #tpu.memory_space<hbm>>
    tpu.wait_dma2 semaphore(%arg22 : memref<!tpu.dma_semaphore, #tpu.memory_space<semaphore_mem>>) src(%dma_wait3A_484 : memref<3200xi32, #tpu.memory_space<hbm>>) dst(%arg6 : memref<3200xi32, #tpu.memory_space<vmem>>)
    %dma_wait3A_485 = tpu.memref_slice %arg4[%add3A_354] : memref<3276800xf32, #tpu.memory_space<hbm>> -> memref<3200xf32, #tpu.memory_space<hbm>>
    %dma_wait3A_486 = tpu.memref_slice %arg4[%add3A_354] : memref<3276800xf32, #tpu.memory_space<hbm>> -> memref<3200xf32, #tpu.memory_space<hbm>>
    tpu.wait_dma2 semaphore(%arg38 : memref<!tpu.dma_semaphore, #tpu.memory_space<semaphore_mem>>) src(%arg14 : memref<3200xf32, #tpu.memory_space<vmem>>) dst(%dma_wait3A_486 : memref<3200xf32, #tpu.memory_space<hbm>>)
    %dma_start3A_487 = arith.constant 0 : i32
    %dma_start3A_488 = tpu.memref_slice %arg5[%dma_start3A_487] : memref<1000000xf32, #tpu.memory_space<vmem_shared>> -> memref<1000000xf32, #tpu.memory_space<vmem_shared>>
    tpu.enqueue_indirect_dma source(%dma_start3A_488 : memref<1000000xf32, #tpu.memory_space<vmem_shared>>) target(%arg14 : memref<3200xf32, #tpu.memory_space<vmem>>) offsets(%arg6 : memref<3200xi32, #tpu.memory_space<vmem>>) semaphore(%arg30 : memref<!tpu.dma_semaphore, #tpu.memory_space<semaphore_mem>>)
    %dma_wait3A_489 = arith.constant 0 : i32
    %dma_wait3A_490 = tpu.memref_slice %arg5[%dma_wait3A_489] : memref<1000000xf32, #tpu.memory_space<vmem_shared>> -> memref<1000000xf32, #tpu.memory_space<vmem_shared>>
    tpu.wait_indirect_dma semaphore(%arg37 : memref<!tpu.dma_semaphore, #tpu.memory_space<semaphore_mem>>) src(%dma_wait3A_490 : memref<1000000xf32, #tpu.memory_space<vmem_shared>>) dst(%arg21 : memref<3200xf32, #tpu.memory_space<vmem>>)
    %add3A_491 = arith.constant 80000 : i32
    %add3A_492 = arith.addi %mul3A_4, %add3A_491 : i32
    %dma_start3A_493 = tpu.memref_slice %arg3[%add3A_492] : memref<3276800xi32, #tpu.memory_space<hbm>> -> memref<3200xi32, #tpu.memory_space<hbm>>
    %dma_start3A_494 = tpu.memref_slice %arg3[%add3A_492] : memref<3276800xi32, #tpu.memory_space<hbm>> -> memref<3200xi32, #tpu.memory_space<hbm>>
    tpu.enqueue_dma source(%dma_start3A_494 : memref<3200xi32, #tpu.memory_space<hbm>>) target(%arg7 : memref<3200xi32, #tpu.memory_space<vmem>>) target_semaphore(%arg23 : memref<!tpu.dma_semaphore, #tpu.memory_space<semaphore_mem>>)
    %scan3A_495 = arith.constant 0 : i32
    %scan3A_496 = arith.constant 200 : i32
    %scan3A_497 = arith.addi %scan3A_495, %scan3A_496 : i32
    %scan3A_498 = arith.constant 1 : i32
    scf.for %scan3A_674 = %scan3A_495 to %scan3A_497 step %scan3A_498  : i32 {
      %mul3A_675 = arith.constant 16 : i32
      %mul3A_676 = arith.muli %scan3A_674, %mul3A_675 : i32
      %get3A = arith.index_cast %mul3A_676 : i32 to index
      %get3A_677 = tpu.vector_load %arg21[%get3A] {strides = array<i32>} : memref<3200xf32, #tpu.memory_space<vmem>>, vector<16xf32>,
      %get3A_678 = vector.shape_cast %get3A_677 : vector<16xf32> to vector<16xf32>
      %gt3A = arith.constant 0.000000e+00 : f32
      %gt3A_679 = vector.broadcast %gt3A : f32 to vector<16xf32>
      %gt3A_680 = arith.cmpf ogt, %get3A_678, %gt3A_679 : vector<16xf32>
      %add3A_681 = arith.constant 1.000000e+00 : f32
      %add3A_682 = vector.broadcast %add3A_681 : f32 to vector<16xf32>
      %add3A_683 = arith.addf %get3A_678, %add3A_682 : vector<16xf32>
      %exp3A = math.exp %get3A_678 : vector<16xf32>
      %select_n3A = arith.select %gt3A_680, %add3A_683, %exp3A : vector<16xi1>, vector<16xf32>
      %mul3A_684 = arith.constant 16 : i32
      %mul3A_685 = arith.muli %scan3A_674, %mul3A_684 : i32
      %swap3A = arith.index_cast %mul3A_685 : i32 to index
      %swap3A_686 = tpu.vector_load %arg21[%swap3A] {strides = array<i32>} : memref<3200xf32, #tpu.memory_space<vmem>>, vector<16xf32>,
      %swap3A_687 = vector.shape_cast %swap3A_686 : vector<16xf32> to vector<16xf32>
      %swap3A_688 = vector.shape_cast %select_n3A : vector<16xf32> to vector<16xf32>
      tpu.vector_store %arg21[%swap3A], %swap3A_688 {strides = array<i32>} : memref<3200xf32, #tpu.memory_space<vmem>>, vector<16xf32>,
    }
    %scan3A_499 = arith.constant 200 : i32
    %add3A_500 = arith.constant 73600 : i32
    %add3A_501 = arith.addi %mul3A_4, %add3A_500 : i32
    %dma_start3A_502 = tpu.memref_slice %arg4[%add3A_501] : memref<3276800xf32, #tpu.memory_space<hbm>> -> memref<3200xf32, #tpu.memory_space<hbm>>
    %dma_start3A_503 = tpu.memref_slice %arg4[%add3A_501] : memref<3276800xf32, #tpu.memory_space<hbm>> -> memref<3200xf32, #tpu.memory_space<hbm>>
    tpu.enqueue_dma source(%arg21 : memref<3200xf32, #tpu.memory_space<vmem>>) target(%dma_start3A_503 : memref<3200xf32, #tpu.memory_space<hbm>>) target_semaphore(%arg45 : memref<!tpu.dma_semaphore, #tpu.memory_space<semaphore_mem>>)
    %dma_wait3A_504 = tpu.memref_slice %arg3[%add3A_492] : memref<3276800xi32, #tpu.memory_space<hbm>> -> memref<3200xi32, #tpu.memory_space<hbm>>
    %dma_wait3A_505 = tpu.memref_slice %arg3[%add3A_492] : memref<3276800xi32, #tpu.memory_space<hbm>> -> memref<3200xi32, #tpu.memory_space<hbm>>
    tpu.wait_dma2 semaphore(%arg23 : memref<!tpu.dma_semaphore, #tpu.memory_space<semaphore_mem>>) src(%dma_wait3A_505 : memref<3200xi32, #tpu.memory_space<hbm>>) dst(%arg7 : memref<3200xi32, #tpu.memory_space<vmem>>)
    %dma_wait3A_506 = tpu.memref_slice %arg4[%add3A_375] : memref<3276800xf32, #tpu.memory_space<hbm>> -> memref<3200xf32, #tpu.memory_space<hbm>>
    %dma_wait3A_507 = tpu.memref_slice %arg4[%add3A_375] : memref<3276800xf32, #tpu.memory_space<hbm>> -> memref<3200xf32, #tpu.memory_space<hbm>>
    tpu.wait_dma2 semaphore(%arg39 : memref<!tpu.dma_semaphore, #tpu.memory_space<semaphore_mem>>) src(%arg15 : memref<3200xf32, #tpu.memory_space<vmem>>) dst(%dma_wait3A_507 : memref<3200xf32, #tpu.memory_space<hbm>>)
    %dma_start3A_508 = arith.constant 0 : i32
    %dma_start3A_509 = tpu.memref_slice %arg5[%dma_start3A_508] : memref<1000000xf32, #tpu.memory_space<vmem_shared>> -> memref<1000000xf32, #tpu.memory_space<vmem_shared>>
    tpu.enqueue_indirect_dma source(%dma_start3A_509 : memref<1000000xf32, #tpu.memory_space<vmem_shared>>) target(%arg15 : memref<3200xf32, #tpu.memory_space<vmem>>) offsets(%arg7 : memref<3200xi32, #tpu.memory_space<vmem>>) semaphore(%arg31 : memref<!tpu.dma_semaphore, #tpu.memory_space<semaphore_mem>>)
    %dma_wait3A_510 = arith.constant 0 : i32
    %dma_wait3A_511 = tpu.memref_slice %arg5[%dma_wait3A_510] : memref<1000000xf32, #tpu.memory_space<vmem_shared>> -> memref<1000000xf32, #tpu.memory_space<vmem_shared>>
    tpu.wait_indirect_dma semaphore(%arg30 : memref<!tpu.dma_semaphore, #tpu.memory_space<semaphore_mem>>) src(%dma_wait3A_511 : memref<1000000xf32, #tpu.memory_space<vmem_shared>>) dst(%arg14 : memref<3200xf32, #tpu.memory_space<vmem>>)
    %add3A_512 = arith.constant 83200 : i32
    %add3A_513 = arith.addi %mul3A_4, %add3A_512 : i32
    %dma_start3A_514 = tpu.memref_slice %arg3[%add3A_513] : memref<3276800xi32, #tpu.memory_space<hbm>> -> memref<3200xi32, #tpu.memory_space<hbm>>
    %dma_start3A_515 = tpu.memref_slice %arg3[%add3A_513] : memref<3276800xi32, #tpu.memory_space<hbm>> -> memref<3200xi32, #tpu.memory_space<hbm>>
    tpu.enqueue_dma source(%dma_start3A_515 : memref<3200xi32, #tpu.memory_space<hbm>>) target(%arg8 : memref<3200xi32, #tpu.memory_space<vmem>>) target_semaphore(%arg24 : memref<!tpu.dma_semaphore, #tpu.memory_space<semaphore_mem>>)
    %scan3A_516 = arith.constant 0 : i32
    %scan3A_517 = arith.constant 200 : i32
    %scan3A_518 = arith.addi %scan3A_516, %scan3A_517 : i32
    %scan3A_519 = arith.constant 1 : i32
    scf.for %scan3A_674 = %scan3A_516 to %scan3A_518 step %scan3A_519  : i32 {
      %mul3A_675 = arith.constant 16 : i32
      %mul3A_676 = arith.muli %scan3A_674, %mul3A_675 : i32
      %get3A = arith.index_cast %mul3A_676 : i32 to index
      %get3A_677 = tpu.vector_load %arg14[%get3A] {strides = array<i32>} : memref<3200xf32, #tpu.memory_space<vmem>>, vector<16xf32>,
      %get3A_678 = vector.shape_cast %get3A_677 : vector<16xf32> to vector<16xf32>
      %gt3A = arith.constant 0.000000e+00 : f32
      %gt3A_679 = vector.broadcast %gt3A : f32 to vector<16xf32>
      %gt3A_680 = arith.cmpf ogt, %get3A_678, %gt3A_679 : vector<16xf32>
      %add3A_681 = arith.constant 1.000000e+00 : f32
      %add3A_682 = vector.broadcast %add3A_681 : f32 to vector<16xf32>
      %add3A_683 = arith.addf %get3A_678, %add3A_682 : vector<16xf32>
      %exp3A = math.exp %get3A_678 : vector<16xf32>
      %select_n3A = arith.select %gt3A_680, %add3A_683, %exp3A : vector<16xi1>, vector<16xf32>
      %mul3A_684 = arith.constant 16 : i32
      %mul3A_685 = arith.muli %scan3A_674, %mul3A_684 : i32
      %swap3A = arith.index_cast %mul3A_685 : i32 to index
      %swap3A_686 = tpu.vector_load %arg14[%swap3A] {strides = array<i32>} : memref<3200xf32, #tpu.memory_space<vmem>>, vector<16xf32>,
      %swap3A_687 = vector.shape_cast %swap3A_686 : vector<16xf32> to vector<16xf32>
      %swap3A_688 = vector.shape_cast %select_n3A : vector<16xf32> to vector<16xf32>
      tpu.vector_store %arg14[%swap3A], %swap3A_688 {strides = array<i32>} : memref<3200xf32, #tpu.memory_space<vmem>>, vector<16xf32>,
    }
    %scan3A_520 = arith.constant 200 : i32
    %add3A_521 = arith.constant 76800 : i32
    %add3A_522 = arith.addi %mul3A_4, %add3A_521 : i32
    %dma_start3A_523 = tpu.memref_slice %arg4[%add3A_522] : memref<3276800xf32, #tpu.memory_space<hbm>> -> memref<3200xf32, #tpu.memory_space<hbm>>
    %dma_start3A_524 = tpu.memref_slice %arg4[%add3A_522] : memref<3276800xf32, #tpu.memory_space<hbm>> -> memref<3200xf32, #tpu.memory_space<hbm>>
    tpu.enqueue_dma source(%arg14 : memref<3200xf32, #tpu.memory_space<vmem>>) target(%dma_start3A_524 : memref<3200xf32, #tpu.memory_space<hbm>>) target_semaphore(%arg38 : memref<!tpu.dma_semaphore, #tpu.memory_space<semaphore_mem>>)
    %dma_wait3A_525 = tpu.memref_slice %arg3[%add3A_513] : memref<3276800xi32, #tpu.memory_space<hbm>> -> memref<3200xi32, #tpu.memory_space<hbm>>
    %dma_wait3A_526 = tpu.memref_slice %arg3[%add3A_513] : memref<3276800xi32, #tpu.memory_space<hbm>> -> memref<3200xi32, #tpu.memory_space<hbm>>
    tpu.wait_dma2 semaphore(%arg24 : memref<!tpu.dma_semaphore, #tpu.memory_space<semaphore_mem>>) src(%dma_wait3A_526 : memref<3200xi32, #tpu.memory_space<hbm>>) dst(%arg8 : memref<3200xi32, #tpu.memory_space<vmem>>)
    %dma_wait3A_527 = tpu.memref_slice %arg4[%add3A_396] : memref<3276800xf32, #tpu.memory_space<hbm>> -> memref<3200xf32, #tpu.memory_space<hbm>>
    %dma_wait3A_528 = tpu.memref_slice %arg4[%add3A_396] : memref<3276800xf32, #tpu.memory_space<hbm>> -> memref<3200xf32, #tpu.memory_space<hbm>>
    tpu.wait_dma2 semaphore(%arg40 : memref<!tpu.dma_semaphore, #tpu.memory_space<semaphore_mem>>) src(%arg16 : memref<3200xf32, #tpu.memory_space<vmem>>) dst(%dma_wait3A_528 : memref<3200xf32, #tpu.memory_space<hbm>>)
    %dma_start3A_529 = arith.constant 0 : i32
    %dma_start3A_530 = tpu.memref_slice %arg5[%dma_start3A_529] : memref<1000000xf32, #tpu.memory_space<vmem_shared>> -> memref<1000000xf32, #tpu.memory_space<vmem_shared>>
    tpu.enqueue_indirect_dma source(%dma_start3A_530 : memref<1000000xf32, #tpu.memory_space<vmem_shared>>) target(%arg16 : memref<3200xf32, #tpu.memory_space<vmem>>) offsets(%arg8 : memref<3200xi32, #tpu.memory_space<vmem>>) semaphore(%arg32 : memref<!tpu.dma_semaphore, #tpu.memory_space<semaphore_mem>>)
    %dma_wait3A_531 = arith.constant 0 : i32
    %dma_wait3A_532 = tpu.memref_slice %arg5[%dma_wait3A_531] : memref<1000000xf32, #tpu.memory_space<vmem_shared>> -> memref<1000000xf32, #tpu.memory_space<vmem_shared>>
    tpu.wait_indirect_dma semaphore(%arg31 : memref<!tpu.dma_semaphore, #tpu.memory_space<semaphore_mem>>) src(%dma_wait3A_532 : memref<1000000xf32, #tpu.memory_space<vmem_shared>>) dst(%arg15 : memref<3200xf32, #tpu.memory_space<vmem>>)
    %add3A_533 = arith.constant 86400 : i32
    %add3A_534 = arith.addi %mul3A_4, %add3A_533 : i32
    %dma_start3A_535 = tpu.memref_slice %arg3[%add3A_534] : memref<3276800xi32, #tpu.memory_space<hbm>> -> memref<3200xi32, #tpu.memory_space<hbm>>
    %dma_start3A_536 = tpu.memref_slice %arg3[%add3A_534] : memref<3276800xi32, #tpu.memory_space<hbm>> -> memref<3200xi32, #tpu.memory_space<hbm>>
    tpu.enqueue_dma source(%dma_start3A_536 : memref<3200xi32, #tpu.memory_space<hbm>>) target(%arg9 : memref<3200xi32, #tpu.memory_space<vmem>>) target_semaphore(%arg25 : memref<!tpu.dma_semaphore, #tpu.memory_space<semaphore_mem>>)
    %scan3A_537 = arith.constant 0 : i32
    %scan3A_538 = arith.constant 200 : i32
    %scan3A_539 = arith.addi %scan3A_537, %scan3A_538 : i32
    %scan3A_540 = arith.constant 1 : i32
    scf.for %scan3A_674 = %scan3A_537 to %scan3A_539 step %scan3A_540  : i32 {
      %mul3A_675 = arith.constant 16 : i32
      %mul3A_676 = arith.muli %scan3A_674, %mul3A_675 : i32
      %get3A = arith.index_cast %mul3A_676 : i32 to index
      %get3A_677 = tpu.vector_load %arg15[%get3A] {strides = array<i32>} : memref<3200xf32, #tpu.memory_space<vmem>>, vector<16xf32>,
      %get3A_678 = vector.shape_cast %get3A_677 : vector<16xf32> to vector<16xf32>
      %gt3A = arith.constant 0.000000e+00 : f32
      %gt3A_679 = vector.broadcast %gt3A : f32 to vector<16xf32>
      %gt3A_680 = arith.cmpf ogt, %get3A_678, %gt3A_679 : vector<16xf32>
      %add3A_681 = arith.constant 1.000000e+00 : f32
      %add3A_682 = vector.broadcast %add3A_681 : f32 to vector<16xf32>
      %add3A_683 = arith.addf %get3A_678, %add3A_682 : vector<16xf32>
      %exp3A = math.exp %get3A_678 : vector<16xf32>
      %select_n3A = arith.select %gt3A_680, %add3A_683, %exp3A : vector<16xi1>, vector<16xf32>
      %mul3A_684 = arith.constant 16 : i32
      %mul3A_685 = arith.muli %scan3A_674, %mul3A_684 : i32
      %swap3A = arith.index_cast %mul3A_685 : i32 to index
      %swap3A_686 = tpu.vector_load %arg15[%swap3A] {strides = array<i32>} : memref<3200xf32, #tpu.memory_space<vmem>>, vector<16xf32>,
      %swap3A_687 = vector.shape_cast %swap3A_686 : vector<16xf32> to vector<16xf32>
      %swap3A_688 = vector.shape_cast %select_n3A : vector<16xf32> to vector<16xf32>
      tpu.vector_store %arg15[%swap3A], %swap3A_688 {strides = array<i32>} : memref<3200xf32, #tpu.memory_space<vmem>>, vector<16xf32>,
    }
    %scan3A_541 = arith.constant 200 : i32
    %add3A_542 = arith.constant 80000 : i32
    %add3A_543 = arith.addi %mul3A_4, %add3A_542 : i32
    %dma_start3A_544 = tpu.memref_slice %arg4[%add3A_543] : memref<3276800xf32, #tpu.memory_space<hbm>> -> memref<3200xf32, #tpu.memory_space<hbm>>
    %dma_start3A_545 = tpu.memref_slice %arg4[%add3A_543] : memref<3276800xf32, #tpu.memory_space<hbm>> -> memref<3200xf32, #tpu.memory_space<hbm>>
    tpu.enqueue_dma source(%arg15 : memref<3200xf32, #tpu.memory_space<vmem>>) target(%dma_start3A_545 : memref<3200xf32, #tpu.memory_space<hbm>>) target_semaphore(%arg39 : memref<!tpu.dma_semaphore, #tpu.memory_space<semaphore_mem>>)
    %dma_wait3A_546 = tpu.memref_slice %arg3[%add3A_534] : memref<3276800xi32, #tpu.memory_space<hbm>> -> memref<3200xi32, #tpu.memory_space<hbm>>
    %dma_wait3A_547 = tpu.memref_slice %arg3[%add3A_534] : memref<3276800xi32, #tpu.memory_space<hbm>> -> memref<3200xi32, #tpu.memory_space<hbm>>
    tpu.wait_dma2 semaphore(%arg25 : memref<!tpu.dma_semaphore, #tpu.memory_space<semaphore_mem>>) src(%dma_wait3A_547 : memref<3200xi32, #tpu.memory_space<hbm>>) dst(%arg9 : memref<3200xi32, #tpu.memory_space<vmem>>)
    %dma_wait3A_548 = tpu.memref_slice %arg4[%add3A_417] : memref<3276800xf32, #tpu.memory_space<hbm>> -> memref<3200xf32, #tpu.memory_space<hbm>>
    %dma_wait3A_549 = tpu.memref_slice %arg4[%add3A_417] : memref<3276800xf32, #tpu.memory_space<hbm>> -> memref<3200xf32, #tpu.memory_space<hbm>>
    tpu.wait_dma2 semaphore(%arg41 : memref<!tpu.dma_semaphore, #tpu.memory_space<semaphore_mem>>) src(%arg17 : memref<3200xf32, #tpu.memory_space<vmem>>) dst(%dma_wait3A_549 : memref<3200xf32, #tpu.memory_space<hbm>>)
    %dma_start3A_550 = arith.constant 0 : i32
    %dma_start3A_551 = tpu.memref_slice %arg5[%dma_start3A_550] : memref<1000000xf32, #tpu.memory_space<vmem_shared>> -> memref<1000000xf32, #tpu.memory_space<vmem_shared>>
    tpu.enqueue_indirect_dma source(%dma_start3A_551 : memref<1000000xf32, #tpu.memory_space<vmem_shared>>) target(%arg17 : memref<3200xf32, #tpu.memory_space<vmem>>) offsets(%arg9 : memref<3200xi32, #tpu.memory_space<vmem>>) semaphore(%arg33 : memref<!tpu.dma_semaphore, #tpu.memory_space<semaphore_mem>>)
    %dma_wait3A_552 = arith.constant 0 : i32
    %dma_wait3A_553 = tpu.memref_slice %arg5[%dma_wait3A_552] : memref<1000000xf32, #tpu.memory_space<vmem_shared>> -> memref<1000000xf32, #tpu.memory_space<vmem_shared>>
    tpu.wait_indirect_dma semaphore(%arg32 : memref<!tpu.dma_semaphore, #tpu.memory_space<semaphore_mem>>) src(%dma_wait3A_553 : memref<1000000xf32, #tpu.memory_space<vmem_shared>>) dst(%arg16 : memref<3200xf32, #tpu.memory_space<vmem>>)
    %add3A_554 = arith.constant 89600 : i32
    %add3A_555 = arith.addi %mul3A_4, %add3A_554 : i32
    %dma_start3A_556 = tpu.memref_slice %arg3[%add3A_555] : memref<3276800xi32, #tpu.memory_space<hbm>> -> memref<3200xi32, #tpu.memory_space<hbm>>
    %dma_start3A_557 = tpu.memref_slice %arg3[%add3A_555] : memref<3276800xi32, #tpu.memory_space<hbm>> -> memref<3200xi32, #tpu.memory_space<hbm>>
    tpu.enqueue_dma source(%dma_start3A_557 : memref<3200xi32, #tpu.memory_space<hbm>>) target(%arg10 : memref<3200xi32, #tpu.memory_space<vmem>>) target_semaphore(%arg26 : memref<!tpu.dma_semaphore, #tpu.memory_space<semaphore_mem>>)
    %scan3A_558 = arith.constant 0 : i32
    %scan3A_559 = arith.constant 200 : i32
    %scan3A_560 = arith.addi %scan3A_558, %scan3A_559 : i32
    %scan3A_561 = arith.constant 1 : i32
    scf.for %scan3A_674 = %scan3A_558 to %scan3A_560 step %scan3A_561  : i32 {
      %mul3A_675 = arith.constant 16 : i32
      %mul3A_676 = arith.muli %scan3A_674, %mul3A_675 : i32
      %get3A = arith.index_cast %mul3A_676 : i32 to index
      %get3A_677 = tpu.vector_load %arg16[%get3A] {strides = array<i32>} : memref<3200xf32, #tpu.memory_space<vmem>>, vector<16xf32>,
      %get3A_678 = vector.shape_cast %get3A_677 : vector<16xf32> to vector<16xf32>
      %gt3A = arith.constant 0.000000e+00 : f32
      %gt3A_679 = vector.broadcast %gt3A : f32 to vector<16xf32>
      %gt3A_680 = arith.cmpf ogt, %get3A_678, %gt3A_679 : vector<16xf32>
      %add3A_681 = arith.constant 1.000000e+00 : f32
      %add3A_682 = vector.broadcast %add3A_681 : f32 to vector<16xf32>
      %add3A_683 = arith.addf %get3A_678, %add3A_682 : vector<16xf32>
      %exp3A = math.exp %get3A_678 : vector<16xf32>
      %select_n3A = arith.select %gt3A_680, %add3A_683, %exp3A : vector<16xi1>, vector<16xf32>
      %mul3A_684 = arith.constant 16 : i32
      %mul3A_685 = arith.muli %scan3A_674, %mul3A_684 : i32
      %swap3A = arith.index_cast %mul3A_685 : i32 to index
      %swap3A_686 = tpu.vector_load %arg16[%swap3A] {strides = array<i32>} : memref<3200xf32, #tpu.memory_space<vmem>>, vector<16xf32>,
      %swap3A_687 = vector.shape_cast %swap3A_686 : vector<16xf32> to vector<16xf32>
      %swap3A_688 = vector.shape_cast %select_n3A : vector<16xf32> to vector<16xf32>
      tpu.vector_store %arg16[%swap3A], %swap3A_688 {strides = array<i32>} : memref<3200xf32, #tpu.memory_space<vmem>>, vector<16xf32>,
    }
    %scan3A_562 = arith.constant 200 : i32
    %add3A_563 = arith.constant 83200 : i32
    %add3A_564 = arith.addi %mul3A_4, %add3A_563 : i32
    %dma_start3A_565 = tpu.memref_slice %arg4[%add3A_564] : memref<3276800xf32, #tpu.memory_space<hbm>> -> memref<3200xf32, #tpu.memory_space<hbm>>
    %dma_start3A_566 = tpu.memref_slice %arg4[%add3A_564] : memref<3276800xf32, #tpu.memory_space<hbm>> -> memref<3200xf32, #tpu.memory_space<hbm>>
    tpu.enqueue_dma source(%arg16 : memref<3200xf32, #tpu.memory_space<vmem>>) target(%dma_start3A_566 : memref<3200xf32, #tpu.memory_space<hbm>>) target_semaphore(%arg40 : memref<!tpu.dma_semaphore, #tpu.memory_space<semaphore_mem>>)
    %dma_wait3A_567 = tpu.memref_slice %arg3[%add3A_555] : memref<3276800xi32, #tpu.memory_space<hbm>> -> memref<3200xi32, #tpu.memory_space<hbm>>
    %dma_wait3A_568 = tpu.memref_slice %arg3[%add3A_555] : memref<3276800xi32, #tpu.memory_space<hbm>> -> memref<3200xi32, #tpu.memory_space<hbm>>
    tpu.wait_dma2 semaphore(%arg26 : memref<!tpu.dma_semaphore, #tpu.memory_space<semaphore_mem>>) src(%dma_wait3A_568 : memref<3200xi32, #tpu.memory_space<hbm>>) dst(%arg10 : memref<3200xi32, #tpu.memory_space<vmem>>)
    %dma_wait3A_569 = tpu.memref_slice %arg4[%add3A_438] : memref<3276800xf32, #tpu.memory_space<hbm>> -> memref<3200xf32, #tpu.memory_space<hbm>>
    %dma_wait3A_570 = tpu.memref_slice %arg4[%add3A_438] : memref<3276800xf32, #tpu.memory_space<hbm>> -> memref<3200xf32, #tpu.memory_space<hbm>>
    tpu.wait_dma2 semaphore(%arg42 : memref<!tpu.dma_semaphore, #tpu.memory_space<semaphore_mem>>) src(%arg18 : memref<3200xf32, #tpu.memory_space<vmem>>) dst(%dma_wait3A_570 : memref<3200xf32, #tpu.memory_space<hbm>>)
    %dma_start3A_571 = arith.constant 0 : i32
    %dma_start3A_572 = tpu.memref_slice %arg5[%dma_start3A_571] : memref<1000000xf32, #tpu.memory_space<vmem_shared>> -> memref<1000000xf32, #tpu.memory_space<vmem_shared>>
    tpu.enqueue_indirect_dma source(%dma_start3A_572 : memref<1000000xf32, #tpu.memory_space<vmem_shared>>) target(%arg18 : memref<3200xf32, #tpu.memory_space<vmem>>) offsets(%arg10 : memref<3200xi32, #tpu.memory_space<vmem>>) semaphore(%arg34 : memref<!tpu.dma_semaphore, #tpu.memory_space<semaphore_mem>>)
    %dma_wait3A_573 = arith.constant 0 : i32
    %dma_wait3A_574 = tpu.memref_slice %arg5[%dma_wait3A_573] : memref<1000000xf32, #tpu.memory_space<vmem_shared>> -> memref<1000000xf32, #tpu.memory_space<vmem_shared>>
    tpu.wait_indirect_dma semaphore(%arg33 : memref<!tpu.dma_semaphore, #tpu.memory_space<semaphore_mem>>) src(%dma_wait3A_574 : memref<1000000xf32, #tpu.memory_space<vmem_shared>>) dst(%arg17 : memref<3200xf32, #tpu.memory_space<vmem>>)
    %add3A_575 = arith.constant 92800 : i32
    %add3A_576 = arith.addi %mul3A_4, %add3A_575 : i32
    %dma_start3A_577 = tpu.memref_slice %arg3[%add3A_576] : memref<3276800xi32, #tpu.memory_space<hbm>> -> memref<3200xi32, #tpu.memory_space<hbm>>
    %dma_start3A_578 = tpu.memref_slice %arg3[%add3A_576] : memref<3276800xi32, #tpu.memory_space<hbm>> -> memref<3200xi32, #tpu.memory_space<hbm>>
    tpu.enqueue_dma source(%dma_start3A_578 : memref<3200xi32, #tpu.memory_space<hbm>>) target(%arg11 : memref<3200xi32, #tpu.memory_space<vmem>>) target_semaphore(%arg27 : memref<!tpu.dma_semaphore, #tpu.memory_space<semaphore_mem>>)
    %scan3A_579 = arith.constant 0 : i32
    %scan3A_580 = arith.constant 200 : i32
    %scan3A_581 = arith.addi %scan3A_579, %scan3A_580 : i32
    %scan3A_582 = arith.constant 1 : i32
    scf.for %scan3A_674 = %scan3A_579 to %scan3A_581 step %scan3A_582  : i32 {
      %mul3A_675 = arith.constant 16 : i32
      %mul3A_676 = arith.muli %scan3A_674, %mul3A_675 : i32
      %get3A = arith.index_cast %mul3A_676 : i32 to index
      %get3A_677 = tpu.vector_load %arg17[%get3A] {strides = array<i32>} : memref<3200xf32, #tpu.memory_space<vmem>>, vector<16xf32>,
      %get3A_678 = vector.shape_cast %get3A_677 : vector<16xf32> to vector<16xf32>
      %gt3A = arith.constant 0.000000e+00 : f32
      %gt3A_679 = vector.broadcast %gt3A : f32 to vector<16xf32>
      %gt3A_680 = arith.cmpf ogt, %get3A_678, %gt3A_679 : vector<16xf32>
      %add3A_681 = arith.constant 1.000000e+00 : f32
      %add3A_682 = vector.broadcast %add3A_681 : f32 to vector<16xf32>
      %add3A_683 = arith.addf %get3A_678, %add3A_682 : vector<16xf32>
      %exp3A = math.exp %get3A_678 : vector<16xf32>
      %select_n3A = arith.select %gt3A_680, %add3A_683, %exp3A : vector<16xi1>, vector<16xf32>
      %mul3A_684 = arith.constant 16 : i32
      %mul3A_685 = arith.muli %scan3A_674, %mul3A_684 : i32
      %swap3A = arith.index_cast %mul3A_685 : i32 to index
      %swap3A_686 = tpu.vector_load %arg17[%swap3A] {strides = array<i32>} : memref<3200xf32, #tpu.memory_space<vmem>>, vector<16xf32>,
      %swap3A_687 = vector.shape_cast %swap3A_686 : vector<16xf32> to vector<16xf32>
      %swap3A_688 = vector.shape_cast %select_n3A : vector<16xf32> to vector<16xf32>
      tpu.vector_store %arg17[%swap3A], %swap3A_688 {strides = array<i32>} : memref<3200xf32, #tpu.memory_space<vmem>>, vector<16xf32>,
    }
    %scan3A_583 = arith.constant 200 : i32
    %add3A_584 = arith.constant 86400 : i32
    %add3A_585 = arith.addi %mul3A_4, %add3A_584 : i32
    %dma_start3A_586 = tpu.memref_slice %arg4[%add3A_585] : memref<3276800xf32, #tpu.memory_space<hbm>> -> memref<3200xf32, #tpu.memory_space<hbm>>
    %dma_start3A_587 = tpu.memref_slice %arg4[%add3A_585] : memref<3276800xf32, #tpu.memory_space<hbm>> -> memref<3200xf32, #tpu.memory_space<hbm>>
    tpu.enqueue_dma source(%arg17 : memref<3200xf32, #tpu.memory_space<vmem>>) target(%dma_start3A_587 : memref<3200xf32, #tpu.memory_space<hbm>>) target_semaphore(%arg41 : memref<!tpu.dma_semaphore, #tpu.memory_space<semaphore_mem>>)
    %dma_wait3A_588 = tpu.memref_slice %arg3[%add3A_576] : memref<3276800xi32, #tpu.memory_space<hbm>> -> memref<3200xi32, #tpu.memory_space<hbm>>
    %dma_wait3A_589 = tpu.memref_slice %arg3[%add3A_576] : memref<3276800xi32, #tpu.memory_space<hbm>> -> memref<3200xi32, #tpu.memory_space<hbm>>
    tpu.wait_dma2 semaphore(%arg27 : memref<!tpu.dma_semaphore, #tpu.memory_space<semaphore_mem>>) src(%dma_wait3A_589 : memref<3200xi32, #tpu.memory_space<hbm>>) dst(%arg11 : memref<3200xi32, #tpu.memory_space<vmem>>)
    %dma_wait3A_590 = tpu.memref_slice %arg4[%add3A_459] : memref<3276800xf32, #tpu.memory_space<hbm>> -> memref<3200xf32, #tpu.memory_space<hbm>>
    %dma_wait3A_591 = tpu.memref_slice %arg4[%add3A_459] : memref<3276800xf32, #tpu.memory_space<hbm>> -> memref<3200xf32, #tpu.memory_space<hbm>>
    tpu.wait_dma2 semaphore(%arg43 : memref<!tpu.dma_semaphore, #tpu.memory_space<semaphore_mem>>) src(%arg19 : memref<3200xf32, #tpu.memory_space<vmem>>) dst(%dma_wait3A_591 : memref<3200xf32, #tpu.memory_space<hbm>>)
    %dma_start3A_592 = arith.constant 0 : i32
    %dma_start3A_593 = tpu.memref_slice %arg5[%dma_start3A_592] : memref<1000000xf32, #tpu.memory_space<vmem_shared>> -> memref<1000000xf32, #tpu.memory_space<vmem_shared>>
    tpu.enqueue_indirect_dma source(%dma_start3A_593 : memref<1000000xf32, #tpu.memory_space<vmem_shared>>) target(%arg19 : memref<3200xf32, #tpu.memory_space<vmem>>) offsets(%arg11 : memref<3200xi32, #tpu.memory_space<vmem>>) semaphore(%arg35 : memref<!tpu.dma_semaphore, #tpu.memory_space<semaphore_mem>>)
    %dma_wait3A_594 = arith.constant 0 : i32
    %dma_wait3A_595 = tpu.memref_slice %arg5[%dma_wait3A_594] : memref<1000000xf32, #tpu.memory_space<vmem_shared>> -> memref<1000000xf32, #tpu.memory_space<vmem_shared>>
    tpu.wait_indirect_dma semaphore(%arg34 : memref<!tpu.dma_semaphore, #tpu.memory_space<semaphore_mem>>) src(%dma_wait3A_595 : memref<1000000xf32, #tpu.memory_space<vmem_shared>>) dst(%arg18 : memref<3200xf32, #tpu.memory_space<vmem>>)
    %add3A_596 = arith.constant 96000 : i32
    %add3A_597 = arith.addi %mul3A_4, %add3A_596 : i32
    %dma_start3A_598 = tpu.memref_slice %arg3[%add3A_597] : memref<3276800xi32, #tpu.memory_space<hbm>> -> memref<3200xi32, #tpu.memory_space<hbm>>
    %dma_start3A_599 = tpu.memref_slice %arg3[%add3A_597] : memref<3276800xi32, #tpu.memory_space<hbm>> -> memref<3200xi32, #tpu.memory_space<hbm>>
    tpu.enqueue_dma source(%dma_start3A_599 : memref<3200xi32, #tpu.memory_space<hbm>>) target(%arg12 : memref<3200xi32, #tpu.memory_space<vmem>>) target_semaphore(%arg28 : memref<!tpu.dma_semaphore, #tpu.memory_space<semaphore_mem>>)
    %scan3A_600 = arith.constant 0 : i32
    %scan3A_601 = arith.constant 200 : i32
    %scan3A_602 = arith.addi %scan3A_600, %scan3A_601 : i32
    %scan3A_603 = arith.constant 1 : i32
    scf.for %scan3A_674 = %scan3A_600 to %scan3A_602 step %scan3A_603  : i32 {
      %mul3A_675 = arith.constant 16 : i32
      %mul3A_676 = arith.muli %scan3A_674, %mul3A_675 : i32
      %get3A = arith.index_cast %mul3A_676 : i32 to index
      %get3A_677 = tpu.vector_load %arg18[%get3A] {strides = array<i32>} : memref<3200xf32, #tpu.memory_space<vmem>>, vector<16xf32>,
      %get3A_678 = vector.shape_cast %get3A_677 : vector<16xf32> to vector<16xf32>
      %gt3A = arith.constant 0.000000e+00 : f32
      %gt3A_679 = vector.broadcast %gt3A : f32 to vector<16xf32>
      %gt3A_680 = arith.cmpf ogt, %get3A_678, %gt3A_679 : vector<16xf32>
      %add3A_681 = arith.constant 1.000000e+00 : f32
      %add3A_682 = vector.broadcast %add3A_681 : f32 to vector<16xf32>
      %add3A_683 = arith.addf %get3A_678, %add3A_682 : vector<16xf32>
      %exp3A = math.exp %get3A_678 : vector<16xf32>
      %select_n3A = arith.select %gt3A_680, %add3A_683, %exp3A : vector<16xi1>, vector<16xf32>
      %mul3A_684 = arith.constant 16 : i32
      %mul3A_685 = arith.muli %scan3A_674, %mul3A_684 : i32
      %swap3A = arith.index_cast %mul3A_685 : i32 to index
      %swap3A_686 = tpu.vector_load %arg18[%swap3A] {strides = array<i32>} : memref<3200xf32, #tpu.memory_space<vmem>>, vector<16xf32>,
      %swap3A_687 = vector.shape_cast %swap3A_686 : vector<16xf32> to vector<16xf32>
      %swap3A_688 = vector.shape_cast %select_n3A : vector<16xf32> to vector<16xf32>
      tpu.vector_store %arg18[%swap3A], %swap3A_688 {strides = array<i32>} : memref<3200xf32, #tpu.memory_space<vmem>>, vector<16xf32>,
    }
    %scan3A_604 = arith.constant 200 : i32
    %add3A_605 = arith.constant 89600 : i32
    %add3A_606 = arith.addi %mul3A_4, %add3A_605 : i32
    %dma_start3A_607 = tpu.memref_slice %arg4[%add3A_606] : memref<3276800xf32, #tpu.memory_space<hbm>> -> memref<3200xf32, #tpu.memory_space<hbm>>
    %dma_start3A_608 = tpu.memref_slice %arg4[%add3A_606] : memref<3276800xf32, #tpu.memory_space<hbm>> -> memref<3200xf32, #tpu.memory_space<hbm>>
    tpu.enqueue_dma source(%arg18 : memref<3200xf32, #tpu.memory_space<vmem>>) target(%dma_start3A_608 : memref<3200xf32, #tpu.memory_space<hbm>>) target_semaphore(%arg42 : memref<!tpu.dma_semaphore, #tpu.memory_space<semaphore_mem>>)
    %dma_wait3A_609 = tpu.memref_slice %arg3[%add3A_597] : memref<3276800xi32, #tpu.memory_space<hbm>> -> memref<3200xi32, #tpu.memory_space<hbm>>
    %dma_wait3A_610 = tpu.memref_slice %arg3[%add3A_597] : memref<3276800xi32, #tpu.memory_space<hbm>> -> memref<3200xi32, #tpu.memory_space<hbm>>
    tpu.wait_dma2 semaphore(%arg28 : memref<!tpu.dma_semaphore, #tpu.memory_space<semaphore_mem>>) src(%dma_wait3A_610 : memref<3200xi32, #tpu.memory_space<hbm>>) dst(%arg12 : memref<3200xi32, #tpu.memory_space<vmem>>)
    %dma_wait3A_611 = tpu.memref_slice %arg4[%add3A_480] : memref<3276800xf32, #tpu.memory_space<hbm>> -> memref<3200xf32, #tpu.memory_space<hbm>>
    %dma_wait3A_612 = tpu.memref_slice %arg4[%add3A_480] : memref<3276800xf32, #tpu.memory_space<hbm>> -> memref<3200xf32, #tpu.memory_space<hbm>>
    tpu.wait_dma2 semaphore(%arg44 : memref<!tpu.dma_semaphore, #tpu.memory_space<semaphore_mem>>) src(%arg20 : memref<3200xf32, #tpu.memory_space<vmem>>) dst(%dma_wait3A_612 : memref<3200xf32, #tpu.memory_space<hbm>>)
    %dma_start3A_613 = arith.constant 0 : i32
    %dma_start3A_614 = tpu.memref_slice %arg5[%dma_start3A_613] : memref<1000000xf32, #tpu.memory_space<vmem_shared>> -> memref<1000000xf32, #tpu.memory_space<vmem_shared>>
    tpu.enqueue_indirect_dma source(%dma_start3A_614 : memref<1000000xf32, #tpu.memory_space<vmem_shared>>) target(%arg20 : memref<3200xf32, #tpu.memory_space<vmem>>) offsets(%arg12 : memref<3200xi32, #tpu.memory_space<vmem>>) semaphore(%arg36 : memref<!tpu.dma_semaphore, #tpu.memory_space<semaphore_mem>>)
    %dma_wait3A_615 = arith.constant 0 : i32
    %dma_wait3A_616 = tpu.memref_slice %arg5[%dma_wait3A_615] : memref<1000000xf32, #tpu.memory_space<vmem_shared>> -> memref<1000000xf32, #tpu.memory_space<vmem_shared>>
    tpu.wait_indirect_dma semaphore(%arg35 : memref<!tpu.dma_semaphore, #tpu.memory_space<semaphore_mem>>) src(%dma_wait3A_616 : memref<1000000xf32, #tpu.memory_space<vmem_shared>>) dst(%arg19 : memref<3200xf32, #tpu.memory_space<vmem>>)
    %add3A_617 = arith.constant 99200 : i32
    %add3A_618 = arith.addi %mul3A_4, %add3A_617 : i32
    %dma_start3A_619 = tpu.memref_slice %arg3[%add3A_618] : memref<3276800xi32, #tpu.memory_space<hbm>> -> memref<3200xi32, #tpu.memory_space<hbm>>
    %dma_start3A_620 = tpu.memref_slice %arg3[%add3A_618] : memref<3276800xi32, #tpu.memory_space<hbm>> -> memref<3200xi32, #tpu.memory_space<hbm>>
    tpu.enqueue_dma source(%dma_start3A_620 : memref<3200xi32, #tpu.memory_space<hbm>>) target(%arg13 : memref<3200xi32, #tpu.memory_space<vmem>>) target_semaphore(%arg29 : memref<!tpu.dma_semaphore, #tpu.memory_space<semaphore_mem>>)
    %scan3A_621 = arith.constant 0 : i32
    %scan3A_622 = arith.constant 200 : i32
    %scan3A_623 = arith.addi %scan3A_621, %scan3A_622 : i32
    %scan3A_624 = arith.constant 1 : i32
    scf.for %scan3A_674 = %scan3A_621 to %scan3A_623 step %scan3A_624  : i32 {
      %mul3A_675 = arith.constant 16 : i32
      %mul3A_676 = arith.muli %scan3A_674, %mul3A_675 : i32
      %get3A = arith.index_cast %mul3A_676 : i32 to index
      %get3A_677 = tpu.vector_load %arg19[%get3A] {strides = array<i32>} : memref<3200xf32, #tpu.memory_space<vmem>>, vector<16xf32>,
      %get3A_678 = vector.shape_cast %get3A_677 : vector<16xf32> to vector<16xf32>
      %gt3A = arith.constant 0.000000e+00 : f32
      %gt3A_679 = vector.broadcast %gt3A : f32 to vector<16xf32>
      %gt3A_680 = arith.cmpf ogt, %get3A_678, %gt3A_679 : vector<16xf32>
      %add3A_681 = arith.constant 1.000000e+00 : f32
      %add3A_682 = vector.broadcast %add3A_681 : f32 to vector<16xf32>
      %add3A_683 = arith.addf %get3A_678, %add3A_682 : vector<16xf32>
      %exp3A = math.exp %get3A_678 : vector<16xf32>
      %select_n3A = arith.select %gt3A_680, %add3A_683, %exp3A : vector<16xi1>, vector<16xf32>
      %mul3A_684 = arith.constant 16 : i32
      %mul3A_685 = arith.muli %scan3A_674, %mul3A_684 : i32
      %swap3A = arith.index_cast %mul3A_685 : i32 to index
      %swap3A_686 = tpu.vector_load %arg19[%swap3A] {strides = array<i32>} : memref<3200xf32, #tpu.memory_space<vmem>>, vector<16xf32>,
      %swap3A_687 = vector.shape_cast %swap3A_686 : vector<16xf32> to vector<16xf32>
      %swap3A_688 = vector.shape_cast %select_n3A : vector<16xf32> to vector<16xf32>
      tpu.vector_store %arg19[%swap3A], %swap3A_688 {strides = array<i32>} : memref<3200xf32, #tpu.memory_space<vmem>>, vector<16xf32>,
    }
    %scan3A_625 = arith.constant 200 : i32
    %add3A_626 = arith.constant 92800 : i32
    %add3A_627 = arith.addi %mul3A_4, %add3A_626 : i32
    %dma_start3A_628 = tpu.memref_slice %arg4[%add3A_627] : memref<3276800xf32, #tpu.memory_space<hbm>> -> memref<3200xf32, #tpu.memory_space<hbm>>
    %dma_start3A_629 = tpu.memref_slice %arg4[%add3A_627] : memref<3276800xf32, #tpu.memory_space<hbm>> -> memref<3200xf32, #tpu.memory_space<hbm>>
    tpu.enqueue_dma source(%arg19 : memref<3200xf32, #tpu.memory_space<vmem>>) target(%dma_start3A_629 : memref<3200xf32, #tpu.memory_space<hbm>>) target_semaphore(%arg43 : memref<!tpu.dma_semaphore, #tpu.memory_space<semaphore_mem>>)
    %dma_wait3A_630 = tpu.memref_slice %arg3[%add3A_618] : memref<3276800xi32, #tpu.memory_space<hbm>> -> memref<3200xi32, #tpu.memory_space<hbm>>
    %dma_wait3A_631 = tpu.memref_slice %arg3[%add3A_618] : memref<3276800xi32, #tpu.memory_space<hbm>> -> memref<3200xi32, #tpu.memory_space<hbm>>
    tpu.wait_dma2 semaphore(%arg29 : memref<!tpu.dma_semaphore, #tpu.memory_space<semaphore_mem>>) src(%dma_wait3A_631 : memref<3200xi32, #tpu.memory_space<hbm>>) dst(%arg13 : memref<3200xi32, #tpu.memory_space<vmem>>)
    %dma_wait3A_632 = tpu.memref_slice %arg4[%add3A_501] : memref<3276800xf32, #tpu.memory_space<hbm>> -> memref<3200xf32, #tpu.memory_space<hbm>>
    %dma_wait3A_633 = tpu.memref_slice %arg4[%add3A_501] : memref<3276800xf32, #tpu.memory_space<hbm>> -> memref<3200xf32, #tpu.memory_space<hbm>>
    tpu.wait_dma2 semaphore(%arg45 : memref<!tpu.dma_semaphore, #tpu.memory_space<semaphore_mem>>) src(%arg21 : memref<3200xf32, #tpu.memory_space<vmem>>) dst(%dma_wait3A_633 : memref<3200xf32, #tpu.memory_space<hbm>>)
    %dma_start3A_634 = arith.constant 0 : i32
    %dma_start3A_635 = tpu.memref_slice %arg5[%dma_start3A_634] : memref<1000000xf32, #tpu.memory_space<vmem_shared>> -> memref<1000000xf32, #tpu.memory_space<vmem_shared>>
    tpu.enqueue_indirect_dma source(%dma_start3A_635 : memref<1000000xf32, #tpu.memory_space<vmem_shared>>) target(%arg21 : memref<3200xf32, #tpu.memory_space<vmem>>) offsets(%arg13 : memref<3200xi32, #tpu.memory_space<vmem>>) semaphore(%arg37 : memref<!tpu.dma_semaphore, #tpu.memory_space<semaphore_mem>>)
    %dma_wait3A_636 = arith.constant 0 : i32
    %dma_wait3A_637 = tpu.memref_slice %arg5[%dma_wait3A_636] : memref<1000000xf32, #tpu.memory_space<vmem_shared>> -> memref<1000000xf32, #tpu.memory_space<vmem_shared>>
    tpu.wait_indirect_dma semaphore(%arg36 : memref<!tpu.dma_semaphore, #tpu.memory_space<semaphore_mem>>) src(%dma_wait3A_637 : memref<1000000xf32, #tpu.memory_space<vmem_shared>>) dst(%arg20 : memref<3200xf32, #tpu.memory_space<vmem>>)
    %scan3A_638 = arith.constant 0 : i32
    %scan3A_639 = arith.constant 200 : i32
    %scan3A_640 = arith.addi %scan3A_638, %scan3A_639 : i32
    %scan3A_641 = arith.constant 1 : i32
    scf.for %scan3A_674 = %scan3A_638 to %scan3A_640 step %scan3A_641  : i32 {
      %mul3A_675 = arith.constant 16 : i32
      %mul3A_676 = arith.muli %scan3A_674, %mul3A_675 : i32
      %get3A = arith.index_cast %mul3A_676 : i32 to index
      %get3A_677 = tpu.vector_load %arg20[%get3A] {strides = array<i32>} : memref<3200xf32, #tpu.memory_space<vmem>>, vector<16xf32>,
      %get3A_678 = vector.shape_cast %get3A_677 : vector<16xf32> to vector<16xf32>
      %gt3A = arith.constant 0.000000e+00 : f32
      %gt3A_679 = vector.broadcast %gt3A : f32 to vector<16xf32>
      %gt3A_680 = arith.cmpf ogt, %get3A_678, %gt3A_679 : vector<16xf32>
      %add3A_681 = arith.constant 1.000000e+00 : f32
      %add3A_682 = vector.broadcast %add3A_681 : f32 to vector<16xf32>
      %add3A_683 = arith.addf %get3A_678, %add3A_682 : vector<16xf32>
      %exp3A = math.exp %get3A_678 : vector<16xf32>
      %select_n3A = arith.select %gt3A_680, %add3A_683, %exp3A : vector<16xi1>, vector<16xf32>
      %mul3A_684 = arith.constant 16 : i32
      %mul3A_685 = arith.muli %scan3A_674, %mul3A_684 : i32
      %swap3A = arith.index_cast %mul3A_685 : i32 to index
      %swap3A_686 = tpu.vector_load %arg20[%swap3A] {strides = array<i32>} : memref<3200xf32, #tpu.memory_space<vmem>>, vector<16xf32>,
      %swap3A_687 = vector.shape_cast %swap3A_686 : vector<16xf32> to vector<16xf32>
      %swap3A_688 = vector.shape_cast %select_n3A : vector<16xf32> to vector<16xf32>
      tpu.vector_store %arg20[%swap3A], %swap3A_688 {strides = array<i32>} : memref<3200xf32, #tpu.memory_space<vmem>>, vector<16xf32>,
    }
    %scan3A_642 = arith.constant 200 : i32
    %add3A_643 = arith.constant 96000 : i32
    %add3A_644 = arith.addi %mul3A_4, %add3A_643 : i32
    %dma_start3A_645 = tpu.memref_slice %arg4[%add3A_644] : memref<3276800xf32, #tpu.memory_space<hbm>> -> memref<3200xf32, #tpu.memory_space<hbm>>
    %dma_start3A_646 = tpu.memref_slice %arg4[%add3A_644] : memref<3276800xf32, #tpu.memory_space<hbm>> -> memref<3200xf32, #tpu.memory_space<hbm>>
    tpu.enqueue_dma source(%arg20 : memref<3200xf32, #tpu.memory_space<vmem>>) target(%dma_start3A_646 : memref<3200xf32, #tpu.memory_space<hbm>>) target_semaphore(%arg44 : memref<!tpu.dma_semaphore, #tpu.memory_space<semaphore_mem>>)
    %dma_wait3A_647 = arith.constant 0 : i32
    %dma_wait3A_648 = tpu.memref_slice %arg5[%dma_wait3A_647] : memref<1000000xf32, #tpu.memory_space<vmem_shared>> -> memref<1000000xf32, #tpu.memory_space<vmem_shared>>
    tpu.wait_indirect_dma semaphore(%arg37 : memref<!tpu.dma_semaphore, #tpu.memory_space<semaphore_mem>>) src(%dma_wait3A_648 : memref<1000000xf32, #tpu.memory_space<vmem_shared>>) dst(%arg21 : memref<3200xf32, #tpu.memory_space<vmem>>)
    %scan3A_649 = arith.constant 0 : i32
    %scan3A_650 = arith.constant 200 : i32
    %scan3A_651 = arith.addi %scan3A_649, %scan3A_650 : i32
    %scan3A_652 = arith.constant 1 : i32
    scf.for %scan3A_674 = %scan3A_649 to %scan3A_651 step %scan3A_652  : i32 {
      %mul3A_675 = arith.constant 16 : i32
      %mul3A_676 = arith.muli %scan3A_674, %mul3A_675 : i32
      %get3A = arith.index_cast %mul3A_676 : i32 to index
      %get3A_677 = tpu.vector_load %arg21[%get3A] {strides = array<i32>} : memref<3200xf32, #tpu.memory_space<vmem>>, vector<16xf32>,
      %get3A_678 = vector.shape_cast %get3A_677 : vector<16xf32> to vector<16xf32>
      %gt3A = arith.constant 0.000000e+00 : f32
      %gt3A_679 = vector.broadcast %gt3A : f32 to vector<16xf32>
      %gt3A_680 = arith.cmpf ogt, %get3A_678, %gt3A_679 : vector<16xf32>
      %add3A_681 = arith.constant 1.000000e+00 : f32
      %add3A_682 = vector.broadcast %add3A_681 : f32 to vector<16xf32>
      %add3A_683 = arith.addf %get3A_678, %add3A_682 : vector<16xf32>
      %exp3A = math.exp %get3A_678 : vector<16xf32>
      %select_n3A = arith.select %gt3A_680, %add3A_683, %exp3A : vector<16xi1>, vector<16xf32>
      %mul3A_684 = arith.constant 16 : i32
      %mul3A_685 = arith.muli %scan3A_674, %mul3A_684 : i32
      %swap3A = arith.index_cast %mul3A_685 : i32 to index
      %swap3A_686 = tpu.vector_load %arg21[%swap3A] {strides = array<i32>} : memref<3200xf32, #tpu.memory_space<vmem>>, vector<16xf32>,
      %swap3A_687 = vector.shape_cast %swap3A_686 : vector<16xf32> to vector<16xf32>
      %swap3A_688 = vector.shape_cast %select_n3A : vector<16xf32> to vector<16xf32>
      tpu.vector_store %arg21[%swap3A], %swap3A_688 {strides = array<i32>} : memref<3200xf32, #tpu.memory_space<vmem>>, vector<16xf32>,
    }
    %scan3A_653 = arith.constant 200 : i32
    %add3A_654 = arith.constant 99200 : i32
    %add3A_655 = arith.addi %mul3A_4, %add3A_654 : i32
    %dma_start3A_656 = tpu.memref_slice %arg4[%add3A_655] : memref<3276800xf32, #tpu.memory_space<hbm>> -> memref<3200xf32, #tpu.memory_space<hbm>>
    %dma_start3A_657 = tpu.memref_slice %arg4[%add3A_655] : memref<3276800xf32, #tpu.memory_space<hbm>> -> memref<3200xf32, #tpu.memory_space<hbm>>
    tpu.enqueue_dma source(%arg21 : memref<3200xf32, #tpu.memory_space<vmem>>) target(%dma_start3A_657 : memref<3200xf32, #tpu.memory_space<hbm>>) target_semaphore(%arg45 : memref<!tpu.dma_semaphore, #tpu.memory_space<semaphore_mem>>)
    %dma_wait3A_658 = tpu.memref_slice %arg4[%add3A_522] : memref<3276800xf32, #tpu.memory_space<hbm>> -> memref<3200xf32, #tpu.memory_space<hbm>>
    %dma_wait3A_659 = tpu.memref_slice %arg4[%add3A_522] : memref<3276800xf32, #tpu.memory_space<hbm>> -> memref<3200xf32, #tpu.memory_space<hbm>>
    tpu.wait_dma2 semaphore(%arg38 : memref<!tpu.dma_semaphore, #tpu.memory_space<semaphore_mem>>) src(%arg14 : memref<3200xf32, #tpu.memory_space<vmem>>) dst(%dma_wait3A_659 : memref<3200xf32, #tpu.memory_space<hbm>>)
    %dma_wait3A_660 = tpu.memref_slice %arg4[%add3A_543] : memref<3276800xf32, #tpu.memory_space<hbm>> -> memref<3200xf32, #tpu.memory_space<hbm>>
    %dma_wait3A_661 = tpu.memref_slice %arg4[%add3A_543] : memref<3276800xf32, #tpu.memory_space<hbm>> -> memref<3200xf32, #tpu.memory_space<hbm>>
    tpu.wait_dma2 semaphore(%arg39 : memref<!tpu.dma_semaphore, #tpu.memory_space<semaphore_mem>>) src(%arg15 : memref<3200xf32, #tpu.memory_space<vmem>>) dst(%dma_wait3A_661 : memref<3200xf32, #tpu.memory_space<hbm>>)
    %dma_wait3A_662 = tpu.memref_slice %arg4[%add3A_564] : memref<3276800xf32, #tpu.memory_space<hbm>> -> memref<3200xf32, #tpu.memory_space<hbm>>
    %dma_wait3A_663 = tpu.memref_slice %arg4[%add3A_564] : memref<3276800xf32, #tpu.memory_space<hbm>> -> memref<3200xf32, #tpu.memory_space<hbm>>
    tpu.wait_dma2 semaphore(%arg40 : memref<!tpu.dma_semaphore, #tpu.memory_space<semaphore_mem>>) src(%arg16 : memref<3200xf32, #tpu.memory_space<vmem>>) dst(%dma_wait3A_663 : memref<3200xf32, #tpu.memory_space<hbm>>)
    %dma_wait3A_664 = tpu.memref_slice %arg4[%add3A_585] : memref<3276800xf32, #tpu.memory_space<hbm>> -> memref<3200xf32, #tpu.memory_space<hbm>>
    %dma_wait3A_665 = tpu.memref_slice %arg4[%add3A_585] : memref<3276800xf32, #tpu.memory_space<hbm>> -> memref<3200xf32, #tpu.memory_space<hbm>>
    tpu.wait_dma2 semaphore(%arg41 : memref<!tpu.dma_semaphore, #tpu.memory_space<semaphore_mem>>) src(%arg17 : memref<3200xf32, #tpu.memory_space<vmem>>) dst(%dma_wait3A_665 : memref<3200xf32, #tpu.memory_space<hbm>>)
    %dma_wait3A_666 = tpu.memref_slice %arg4[%add3A_606] : memref<3276800xf32, #tpu.memory_space<hbm>> -> memref<3200xf32, #tpu.memory_space<hbm>>
    %dma_wait3A_667 = tpu.memref_slice %arg4[%add3A_606] : memref<3276800xf32, #tpu.memory_space<hbm>> -> memref<3200xf32, #tpu.memory_space<hbm>>
    tpu.wait_dma2 semaphore(%arg42 : memref<!tpu.dma_semaphore, #tpu.memory_space<semaphore_mem>>) src(%arg18 : memref<3200xf32, #tpu.memory_space<vmem>>) dst(%dma_wait3A_667 : memref<3200xf32, #tpu.memory_space<hbm>>)
    %dma_wait3A_668 = tpu.memref_slice %arg4[%add3A_627] : memref<3276800xf32, #tpu.memory_space<hbm>> -> memref<3200xf32, #tpu.memory_space<hbm>>
    %dma_wait3A_669 = tpu.memref_slice %arg4[%add3A_627] : memref<3276800xf32, #tpu.memory_space<hbm>> -> memref<3200xf32, #tpu.memory_space<hbm>>
    tpu.wait_dma2 semaphore(%arg43 : memref<!tpu.dma_semaphore, #tpu.memory_space<semaphore_mem>>) src(%arg19 : memref<3200xf32, #tpu.memory_space<vmem>>) dst(%dma_wait3A_669 : memref<3200xf32, #tpu.memory_space<hbm>>)
    %dma_wait3A_670 = tpu.memref_slice %arg4[%add3A_644] : memref<3276800xf32, #tpu.memory_space<hbm>> -> memref<3200xf32, #tpu.memory_space<hbm>>
    %dma_wait3A_671 = tpu.memref_slice %arg4[%add3A_644] : memref<3276800xf32, #tpu.memory_space<hbm>> -> memref<3200xf32, #tpu.memory_space<hbm>>
    tpu.wait_dma2 semaphore(%arg44 : memref<!tpu.dma_semaphore, #tpu.memory_space<semaphore_mem>>) src(%arg20 : memref<3200xf32, #tpu.memory_space<vmem>>) dst(%dma_wait3A_671 : memref<3200xf32, #tpu.memory_space<hbm>>)
    %dma_wait3A_672 = tpu.memref_slice %arg4[%add3A_655] : memref<3276800xf32, #tpu.memory_space<hbm>> -> memref<3200xf32, #tpu.memory_space<hbm>>
    %dma_wait3A_673 = tpu.memref_slice %arg4[%add3A_655] : memref<3276800xf32, #tpu.memory_space<hbm>> -> memref<3200xf32, #tpu.memory_space<hbm>>
    tpu.wait_dma2 semaphore(%arg45 : memref<!tpu.dma_semaphore, #tpu.memory_space<semaphore_mem>>) src(%arg21 : memref<3200xf32, #tpu.memory_space<vmem>>) dst(%dma_wait3A_673 : memref<3200xf32, #tpu.memory_space<hbm>>)
    return
  }
}

</mosaic_0001>

<sc_bundles>
// kernel: kernel.3.cloned.1.call-start
scs
__scs_entry_jumppad:
0x0: {  	(pc) =	sbr.rel $0x88, $3  }
0x1: {  	(tag) =	ssettag $0x0;
	lr =	simm.s32 $0x1  }
0x2: {  	[smem:$0x3F9F] =	sst lr;
	_ =	strace $0xD0000000  }
0x3: {  	_ = 	snop  }
0x4: {  	_ = 	snop  }
0x5: {  	_ = 	snop  }
0x6: {  	_ = 	snop  }
0x7: {  	_ = 	snop  }
__scs_overlays_trampoline_lowered:
0x8: {  	[smem:$0x3FAE] =	sst s0  }
0x9: {  	[smem:$0x3FAF] =	sst s1  }
0xa: {  	[smem:$0x3FB0] =	sst s2  }
0xb: {  	[smem:$0x3FB1] =	sst s3  }
0xc: {  	[smem:$0x3FB2] =	sst s4  }
0xd: {  	[smem:$0x3FB3] =	sst s5  }
0xe: {  	[smem:$0x3FB4] =	sst s6  }
0xf: {  	[smem:$0x3FB5] =	sst s7  }
0x10: {  	[smem:$0x3FB6] =	sst s8  }
0x11: {  	[smem:$0x3FB7] =	sst s9;
	s0 =	simm.s32 @!p0 $0x0  }
0x12: {  	s1 =	sld [smem:$0x3F9D];
	s0 =	simm.s32 @p0 $0x1  }
0x13: {  	[smem:$0x3FB8] =	sst s0;
	s0 =	simm.s32 @!p1 $0x0  }
0x14: {  	s2 =	sld [smem:$0x3F9C];
	s0 =	simm.s32 @p1 $0x1  }
0x15: {  	[smem:$0x3FB9] =	sst s0;
	s0 =	simm.s32 @!p2 $0x0  }
0x16: {  	s3 =	sld [smem:$0x3FDB];
	s0 =	simm.s32 @p2 $0x1  }
0x17: {  	s4 =	simm.s32 $0x1BF5;
	[smem:$0x3FBB] =	sst s0  }
0x18: {  	s0 =	sld [smem:$0x3F9E];
	_ =	swait.ge [sflag:s4], $0x0  }
0x19: {  	s7 =	sld [smem:$0x3F9F]  }
0x1a: {  	s8 =	sadd.s32 $0xFFFFE003, lr  }
0x1b: {  	s9 =	sadd.s32 $0xFFFFFEF7, lr;
	s5 =	simm.s32 $0xFFFFFFFF;
	p2 =	slt.u32 s8, $0xFFFFF086  }
0x1c: {  	p1 =	slt.u32 s9, $0xF7A;
	s5 =	simm.s32 @!p2 $0x0  }
0x1d: {  	s5 =	simm.s32 @p1 $0x1;
	p0 =	seq.s32 s7, s2  }
0x1e: {  	s7 =	smul.u32 @!p0 $0xF7A, s2;
	p2 =	seq.s32 @!p0 s5, $0x0  }
0x1f: {  	s9 =	smul.u32 $0xF7A, s1;
	s8 =	simm.s32 @!p0 $0x1BF5;
	p2 =	por !p2, p0  }
0x20: {  	[sflag:s8] =	ssyncset.s32 @!p0 $0xFFFFF086;
	s6 =	sadd.s32 @!p0 s3, s7;
	s7 =	simm.s32 @!p0 $0x108  }
0x21: {  	s3 =	sadd.s32 s3, s9;
	s6 =	sadd.s32 @!p0 $0x88, s6;
	s7 =	simm.s32 @p2 $0x1082  }
0x22: {  	[simem:s7], [sflag:s8] =	dma.local @!p0 [hbm:s6], $0xF7A  }
0x23: {  	s9 =	sor.u32 $0xD0000000, s2;
	s6 =	simm.s32 $0x108;
	_ =	swait.ge @!p0 [sflag:s8], $0x0  }
0x24: {  	s3 =	sadd.s32 $0x88, s3;
	s6 =	simm.s32 @!p1 $0x1082;
	[sflag:s4] =	ssyncset.s32 $0xFFFFF086  }
0x25: {  	[simem:s6], [sflag:s4] =	dma.local [hbm:s3], $0xF7A  }
0x26: {  	[smem:$0x3F9F] =	sst s1;
	(tag) =	ssettag s2;
	_ =	strace s9  }
0x27: {  	s1 =	sld [smem:$0x3FAF]  }
0x28: {  	s2 =	sld [smem:$0x3FB0]  }
0x29: {  	s4 =	sld [smem:$0x3FB2]  }
0x2a: {  	p0 =	seq.s32 s5, $0x0;
	s5 =	sld [smem:$0x3FB3]  }
0x2b: {  	s6 =	sld [smem:$0x3FB4]  }
0x2c: {  	s7 =	sld [smem:$0x3FB5]  }
0x2d: {  	s3 =	simm.s32 $0x108;
	s8 =	sld [smem:$0x3FB6]  }
0x2e: {  	s3 =	simm.s32 @!p0 $0x1082;
	s9 =	sld [smem:$0x3FB7]  }
0x2f: {  	lr =	sadd.s32 s0, s3;
	s0 =	sld [smem:$0x3FAE]  }
0x30: {  	s3 =	sld [smem:$0x3FB1]  }
0x31: {  	[smem:$0x3FBA] =	sst s10  }
0x32: {  	s10 =	sld [smem:$0x3FB8];
	_ =	sdelay $0x3  }
0x33: {  	p0 =	seq.s32 s10, $0x1;
	s10 =	sld [smem:$0x3FBA];
	_ =	sdelay $0x3  }
0x34: {  	[smem:$0x3FBA] =	sst s10  }
0x35: {  	s10 =	sld [smem:$0x3FB9];
	_ =	sdelay $0x3  }
0x36: {  	p1 =	seq.s32 s10, $0x1;
	s10 =	sld [smem:$0x3FBA];
	_ =	sdelay $0x3  }
0x37: {  	[smem:$0x3FBA] =	sst s10  }
0x38: {  	s10 =	sld [smem:$0x3FBB]  }
0x39: {  	_ = 	snop;
	(pc) =	sbr.ind lr, $3  }
0x3a: {  	_ = 	snop  }
0x3b: {  	_ = 	snop  }
0x3c: {  	p2 =	seq.s32 s10, $0x1;
	s10 =	sld [smem:$0x3FBA]  }
0x3d: {  	_ =	shalt  }
0x3e: {  	_ =	shalt  }
0x3f: {  	_ =	shalt  }
0x40: {  	_ =	shalt  }
0x41: {  	_ =	shalt  }
0x42: {  	_ =	shalt  }
0x43: {  	_ =	shalt  }
0x44: {  	_ =	shalt  }
0x45: {  	_ =	shalt  }
0x46: {  	_ =	shalt  }
0x47: {  	_ =	shalt  }
0x48: {  	_ =	shalt  }
0x49: {  	_ =	shalt  }
0x4a: {  	_ =	shalt  }
0x4b: {  	_ =	shalt  }
0x4c: {  	_ =	shalt  }
0x4d: {  	_ =	shalt  }
0x4e: {  	_ =	shalt  }
0x4f: {  	_ =	shalt  }
0x50: {  	_ =	shalt  }
0x51: {  	_ =	shalt  }
0x52: {  	_ =	shalt  }
0x53: {  	_ =	shalt  }
0x54: {  	_ =	shalt  }
0x55: {  	_ =	shalt  }
0x56: {  	_ =	shalt  }
0x57: {  	_ =	shalt  }
0x58: {  	_ =	shalt  }
0x59: {  	_ =	shalt  }
0x5a: {  	_ =	shalt  }
0x5b: {  	_ =	shalt  }
0x5c: {  	_ =	shalt  }
0x5d: {  	_ =	shalt  }
0x5e: {  	_ =	shalt  }
0x5f: {  	_ =	shalt  }
0x60: {  	_ =	shalt  }
0x61: {  	_ =	shalt  }
0x62: {  	_ =	shalt  }
0x63: {  	_ =	shalt  }
0x64: {  	_ =	shalt  }
0x65: {  	_ =	shalt  }
0x66: {  	_ =	shalt  }
0x67: {  	_ =	shalt  }
0x68: {  	_ =	shalt  }
0x69: {  	_ =	shalt  }
0x6a: {  	_ =	shalt  }
0x6b: {  	_ =	shalt  }
0x6c: {  	_ =	shalt  }
0x6d: {  	_ =	shalt  }
0x6e: {  	_ =	shalt  }
0x6f: {  	_ =	shalt  }
0x70: {  	_ =	shalt  }
0x71: {  	_ =	shalt  }
0x72: {  	_ =	shalt  }
0x73: {  	_ =	shalt  }
0x74: {  	_ =	shalt  }
0x75: {  	_ =	shalt  }
0x76: {  	_ =	shalt  }
0x77: {  	_ =	shalt  }
0x78: {  	_ =	shalt  }
0x79: {  	_ =	shalt  }
0x7a: {  	_ =	shalt  }
0x7b: {  	_ =	shalt  }
0x7c: {  	_ =	shalt  }
0x7d: {  	_ =	shalt  }
0x7e: {  	_ =	shalt  }
0x7f: {  	_ =	shalt  }
0x80: {  	_ =	shalt  }
0x81: {  	_ =	shalt  }
0x82: {  	_ =	shalt  }
0x83: {  	_ =	shalt  }
0x84: {  	_ =	shalt  }
0x85: {  	_ =	shalt  }
0x86: {  	_ =	shalt  }
0x87: {  	_ =	shalt  }
.Lfunc_end0:
.L_simem_size_0:
called_computation_lowered:
.L_overlay_start_0:
0x88: {  	s2 =	sld [smem:$0x3FD9]  }
0x89: {  	s3 =	sld [smem:$0x3FFE];
	_ =	sdelay $0x1  }
0x8a: {  	s1 =	srdreg.scid  }
0x8b: {  	s0 =	sand.u32 $0x1, s1  }
0x8c: {  	s17 =	sshll.u32 s0, $0xA;
	s2 =	sadd.s32 s3, s2  }
0x8d: {  	s2 =	sadd.s32 s2, s17  }
0x8e: {  	[smem:$0x3FC6] =	sst s2  }
0x8f: {  	_ = 	snop  }
0x90: {  	s2 =	sld [smem:$0x3FD0];
	(tm) =	ssettm $0x1  }
0x91: {  	s18 =	sld [smem:$0x3FFB];
	_ =	sdelay $0x3  }
0x92: {  	_ =	strace s18  }
0x93: {  	s3 =	sld [smem:$0x3FFC];
	_ =	sdelay $0x3  }
0x94: {  	_ =	strace s3  }
0x95: {  	s3 =	sld [smem:$0x3FFD];
	_ =	sdelay $0x3  }
0x96: {  	_ =	strace s3  }
0x97: {  	_ =	strace $0x8FFFFFFF  }
0x98: {  	s19 =	sld [smem:$0x3FDB];
	_ =	sdelay $0x1  }
0x99: {  	s4 =	simm.s32 $_scs_section_size  }
0x9a: {  	s5 =	simm.s32 $_size__tile_overlayer_lowered;
	s6 =	simm.s32 $_tile_overlayer_lowered  }
0x9b: {  	s22 =	simm.s32 $0x1BFF;
	s21 =	sshll.u32 s6, $0x1;
	s3 =	sadd.s32 s4, s19  }
0x9c: {  	s7 =	simm.s32 $0x0;
	s20 =	sshll.u32 s5, $0x1;
	s5 =	sadd.s32 s21, s3  }
0x9d: {  	[timem:s7], [sflag:s22] =	dma.local [hbm:s5], s20  }
0x9e: {  	_ =	swait.ge [sflag:s22], s20  }
0x9f: {  	s4 =	ssub.s32 $0x0, s20;
	[sflag:s22] =	ssyncset.done $0x0  }
0xa0: {  	[sflag:s22] =	ssyncadd.s32 s4;
	_ =	sdelay $0x1  }
0xa1: {  	s23 =	simm.s32 $0x1B8B  }
0xa2: {  	_ =	swait.ge [sflag:s23], $0x1  }
0xa3: {  	[sflag:s23] =	ssyncset.done $0x0  }
0xa4: {  	s25 =	simm.s32 $0x1B8E;
	s24 =	sld [smem:$0x3FFE];
	[sflag:s23] =	ssyncadd.s32 $0xFFFFFFFF  }
0xa5: {  	s26 =	simm.s32 $execute0_lowered;
	[smem:$0x3FD2] =	sst s25  }
0xa6: {  	s5 =	sshll.u32 s26, $0x1;
	_ =	strace $0x80000046;
	[dreg:$0x1] =	wrdreg $0xFFFFFFFF  }
0xa7: {  	s28 =	simm.s32 $_size_execute0_lowered;
	s3 =	sadd.s32 s3, s5;
	[dreg:$0x0] =	wrdreg $0x0  }
0xa8: {  	s5 =	sshll.u32 s28, $0x1;
	[dreg:$0x2] =	wrdreg s3  }
0xa9: {  	[dreg:$0x3] =	wrdreg s5  }
0xaa: {  	[dreg:$0x4] =	wrdreg $0xC0  }
0xab: {  	_ =	task [dreg:s7], $0x5FFFF  }
0xac: {  	[dreg:$0x1] =	wrdreg $0xFFFFFFFF  }
0xad: {  	[dreg:$0x0] =	wrdreg $0x60  }
0xae: {  	[dreg:$0x2] =	wrdreg s24  }
0xaf: {  	[dreg:$0x3] =	wrdreg s2  }
0xb0: {  	[dreg:$0x4] =	wrdreg $0x0  }
0xb1: {  	[dreg:$0x5] =	wrdreg $0x9  }
0xb2: {  	_ =	task.clear_ibuf [dreg:s7], $0x6FFFF;
	_ =	strace $0x90000046  }
0xb3: {  	s29 =	simm.s32 $0x9;
	_ =	strace $0x80000048  }
0xb4: {  	_ =	swait.ge [sflag:s29], $0x1  }
0xb5: {  	[sflag:s29] =	ssyncadd.s32 $0xFFFFFFFF  }
0xb6: {  	_ =	strace $0x90000048  }
0xb7: {  	_ =	sfence  }
0xb8: {  	s30 =	sld [smem:$0x0];
	_ =	sdelay $0x2  }
0xb9: {  	s31 =	sshll.u32 s1, $0xD;
	s1 =	sshrl.u32 s1, $0x2  }
0xba: {  	s3 =	sand.u32 $0x4000, s31;
	s1 =	sadd.s32 s1, s30  }
0xbb: {  	s0 =	sor.u32 s3, s0;
	s1 =	sshll.u32 s1, $0x11  }
0xbc: {  	s0 =	sor.u32 s1, s0  }
0xbd: {  	s0 =	sadd.s32 $0x8F2B, s0  }
0xbe: {  	[sflag:s0] =	ssyncadd.remote.s32 $0x1  }
0xbf: {  	_ =	sfence.sel $0xFFFF  }
0xc0: {  	[dreg:$0x0] =	wrdreg $0xFFFFFFFF;
	(pc) =	sbr.abs _section_cstart, $3  }
0xc1: {  	[dreg:$0x1] =	wrdreg $0xFFFFFFFF  }
0xc2: {  	_ =	task.clear_ibuf [dreg:s7], $0x2FFFF;
	_ =	strace $0x9FFFFFFF  }
0xc3: {  	(tm) =	ssettm $0x7FFFFFFF  }
tec
execute0_lowered:
.L_overlay_start_1:
0x0: {  	(tag) =	ssettag $0x1  }
0x1: {  	s1 =	srdreg.scid;
	s0 =	stileid.u32  }
0x2: {  	s2 =	sand.u32 $0x1, s1;
	s3 =	sshll.u32 s0, $0x1  }
0x3: {  	s4 =	sor.u32 s2, s3  }
0x4: {  	s8 =	simm.s32 $0x0;
	s1 =	rddreg [dreg:$0x0];
	s4 =	smul.u32 $0x19000, s4  }
0x5: {  	[smem:$0x7FF] =	sst s8  }
0x6: {  	s3 =	rddreg [dreg:$0x1];
	s4 =	sshrl.u32 s4, $0x3  }
0x7: {  	s2 =	ssub.s32 $0x2, s2;
	s5 =	sadd.s32 $0x1EC00, s1;
	s21 =	sor.u32 $0x190, s4  }
0x8: {  	s6 =	sshrl.u32 s2, $0x1;
	s7 =	sadd.s32 $0x320, s4;
	s9 =	sadd.s32 s3, s21  }
0x9: {  	s23 =	sadd.s32 $0x4B0, s4;
	s22 =	sadd.s32 s3, s7;
	[dreg:$0x4] =	wrdreg s9  }
0xa: {  	s2 =	ssub.s32 s2, s6;
	s10 =	sadd.s32 s3, s23;
	[dreg:$0x5] =	wrdreg s22  }
0xb: {  	s24 =	sadd.s32 $0x640, s4;
	s6 =	sadd.s32 s5, s21;
	[dreg:$0x6] =	wrdreg s10  }
0xc: {  	s25 =	sadd.s32 s3, s24;
	[dreg:$0x7] =	wrdreg s6  }
0xd: {  	s26 =	sadd.s32 $0x7D0, s4;
	s7 =	sadd.s32 s5, s7;
	[dreg:$0x8] =	wrdreg s25  }
0xe: {  	s12 =	sadd.s32 $0x960, s4;
	s11 =	sadd.s32 s3, s26;
	[dreg:$0x9] =	wrdreg s7  }
0xf: {  	s14 =	sadd.s32 $0xAF0, s4;
	s13 =	sadd.s32 s3, s12;
	[dreg:$0xa] =	wrdreg s11  }
0x10: {  	s16 =	sadd.s32 $0xC80, s4;
	s15 =	sadd.s32 s3, s14;
	[dreg:$0xc] =	wrdreg s13  }
0x11: {  	s18 =	sadd.s32 $0xE10, s4;
	s17 =	sadd.s32 s3, s16;
	[dreg:$0xe] =	wrdreg s15  }
0x12: {  	s19 =	sadd.s32 s3, s18;
	[dreg:$0x10] =	wrdreg s17  }
0x13: {  	s21 =	sadd.s32 s5, s18;
	[dreg:$0x12] =	wrdreg s19  }
0x14: {  	s9 =	sadd.s32 s5, s23;
	[dreg:$0x15] =	wrdreg s21  }
0x15: {  	s6 =	sadd.s32 s5, s24;
	[dreg:$0xb] =	wrdreg s9  }
0x16: {  	s20 =	sadd.s32 $0xFA0, s4;
	s7 =	sadd.s32 s5, s26;
	[dreg:$0xd] =	wrdreg s6  }
0x17: {  	s22 =	sadd.s32 s3, s20;
	[dreg:$0xf] =	wrdreg s7  }
0x18: {  	s9 =	sadd.s32 s5, s12;
	[dreg:$0x16] =	wrdreg s22  }
0x19: {  	s6 =	sadd.s32 s5, s14;
	[dreg:$0x11] =	wrdreg s9  }
0x1a: {  	s23 =	sadd.s32 $0x1130, s4;
	s7 =	sadd.s32 s5, s16;
	[dreg:$0x13] =	wrdreg s6  }
0x1b: {  	s24 =	sadd.s32 $0x12C0, s4;
	s25 =	sadd.s32 s3, s23;
	[dreg:$0x14] =	wrdreg s7  }
0x1c: {  	s10 =	sadd.s32 $0x1450, s4;
	s26 =	sadd.s32 s3, s24;
	[dreg:$0x18] =	wrdreg s25  }
0x1d: {  	s11 =	sadd.s32 $0x15E0, s4;
	s12 =	sadd.s32 s3, s10;
	[dreg:$0x1a] =	wrdreg s26  }
0x1e: {  	s13 =	sadd.s32 s3, s11;
	[dreg:$0x1c] =	wrdreg s12  }
0x1f: {  	s15 =	sadd.s32 $0x1770, s4;
	s14 =	sadd.s32 s5, s11;
	[dreg:$0x1e] =	wrdreg s13  }
0x20: {  	s17 =	sadd.s32 s3, s15;
	[dreg:$0x1f] =	wrdreg s14  }
0x21: {  	s6 =	sadd.s32 s5, s20;
	[smem:$0x7D8] =	sst s17  }
0x22: {  	s16 =	sadd.s32 $0x1900, s4;
	s9 =	sadd.s32 s5, s24;
	[dreg:$0x17] =	wrdreg s6  }
0x23: {  	s28 =	simm.s32 $0xC;
	s18 =	sadd.s32 s3, s16;
	[dreg:$0x1b] =	wrdreg s9  }
0x24: {  	s21 =	sadd.s32 $0x1C20, s4;
	s19 =	sadd.s32 s5, s16;
	[smem:$0x7DA] =	sst s18  }
0x25: {  	s30 =	simm.s32 $0x6;
	s24 =	sadd.s32 s5, s21;
	[smem:$0x7DB] =	sst s19  }
0x26: {  	s20 =	sadd.s32 $0x1A90, s4;
	s6 =	sadd.s32 s5, s23;
	[smem:$0x7DF] =	sst s24  }
0x27: {  	s29 =	simm.s32 $0x18;
	s22 =	sadd.s32 s3, s20;
	[dreg:$0x19] =	wrdreg s6  }
0x28: {  	s26 =	sadd.s32 $0x1F40, s4;
	s23 =	sadd.s32 s3, s21;
	[smem:$0x7DC] =	sst s22  }
0x29: {  	s31 =	simm.s32 $0x0;
	s11 =	sadd.s32 s3, s26;
	[smem:$0x7DE] =	sst s23  }
0x2a: {  	s14 =	sadd.s32 $0x2260, s4;
	s12 =	sadd.s32 s5, s26;
	[smem:$0x7E2] =	sst s11  }
0x2b: {  	p0 =	sne.s32 s0, $0x0;
	s16 =	sadd.s32 s3, s14;
	[smem:$0x7E3] =	sst s12  }
0x2c: {  	s0 =	simm.s32 $0x8;
	s17 =	sadd.s32 s5, s14;
	[smem:$0x7E6] =	sst s16  }
0x2d: {  	s25 =	sadd.s32 $0x1DB0, s4;
	s6 =	sadd.s32 s5, s10;
	[smem:$0x7E7] =	sst s17  }
0x2e: {  	s19 =	sadd.s32 $0x2580, s4;
	s10 =	sadd.s32 s3, s25;
	[dreg:$0x1d] =	wrdreg s6  }
0x2f: {  	s13 =	sadd.s32 $0x20D0, s4;
	s21 =	sadd.s32 s3, s19;
	[smem:$0x7E0] =	sst s10  }
0x30: {  	s24 =	sadd.s32 $0x28A0, s4;
	s22 =	sadd.s32 s5, s19;
	[smem:$0x7EA] =	sst s21  }
0x31: {  	s18 =	sadd.s32 $0x23F0, s4;
	s26 =	sadd.s32 s3, s24;
	[smem:$0x7EB] =	sst s22  }
0x32: {  	s23 =	sadd.s32 $0x2710, s4;
	s9 =	sadd.s32 s5, s24;
	[smem:$0x7EE] =	sst s26  }
0x33: {  	s11 =	sadd.s32 $0x2BC0, s4;
	s16 =	sadd.s32 s5, s4;
	[smem:$0x7EF] =	sst s9  }
0x34: {  	s17 =	sadd.s32 $0x2D50, s4;
	s6 =	sadd.s32 s5, s15;
	[smem:$0x7F5] =	sst s16  }
0x35: {  	s19 =	sadd.s32 $0x3070, s4;
	s15 =	sadd.s32 s3, s13;
	[smem:$0x7D9] =	sst s6  }
0x36: {  	s10 =	sadd.s32 $0x2A30, s4;
	s14 =	sadd.s32 s5, s11;
	[smem:$0x7E4] =	sst s15  }
0x37: {  	s22 =	sadd.s32 s5, s17;
	s24 =	sadd.s32 s5, s19;
	[smem:$0x7F3] =	sst s14  }
0x38: {  	s26 =	smax.u32 s2, $0x1;
	s9 =	simm.s32 $0x15828;
	[smem:$0x7F9] =	sst s22  }
0x39: {  	s16 =	simm.s32 $0x12;
	s6 =	sadd.s32 s5, s20;
	[smem:$0x7FB] =	sst s24  }
0x3a: {  	s20 =	sadd.s32 s3, s18;
	s12 =	sadd.s32 s3, s10;
	[smem:$0x7DD] =	sst s6  }
0x3b: {  	s15 =	sadd.s32 s3, s4;
	s14 =	simm.s32 $0x10;
	[smem:$0x7E8] =	sst s20  }
0x3c: {  	s22 =	simm.s32 $0x15;
	s24 =	simm.s32 $0x16;
	[smem:$0x7F0] =	sst s12  }
0x3d: {  	s6 =	sadd.s32 s5, s25;
	s25 =	sadd.s32 s3, s23;
	[smem:$0x7F4] =	sst s15  }
0x3e: {  	s20 =	sadd.s32 s3, s17;
	s15 =	simm.s32 $0x9;
	[smem:$0x7E1] =	sst s6  }
0x3f: {  	s17 =	simm.s32 $0x3;
	s12 =	simm.s32 $0x11;
	[smem:$0x7EC] =	sst s25  }
0x40: {  	s6 =	sadd.s32 s5, s13;
	s13 =	sadd.s32 s3, s11;
	[smem:$0x7F6] =	sst s20  }
0x41: {  	s25 =	sadd.s32 $0x200, s1;
	s1 =	simm.s32 $0xD;
	[smem:$0x7E5] =	sst s6  }
0x42: {  	s11 =	simm.s32 $0xF;
	s20 =	simm.s32 $0x14;
	[smem:$0x7F2] =	sst s13  }
0x43: {  	s6 =	sadd.s32 s5, s18;
	s18 =	sadd.s32 $0x2EE0, s4;
	s4 =	rddreg [dreg:$0x2]  }
0x44: {  	s13 =	simm.s32 $0x2;
	[smem:$0x7E9] =	sst s6;
	s6 =	sadd.s32 s5, s23  }
0x45: {  	s21 =	sadd.s32 s3, s18;
	s3 =	sadd.s32 s3, s19;
	[smem:$0x7ED] =	sst s6  }
0x46: {  	s23 =	sadd.s32 s5, s18;
	s19 =	simm.s32 $0xA;
	[smem:$0x7F7] =	sst s21  }
0x47: {  	s18 =	simm.s32 $0x13;
	s6 =	sadd.s32 s5, s10;
	[smem:$0x7F8] =	sst s3  }
0x48: {  	[smem:$0x7FA] =	sst s23;
	s10 =	simm.s32 $0xC80;
	s21 =	simm.s32 $0x4  }
0x49: {  	s23 =	simm.s32 $0xB;
	s3 =	simm.s32 $0x7;
	[smem:$0x7F1] =	sst s6  }
0x4a: {  	s6 =	simm.s32 $0xE;
	_ =	strace $0x80000047;
	[smem:$0x7FC] =	sst s25  }
0x4b: {  	[smem:$0x7FD] =	sst s26;
	s25 =	simm.s32 $0x5;
	s26 =	simm.s32 $0x17  }
.LBB2_1:
0x4c: {  	s7 =	sld [smem:$0x7FC];
	_ =	sdelay $0x1  }
0x4d: {  	s2 =	sshrl.u32 @!p0 s4, $0x3;
	s5 =	simm.s32 @!p0 $0x1C19  }
0x4e: {  	[spmem:s2], [sflag:s5] =	dma.local @!p0 [hbm:s7], $0x1E850  }
0x4f: {  	s2 =	simm.s32 @!p0 $0x19  }
0x50: {  	_ =	swait.ge @!p0 [sflag:s2], $0x1E850  }
0x51: {  	[sflag:s2] =	ssyncset.done @!p0 $0x0  }
0x52: {  	[sflag:s2] =	ssyncadd.s32 @!p0 $0xFFFE17B0  }
0x53: {  	[bflag:$0x0] =	sbarrier.arrive $0xFFFF  }
0x54: {  	s5 =	sld [smem:$0x7F4];
	_ =	sdelay $0x1  }
0x55: {  	s7 =	simm.s32 $0xF428  }
0x56: {  	[tilespmem:s7], [sflag:$0x1] =	stream.linear.gather [hbm4b:s5+s8], $0xC80, $0x38;
	[tilespmem:$0x1BC28] =	vst v63  }
0x57: {  	s5 =	simm.s32 $0x1  }
0x58: {  	_ =	swait.ge [sflag:s5], $0xC80  }
0x59: {  	[sflag:s5] =	ssyncset.done $0x0  }
0x5a: {  	[sflag:s5] =	ssyncadd.s32 $0xFFFFF380  }
0x5b: {  	[tilespmem:s9], [sflag:$0x9] =	stream.indirect.gather [spmem:s4], $0x1, s7, s10, $0xb8;
	[tilespmem:$0x1BC28] =	vst v63  }
0x5c: {  	s5 =	rddreg [dreg:$0x4];
	s9 =	simm.s32 $0x100A8  }
0x5d: {  	[tilespmem:s9], [sflag:$0x2] =	stream.linear.gather [hbm4b:s5+s8], $0xC80, $0x38;
	[tilespmem:$0x1BC28] =	vst v63  }
0x5e: {  	_ =	swait.ge [sflag:s13], $0xC80  }
0x5f: {  	[sflag:s13] =	ssyncset.done $0x0  }
0x60: {  	s5 =	simm.s32 $0x164A8;
	[sflag:s13] =	ssyncadd.s32 $0xFFFFF380  }
0x61: {  	[tilespmem:s5], [sflag:$0xA] =	stream.indirect.gather [spmem:s4], $0x1, s9, s10, $0xb8;
	[tilespmem:$0x1BC28] =	vst v63  }
0x62: {  	_ =	swait.ge [sflag:s15], $0xC80  }
0x63: {  	[sflag:s15] =	ssyncset.done $0x0  }
0x64: {  	s5 =	simm.s32 $0x10D28;
	s2 =	rddreg [dreg:$0x5];
	[sflag:s15] =	ssyncadd.s32 $0xFFFFF380  }
0x65: {  	[tilespmem:s5], [sflag:$0x3] =	stream.linear.gather [hbm4b:s2+s8], $0xC80, $0x38;
	[tilespmem:$0x1BC28] =	vst v63  }
0x66: {  	s2 =	simm.s32 $0x0;
	s5 =	simm.s32 $0x40  }
.LBB2_2:
0x67: {  	p1 =	sne.s32 s5, $0x31C0;
	v0 =	vld [tilespmem:s2+$0x15828];
	_ =	sdelay $0x4  }
0x68: {  	v1 =	vmul.f32 $1.442695020e+00, v0;
	_ =	sdelay $0x1  }
0x69: {  	(erf) = vpow2.f32 v1;
	_ =	sdelay $0x6  }
.Ltmp0:
0x6a: {  	(pc) =	sbr.rel @p1 .LBB2_2-.Ltmp0, $4  }
0x6b: {  	v1 =	vadd.f32 $1.000000000e+00, v0  }
0x6c: {  	vm0 =	vgt.f32 v0, $0.0e+00;
	v0 =	vpop (erf)  }
0x6d: {  	v0 =	vsel vm0, v1, v0  }
0x6e: {  	[tilespmem:s2+$0x15828] =	vst v0;
	s2 =	sshra.s32 s5, $0x2;
	s5 =	sadd.s32 $0x40, s5  }
0x6f: {  	v0 =	vld [tilespmem:s2+$0x15828];
	_ =	sdelay $0x4  }
0x70: {  	v1 =	vmul.f32 $1.442695020e+00, v0;
	_ =	sdelay $0x1  }
0x71: {  	(erf) = vpow2.f32 v1;
	_ =	sdelay $0x7  }
0x72: {  	v62 =	vadd.f32 $1.000000000e+00, v0  }
0x73: {  	s5 =	sld [smem:$0x7F5];
	vm0 =	vgt.f32 v0, $0.0e+00;
	v63 =	vpop (erf)  }
0x74: {  	v0 =	vsel vm0, v62, v63  }
0x75: {  	s8 =	simm.s32 $0x15828;
	[tilespmem:s2+$0x15828] =	vst v0;
	s2 =	simm.s32 $0x0  }
0x76: {  	[hbm4b:s5+s2] =	stream.linear.scatter [tilespmem:s8], [sflag:$0x11], $0xC80, $0x38;
	[tilespmem:$0x1BC28] =	vst v63  }
0x77: {  	_ =	swait.ge [sflag:s17], $0xC80  }
0x78: {  	[sflag:s17] =	ssyncset.done $0x0  }
0x79: {  	s5 =	simm.s32 $0x10D28;
	s8 =	simm.s32 $0x17128;
	[sflag:s17] =	ssyncadd.s32 $0xFFFFF380  }
0x7a: {  	[tilespmem:s8], [sflag:$0xB] =	stream.indirect.gather [spmem:s4], $0x1, s5, s10, $0xb8;
	[tilespmem:$0x1BC28] =	vst v63  }
0x7b: {  	_ =	swait.ge [sflag:s19], $0xC80  }
0x7c: {  	[sflag:s19] =	ssyncset.done $0x0  }
0x7d: {  	s8 =	simm.s32 $0x119A8;
	s5 =	rddreg [dreg:$0x6];
	[sflag:s19] =	ssyncadd.s32 $0xFFFFF380  }
0x7e: {  	[tilespmem:s8], [sflag:$0x4] =	stream.linear.gather [hbm4b:s5+s2], $0xC80, $0x38;
	[tilespmem:$0x1BC28] =	vst v63  }
0x7f: {  	s2 =	simm.s32 $0x0;
	s5 =	simm.s32 $0x40  }
.LBB2_4:
0x80: {  	p1 =	sne.s32 s5, $0x31C0;
	v0 =	vld [tilespmem:s2+$0x164A8];
	_ =	sdelay $0x4  }
0x81: {  	v1 =	vmul.f32 $1.442695020e+00, v0;
	_ =	sdelay $0x1  }
0x82: {  	(erf) = vpow2.f32 v1;
	_ =	sdelay $0x6  }
.Ltmp1:
0x83: {  	(pc) =	sbr.rel @p1 .LBB2_4-.Ltmp1, $4  }
0x84: {  	v1 =	vadd.f32 $1.000000000e+00, v0  }
0x85: {  	vm0 =	vgt.f32 v0, $0.0e+00;
	v0 =	vpop (erf)  }
0x86: {  	v0 =	vsel vm0, v1, v0  }
0x87: {  	[tilespmem:s2+$0x164A8] =	vst v0;
	s2 =	sshra.s32 s5, $0x2;
	s5 =	sadd.s32 $0x40, s5  }
0x88: {  	v0 =	vld [tilespmem:s2+$0x164A8];
	_ =	sdelay $0x4  }
0x89: {  	v1 =	vmul.f32 $1.442695020e+00, v0;
	_ =	sdelay $0x1  }
0x8a: {  	(erf) = vpow2.f32 v1;
	_ =	sdelay $0x7  }
0x8b: {  	v62 =	vadd.f32 $1.000000000e+00, v0  }
0x8c: {  	vm0 =	vgt.f32 v0, $0.0e+00;
	v63 =	vpop (erf)  }
0x8d: {  	v0 =	vsel vm0, v62, v63  }
0x8e: {  	s5 =	rddreg [dreg:$0x7];
	s8 =	simm.s32 $0x164A8;
	[tilespmem:s2+$0x164A8] =	vst v0;
	s2 =	simm.s32 $0x0  }
0x8f: {  	[hbm4b:s5+s2] =	stream.linear.scatter [tilespmem:s8], [sflag:$0x12], $0xC80, $0x38;
	[tilespmem:$0x1BC28] =	vst v63  }
0x90: {  	_ =	swait.ge [sflag:s21], $0xC80  }
0x91: {  	[sflag:s21] =	ssyncset.done $0x0  }
0x92: {  	s5 =	simm.s32 $0x119A8;
	s8 =	simm.s32 $0x17DA8;
	[sflag:s21] =	ssyncadd.s32 $0xFFFFF380  }
0x93: {  	[tilespmem:s8], [sflag:$0xC] =	stream.indirect.gather [spmem:s4], $0x1, s5, s10, $0xb8;
	[tilespmem:$0x1BC28] =	vst v63  }
0x94: {  	_ =	swait.ge [sflag:s23], $0xC80  }
0x95: {  	[sflag:s23] =	ssyncset.done $0x0  }
0x96: {  	s8 =	simm.s32 $0x12628;
	s5 =	rddreg [dreg:$0x8];
	[sflag:s23] =	ssyncadd.s32 $0xFFFFF380  }
0x97: {  	[tilespmem:s8], [sflag:$0x5] =	stream.linear.gather [hbm4b:s5+s2], $0xC80, $0x38;
	[tilespmem:$0x1BC28] =	vst v63  }
0x98: {  	s2 =	simm.s32 $0x0;
	s5 =	simm.s32 $0x40  }
.LBB2_6:
0x99: {  	p1 =	sne.s32 s5, $0x31C0;
	v0 =	vld [tilespmem:s2+$0x17128];
	_ =	sdelay $0x4  }
0x9a: {  	v1 =	vmul.f32 $1.442695020e+00, v0;
	_ =	sdelay $0x1  }
0x9b: {  	(erf) = vpow2.f32 v1;
	_ =	sdelay $0x6  }
.Ltmp2:
0x9c: {  	(pc) =	sbr.rel @p1 .LBB2_6-.Ltmp2, $4  }
0x9d: {  	v1 =	vadd.f32 $1.000000000e+00, v0  }
0x9e: {  	vm0 =	vgt.f32 v0, $0.0e+00;
	v0 =	vpop (erf)  }
0x9f: {  	v0 =	vsel vm0, v1, v0  }
0xa0: {  	[tilespmem:s2+$0x17128] =	vst v0;
	s2 =	sshra.s32 s5, $0x2;
	s5 =	sadd.s32 $0x40, s5  }
0xa1: {  	v0 =	vld [tilespmem:s2+$0x17128];
	_ =	sdelay $0x4  }
0xa2: {  	v1 =	vmul.f32 $1.442695020e+00, v0;
	_ =	sdelay $0x1  }
0xa3: {  	(erf) = vpow2.f32 v1;
	_ =	sdelay $0x7  }
0xa4: {  	v62 =	vadd.f32 $1.000000000e+00, v0  }
0xa5: {  	vm0 =	vgt.f32 v0, $0.0e+00;
	v63 =	vpop (erf)  }
0xa6: {  	v0 =	vsel vm0, v62, v63  }
0xa7: {  	s5 =	rddreg [dreg:$0x9];
	s8 =	simm.s32 $0x17128;
	[tilespmem:s2+$0x17128] =	vst v0;
	s2 =	simm.s32 $0x0  }
0xa8: {  	[hbm4b:s5+s2] =	stream.linear.scatter [tilespmem:s8], [sflag:$0x13], $0xC80, $0x38;
	[tilespmem:$0x1BC28] =	vst v63  }
0xa9: {  	_ =	swait.ge [sflag:s25], $0xC80  }
0xaa: {  	[sflag:s25] =	ssyncset.done $0x0  }
0xab: {  	s5 =	simm.s32 $0x12628;
	s8 =	simm.s32 $0x18A28;
	[sflag:s25] =	ssyncadd.s32 $0xFFFFF380  }
0xac: {  	[tilespmem:s8], [sflag:$0xD] =	stream.indirect.gather [spmem:s4], $0x1, s5, s10, $0xb8;
	[tilespmem:$0x1BC28] =	vst v63  }
0xad: {  	_ =	swait.ge [sflag:s28], $0xC80  }
0xae: {  	[sflag:s28] =	ssyncset.done $0x0  }
0xaf: {  	s8 =	simm.s32 $0x132A8;
	s5 =	rddreg [dreg:$0xa];
	[sflag:s28] =	ssyncadd.s32 $0xFFFFF380  }
0xb0: {  	[tilespmem:s8], [sflag:$0x6] =	stream.linear.gather [hbm4b:s5+s2], $0xC80, $0x38;
	[tilespmem:$0x1BC28] =	vst v63  }
0xb1: {  	s2 =	simm.s32 $0x0;
	s5 =	simm.s32 $0x40  }
.LBB2_8:
0xb2: {  	p1 =	sne.s32 s5, $0x31C0;
	v0 =	vld [tilespmem:s2+$0x17DA8];
	_ =	sdelay $0x4  }
0xb3: {  	v1 =	vmul.f32 $1.442695020e+00, v0;
	_ =	sdelay $0x1  }
0xb4: {  	(erf) = vpow2.f32 v1;
	_ =	sdelay $0x6  }
.Ltmp3:
0xb5: {  	(pc) =	sbr.rel @p1 .LBB2_8-.Ltmp3, $4  }
0xb6: {  	v1 =	vadd.f32 $1.000000000e+00, v0  }
0xb7: {  	vm0 =	vgt.f32 v0, $0.0e+00;
	v0 =	vpop (erf)  }
0xb8: {  	v0 =	vsel vm0, v1, v0  }
0xb9: {  	[tilespmem:s2+$0x17DA8] =	vst v0;
	s2 =	sshra.s32 s5, $0x2;
	s5 =	sadd.s32 $0x40, s5  }
0xba: {  	v0 =	vld [tilespmem:s2+$0x17DA8];
	_ =	sdelay $0x4  }
0xbb: {  	v1 =	vmul.f32 $1.442695020e+00, v0;
	_ =	sdelay $0x1  }
0xbc: {  	(erf) = vpow2.f32 v1;
	_ =	sdelay $0x7  }
0xbd: {  	v62 =	vadd.f32 $1.000000000e+00, v0  }
0xbe: {  	vm0 =	vgt.f32 v0, $0.0e+00;
	v63 =	vpop (erf)  }
0xbf: {  	v0 =	vsel vm0, v62, v63  }
0xc0: {  	s5 =	rddreg [dreg:$0xb];
	s8 =	simm.s32 $0x17DA8;
	[tilespmem:s2+$0x17DA8] =	vst v0;
	s2 =	simm.s32 $0x0  }
0xc1: {  	[hbm4b:s5+s2] =	stream.linear.scatter [tilespmem:s8], [sflag:$0x14], $0xC80, $0x38;
	[tilespmem:$0x1BC28] =	vst v63  }
0xc2: {  	_ =	swait.ge [sflag:s30], $0xC80  }
0xc3: {  	[sflag:s30] =	ssyncset.done $0x0  }
0xc4: {  	s5 =	simm.s32 $0x132A8;
	s8 =	simm.s32 $0x196A8;
	[sflag:s30] =	ssyncadd.s32 $0xFFFFF380  }
0xc5: {  	[tilespmem:s8], [sflag:$0xE] =	stream.indirect.gather [spmem:s4], $0x1, s5, s10, $0xb8;
	[tilespmem:$0x1BC28] =	vst v63  }
0xc6: {  	_ =	swait.ge [sflag:s1], $0xC80  }
0xc7: {  	[sflag:s1] =	ssyncset.done $0x0  }
0xc8: {  	s8 =	simm.s32 $0x13F28;
	s5 =	rddreg [dreg:$0xc];
	[sflag:s1] =	ssyncadd.s32 $0xFFFFF380  }
0xc9: {  	[tilespmem:s8], [sflag:$0x7] =	stream.linear.gather [hbm4b:s5+s2], $0xC80, $0x38;
	[tilespmem:$0x1BC28] =	vst v63  }
0xca: {  	s2 =	simm.s32 $0x0;
	s5 =	simm.s32 $0x40  }
.LBB2_10:
0xcb: {  	p1 =	sne.s32 s5, $0x31C0;
	v0 =	vld [tilespmem:s2+$0x18A28];
	_ =	sdelay $0x4  }
0xcc: {  	v1 =	vmul.f32 $1.442695020e+00, v0;
	_ =	sdelay $0x1  }
0xcd: {  	(erf) = vpow2.f32 v1;
	_ =	sdelay $0x6  }
.Ltmp4:
0xce: {  	(pc) =	sbr.rel @p1 .LBB2_10-.Ltmp4, $4  }
0xcf: {  	v1 =	vadd.f32 $1.000000000e+00, v0  }
0xd0: {  	vm0 =	vgt.f32 v0, $0.0e+00;
	v0 =	vpop (erf)  }
0xd1: {  	v0 =	vsel vm0, v1, v0  }
0xd2: {  	[tilespmem:s2+$0x18A28] =	vst v0;
	s2 =	sshra.s32 s5, $0x2;
	s5 =	sadd.s32 $0x40, s5  }
0xd3: {  	v0 =	vld [tilespmem:s2+$0x18A28];
	_ =	sdelay $0x4  }
0xd4: {  	v1 =	vmul.f32 $1.442695020e+00, v0;
	_ =	sdelay $0x1  }
0xd5: {  	(erf) = vpow2.f32 v1;
	_ =	sdelay $0x7  }
0xd6: {  	v62 =	vadd.f32 $1.000000000e+00, v0  }
0xd7: {  	vm0 =	vgt.f32 v0, $0.0e+00;
	v63 =	vpop (erf)  }
0xd8: {  	v0 =	vsel vm0, v62, v63  }
0xd9: {  	s5 =	rddreg [dreg:$0xd];
	s8 =	simm.s32 $0x18A28;
	[tilespmem:s2+$0x18A28] =	vst v0;
	s2 =	simm.s32 $0x0  }
0xda: {  	[hbm4b:s5+s2] =	stream.linear.scatter [tilespmem:s8], [sflag:$0x15], $0xC80, $0x38;
	[tilespmem:$0x1BC28] =	vst v63  }
0xdb: {  	_ =	swait.ge [sflag:s3], $0xC80  }
0xdc: {  	[sflag:s3] =	ssyncset.done $0x0  }
0xdd: {  	s5 =	simm.s32 $0x13F28;
	s8 =	simm.s32 $0x1A328;
	[sflag:s3] =	ssyncadd.s32 $0xFFFFF380  }
0xde: {  	[tilespmem:s8], [sflag:$0xF] =	stream.indirect.gather [spmem:s4], $0x1, s5, s10, $0xb8;
	[tilespmem:$0x1BC28] =	vst v63  }
0xdf: {  	_ =	swait.ge [sflag:s6], $0xC80  }
0xe0: {  	[sflag:s6] =	ssyncset.done $0x0  }
0xe1: {  	s8 =	simm.s32 $0x14BA8;
	s5 =	rddreg [dreg:$0xe];
	[sflag:s6] =	ssyncadd.s32 $0xFFFFF380  }
0xe2: {  	[tilespmem:s8], [sflag:$0x8] =	stream.linear.gather [hbm4b:s5+s2], $0xC80, $0x38;
	[tilespmem:$0x1BC28] =	vst v63  }
0xe3: {  	s2 =	simm.s32 $0x0;
	s5 =	simm.s32 $0x40  }
.LBB2_12:
0xe4: {  	p1 =	sne.s32 s5, $0x31C0;
	v0 =	vld [tilespmem:s2+$0x196A8];
	_ =	sdelay $0x4  }
0xe5: {  	v1 =	vmul.f32 $1.442695020e+00, v0;
	_ =	sdelay $0x1  }
0xe6: {  	(erf) = vpow2.f32 v1;
	_ =	sdelay $0x6  }
.Ltmp5:
0xe7: {  	(pc) =	sbr.rel @p1 .LBB2_12-.Ltmp5, $4  }
0xe8: {  	v1 =	vadd.f32 $1.000000000e+00, v0  }
0xe9: {  	vm0 =	vgt.f32 v0, $0.0e+00;
	v0 =	vpop (erf)  }
0xea: {  	v0 =	vsel vm0, v1, v0  }
0xeb: {  	[tilespmem:s2+$0x196A8] =	vst v0;
	s2 =	sshra.s32 s5, $0x2;
	s5 =	sadd.s32 $0x40, s5  }
0xec: {  	v0 =	vld [tilespmem:s2+$0x196A8];
	_ =	sdelay $0x4  }
0xed: {  	v1 =	vmul.f32 $1.442695020e+00, v0;
	_ =	sdelay $0x1  }
0xee: {  	(erf) = vpow2.f32 v1;
	_ =	sdelay $0x7  }
0xef: {  	v62 =	vadd.f32 $1.000000000e+00, v0  }
0xf0: {  	vm0 =	vgt.f32 v0, $0.0e+00;
	v63 =	vpop (erf)  }
0xf1: {  	v0 =	vsel vm0, v62, v63  }
0xf2: {  	s5 =	rddreg [dreg:$0xf];
	s8 =	simm.s32 $0x196A8;
	[tilespmem:s2+$0x196A8] =	vst v0;
	s2 =	simm.s32 $0x0  }
0xf3: {  	[hbm4b:s5+s2] =	stream.linear.scatter [tilespmem:s8], [sflag:$0x16], $0xC80, $0x38;
	[tilespmem:$0x1BC28] =	vst v63  }
0xf4: {  	_ =	swait.ge [sflag:s0], $0xC80  }
0xf5: {  	[sflag:s0] =	ssyncset.done $0x0  }
0xf6: {  	s5 =	simm.s32 $0x14BA8;
	s8 =	simm.s32 $0x1AFA8;
	[sflag:s0] =	ssyncadd.s32 $0xFFFFF380  }
0xf7: {  	[tilespmem:s8], [sflag:$0x10] =	stream.indirect.gather [spmem:s4], $0x1, s5, s10, $0xb8;
	[tilespmem:$0x1BC28] =	vst v63  }
0xf8: {  	_ =	swait.ge [sflag:s11], $0xC80  }
0xf9: {  	[sflag:s11] =	ssyncset.done $0x0  }
0xfa: {  	s8 =	rddreg [dreg:$0x10];
	[sflag:s11] =	ssyncadd.s32 $0xFFFFF380  }
0xfb: {  	[tilespmem:s7], [sflag:$0x1] =	stream.linear.gather [hbm4b:s8+s2], $0xC80, $0x38;
	[tilespmem:$0x1BC28] =	vst v63  }
0xfc: {  	s5 =	simm.s32 $0x40;
	s2 =	simm.s32 $0x0  }
.LBB2_14:
0xfd: {  	p1 =	sne.s32 s5, $0x31C0;
	v0 =	vld [tilespmem:s2+$0x1A328];
	_ =	sdelay $0x4  }
0xfe: {  	v1 =	vmul.f32 $1.442695020e+00, v0;
	_ =	sdelay $0x1  }
0xff: {  	(erf) = vpow2.f32 v1;
	_ =	sdelay $0x6  }
.Ltmp6:
0x100: {  	(pc) =	sbr.rel @p1 .LBB2_14-.Ltmp6, $4  }
0x101: {  	v1 =	vadd.f32 $1.000000000e+00, v0  }
0x102: {  	vm0 =	vgt.f32 v0, $0.0e+00;
	v0 =	vpop (erf)  }
0x103: {  	v0 =	vsel vm0, v1, v0  }
0x104: {  	[tilespmem:s2+$0x1A328] =	vst v0;
	s2 =	sshra.s32 s5, $0x2;
	s5 =	sadd.s32 $0x40, s5  }
0x105: {  	v0 =	vld [tilespmem:s2+$0x1A328];
	_ =	sdelay $0x4  }
0x106: {  	v1 =	vmul.f32 $1.442695020e+00, v0;
	_ =	sdelay $0x1  }
0x107: {  	(erf) = vpow2.f32 v1;
	_ =	sdelay $0x7  }
0x108: {  	v62 =	vadd.f32 $1.000000000e+00, v0  }
0x109: {  	vm0 =	vgt.f32 v0, $0.0e+00;
	v63 =	vpop (erf)  }
0x10a: {  	v0 =	vsel vm0, v62, v63  }
0x10b: {  	s5 =	rddreg [dreg:$0x11];
	s8 =	simm.s32 $0x1A328;
	[tilespmem:s2+$0x1A328] =	vst v0;
	s2 =	simm.s32 $0x0  }
0x10c: {  	[hbm4b:s5+s2] =	stream.linear.scatter [tilespmem:s8], [sflag:$0x17], $0xC80, $0x38;
	[tilespmem:$0x1BC28] =	vst v63  }
0x10d: {  	s8 =	simm.s32 $0x1  }
0x10e: {  	_ =	swait.ge [sflag:s8], $0xC80  }
0x10f: {  	[sflag:s8] =	ssyncset.done $0x0  }
0x110: {  	[sflag:s8] =	ssyncadd.s32 $0xFFFFF380  }
0x111: {  	_ =	swait.ge [sflag:s12], $0xC80  }
0x112: {  	[sflag:s12] =	ssyncset.done $0x0  }
0x113: {  	s8 =	simm.s32 $0x15828;
	[sflag:s12] =	ssyncadd.s32 $0xFFFFF380  }
0x114: {  	[tilespmem:s8], [sflag:$0x9] =	stream.indirect.gather [spmem:s4], $0x1, s7, s10, $0xb8;
	[tilespmem:$0x1BC28] =	vst v63  }
0x115: {  	_ =	swait.ge [sflag:s14], $0xC80  }
0x116: {  	[sflag:s14] =	ssyncset.done $0x0  }
0x117: {  	s8 =	rddreg [dreg:$0x12];
	[sflag:s14] =	ssyncadd.s32 $0xFFFFF380  }
0x118: {  	[tilespmem:s9], [sflag:$0x2] =	stream.linear.gather [hbm4b:s8+s2], $0xC80, $0x38;
	[tilespmem:$0x1BC28] =	vst v63  }
0x119: {  	s5 =	simm.s32 $0x40;
	s2 =	simm.s32 $0x0  }
.LBB2_16:
0x11a: {  	p1 =	sne.s32 s5, $0x31C0;
	v0 =	vld [tilespmem:s2+$0x1AFA8];
	_ =	sdelay $0x4  }
0x11b: {  	v1 =	vmul.f32 $1.442695020e+00, v0;
	_ =	sdelay $0x1  }
0x11c: {  	(erf) = vpow2.f32 v1;
	_ =	sdelay $0x6  }
.Ltmp7:
0x11d: {  	(pc) =	sbr.rel @p1 .LBB2_16-.Ltmp7, $4  }
0x11e: {  	v1 =	vadd.f32 $1.000000000e+00, v0  }
0x11f: {  	vm0 =	vgt.f32 v0, $0.0e+00;
	v0 =	vpop (erf)  }
0x120: {  	v0 =	vsel vm0, v1, v0  }
0x121: {  	[tilespmem:s2+$0x1AFA8] =	vst v0;
	s2 =	sshra.s32 s5, $0x2;
	s5 =	sadd.s32 $0x40, s5  }
0x122: {  	v0 =	vld [tilespmem:s2+$0x1AFA8];
	_ =	sdelay $0x4  }
0x123: {  	v1 =	vmul.f32 $1.442695020e+00, v0;
	_ =	sdelay $0x1  }
0x124: {  	(erf) = vpow2.f32 v1;
	_ =	sdelay $0x7  }
0x125: {  	v62 =	vadd.f32 $1.000000000e+00, v0  }
0x126: {  	vm0 =	vgt.f32 v0, $0.0e+00;
	v63 =	vpop (erf)  }
0x127: {  	v0 =	vsel vm0, v62, v63  }
0x128: {  	s5 =	rddreg [dreg:$0x13];
	s8 =	simm.s32 $0x1AFA8;
	[tilespmem:s2+$0x1AFA8] =	vst v0;
	s2 =	simm.s32 $0x0  }
0x129: {  	[hbm4b:s5+s2] =	stream.linear.scatter [tilespmem:s8], [sflag:$0x18], $0xC80, $0x38;
	[tilespmem:$0x1BC28] =	vst v63  }
0x12a: {  	_ =	swait.ge [sflag:s13], $0xC80  }
0x12b: {  	[sflag:s13] =	ssyncset.done $0x0  }
0x12c: {  	[sflag:s13] =	ssyncadd.s32 $0xFFFFF380  }
0x12d: {  	_ =	swait.ge [sflag:s16], $0xC80  }
0x12e: {  	[sflag:s16] =	ssyncset.done $0x0  }
0x12f: {  	s8 =	simm.s32 $0x164A8;
	[sflag:s16] =	ssyncadd.s32 $0xFFFFF380  }
0x130: {  	[tilespmem:s8], [sflag:$0xA] =	stream.indirect.gather [spmem:s4], $0x1, s9, s10, $0xb8;
	[tilespmem:$0x1BC28] =	vst v63  }
0x131: {  	_ =	swait.ge [sflag:s15], $0xC80  }
0x132: {  	[sflag:s15] =	ssyncset.done $0x0  }
0x133: {  	s8 =	simm.s32 $0x10D28;
	s5 =	rddreg [dreg:$0x16];
	[sflag:s15] =	ssyncadd.s32 $0xFFFFF380  }
0x134: {  	[tilespmem:s8], [sflag:$0x3] =	stream.linear.gather [hbm4b:s5+s2], $0xC80, $0x38;
	[tilespmem:$0x1BC28] =	vst v63  }
0x135: {  	s2 =	simm.s32 $0x0;
	s5 =	simm.s32 $0x40  }
.LBB2_18:
0x136: {  	p1 =	sne.s32 s5, $0x31C0;
	v0 =	vld [tilespmem:s2+$0x15828];
	_ =	sdelay $0x4  }
0x137: {  	v1 =	vmul.f32 $1.442695020e+00, v0;
	_ =	sdelay $0x1  }
0x138: {  	(erf) = vpow2.f32 v1;
	_ =	sdelay $0x6  }
.Ltmp8:
0x139: {  	(pc) =	sbr.rel @p1 .LBB2_18-.Ltmp8, $4  }
0x13a: {  	v1 =	vadd.f32 $1.000000000e+00, v0  }
0x13b: {  	vm0 =	vgt.f32 v0, $0.0e+00;
	v0 =	vpop (erf)  }
0x13c: {  	v0 =	vsel vm0, v1, v0  }
0x13d: {  	[tilespmem:s2+$0x15828] =	vst v0;
	s2 =	sshra.s32 s5, $0x2;
	s5 =	sadd.s32 $0x40, s5  }
0x13e: {  	v0 =	vld [tilespmem:s2+$0x15828];
	_ =	sdelay $0x4  }
0x13f: {  	v1 =	vmul.f32 $1.442695020e+00, v0;
	_ =	sdelay $0x1  }
0x140: {  	(erf) = vpow2.f32 v1;
	_ =	sdelay $0x7  }
0x141: {  	v62 =	vadd.f32 $1.000000000e+00, v0  }
0x142: {  	vm0 =	vgt.f32 v0, $0.0e+00;
	v63 =	vpop (erf)  }
0x143: {  	v0 =	vsel vm0, v62, v63  }
0x144: {  	s5 =	rddreg [dreg:$0x14];
	s8 =	simm.s32 $0x15828;
	[tilespmem:s2+$0x15828] =	vst v0;
	s2 =	simm.s32 $0x0  }
0x145: {  	[hbm4b:s5+s2] =	stream.linear.scatter [tilespmem:s8], [sflag:$0x11], $0xC80, $0x38;
	[tilespmem:$0x1BC28] =	vst v63  }
0x146: {  	_ =	swait.ge [sflag:s17], $0xC80  }
0x147: {  	[sflag:s17] =	ssyncset.done $0x0  }
0x148: {  	[sflag:s17] =	ssyncadd.s32 $0xFFFFF380  }
0x149: {  	_ =	swait.ge [sflag:s18], $0xC80  }
0x14a: {  	[sflag:s18] =	ssyncset.done $0x0  }
0x14b: {  	s5 =	simm.s32 $0x10D28;
	s8 =	simm.s32 $0x17128;
	[sflag:s18] =	ssyncadd.s32 $0xFFFFF380  }
0x14c: {  	[tilespmem:s8], [sflag:$0xB] =	stream.indirect.gather [spmem:s4], $0x1, s5, s10, $0xb8;
	[tilespmem:$0x1BC28] =	vst v63  }
0x14d: {  	_ =	swait.ge [sflag:s19], $0xC80  }
0x14e: {  	[sflag:s19] =	ssyncset.done $0x0  }
0x14f: {  	s8 =	simm.s32 $0x119A8;
	s5 =	rddreg [dreg:$0x18];
	[sflag:s19] =	ssyncadd.s32 $0xFFFFF380  }
0x150: {  	[tilespmem:s8], [sflag:$0x4] =	stream.linear.gather [hbm4b:s5+s2], $0xC80, $0x38;
	[tilespmem:$0x1BC28] =	vst v63  }
0x151: {  	s2 =	simm.s32 $0x0;
	s5 =	simm.s32 $0x40  }
.LBB2_20:
0x152: {  	p1 =	sne.s32 s5, $0x31C0;
	v0 =	vld [tilespmem:s2+$0x164A8];
	_ =	sdelay $0x4  }
0x153: {  	v1 =	vmul.f32 $1.442695020e+00, v0;
	_ =	sdelay $0x1  }
0x154: {  	(erf) = vpow2.f32 v1;
	_ =	sdelay $0x6  }
.Ltmp9:
0x155: {  	(pc) =	sbr.rel @p1 .LBB2_20-.Ltmp9, $4  }
0x156: {  	v1 =	vadd.f32 $1.000000000e+00, v0  }
0x157: {  	vm0 =	vgt.f32 v0, $0.0e+00;
	v0 =	vpop (erf)  }
0x158: {  	v0 =	vsel vm0, v1, v0  }
0x159: {  	[tilespmem:s2+$0x164A8] =	vst v0;
	s2 =	sshra.s32 s5, $0x2;
	s5 =	sadd.s32 $0x40, s5  }
0x15a: {  	v0 =	vld [tilespmem:s2+$0x164A8];
	_ =	sdelay $0x4  }
0x15b: {  	v1 =	vmul.f32 $1.442695020e+00, v0;
	_ =	sdelay $0x1  }
0x15c: {  	(erf) = vpow2.f32 v1;
	_ =	sdelay $0x7  }
0x15d: {  	v62 =	vadd.f32 $1.000000000e+00, v0  }
0x15e: {  	vm0 =	vgt.f32 v0, $0.0e+00;
	v63 =	vpop (erf)  }
0x15f: {  	v0 =	vsel vm0, v62, v63  }
0x160: {  	s5 =	rddreg [dreg:$0x15];
	s8 =	simm.s32 $0x164A8;
	[tilespmem:s2+$0x164A8] =	vst v0;
	s2 =	simm.s32 $0x0  }
0x161: {  	[hbm4b:s5+s2] =	stream.linear.scatter [tilespmem:s8], [sflag:$0x12], $0xC80, $0x38;
	[tilespmem:$0x1BC28] =	vst v63  }
0x162: {  	_ =	swait.ge [sflag:s21], $0xC80  }
0x163: {  	[sflag:s21] =	ssyncset.done $0x0  }
0x164: {  	[sflag:s21] =	ssyncadd.s32 $0xFFFFF380  }
0x165: {  	_ =	swait.ge [sflag:s20], $0xC80  }
0x166: {  	[sflag:s20] =	ssyncset.done $0x0  }
0x167: {  	s5 =	simm.s32 $0x119A8;
	s8 =	simm.s32 $0x17DA8;
	[sflag:s20] =	ssyncadd.s32 $0xFFFFF380  }
0x168: {  	[tilespmem:s8], [sflag:$0xC] =	stream.indirect.gather [spmem:s4], $0x1, s5, s10, $0xb8;
	[tilespmem:$0x1BC28] =	vst v63  }
0x169: {  	_ =	swait.ge [sflag:s23], $0xC80  }
0x16a: {  	[sflag:s23] =	ssyncset.done $0x0  }
0x16b: {  	s8 =	simm.s32 $0x12628;
	s5 =	rddreg [dreg:$0x1a];
	[sflag:s23] =	ssyncadd.s32 $0xFFFFF380  }
0x16c: {  	[tilespmem:s8], [sflag:$0x5] =	stream.linear.gather [hbm4b:s5+s2], $0xC80, $0x38;
	[tilespmem:$0x1BC28] =	vst v63  }
0x16d: {  	s2 =	simm.s32 $0x0;
	s5 =	simm.s32 $0x40  }
.LBB2_22:
0x16e: {  	p1 =	sne.s32 s5, $0x31C0;
	v0 =	vld [tilespmem:s2+$0x17128];
	_ =	sdelay $0x4  }
0x16f: {  	v1 =	vmul.f32 $1.442695020e+00, v0;
	_ =	sdelay $0x1  }
0x170: {  	(erf) = vpow2.f32 v1;
	_ =	sdelay $0x6  }
.Ltmp10:
0x171: {  	(pc) =	sbr.rel @p1 .LBB2_22-.Ltmp10, $4  }
0x172: {  	v1 =	vadd.f32 $1.000000000e+00, v0  }
0x173: {  	vm0 =	vgt.f32 v0, $0.0e+00;
	v0 =	vpop (erf)  }
0x174: {  	v0 =	vsel vm0, v1, v0  }
0x175: {  	[tilespmem:s2+$0x17128] =	vst v0;
	s2 =	sshra.s32 s5, $0x2;
	s5 =	sadd.s32 $0x40, s5  }
0x176: {  	v0 =	vld [tilespmem:s2+$0x17128];
	_ =	sdelay $0x4  }
0x177: {  	v1 =	vmul.f32 $1.442695020e+00, v0;
	_ =	sdelay $0x1  }
0x178: {  	(erf) = vpow2.f32 v1;
	_ =	sdelay $0x7  }
0x179: {  	v62 =	vadd.f32 $1.000000000e+00, v0  }
0x17a: {  	vm0 =	vgt.f32 v0, $0.0e+00;
	v63 =	vpop (erf)  }
0x17b: {  	v0 =	vsel vm0, v62, v63  }
0x17c: {  	s5 =	rddreg [dreg:$0x17];
	s8 =	simm.s32 $0x17128;
	[tilespmem:s2+$0x17128] =	vst v0;
	s2 =	simm.s32 $0x0  }
0x17d: {  	[hbm4b:s5+s2] =	stream.linear.scatter [tilespmem:s8], [sflag:$0x13], $0xC80, $0x38;
	[tilespmem:$0x1BC28] =	vst v63  }
0x17e: {  	_ =	swait.ge [sflag:s25], $0xC80  }
0x17f: {  	[sflag:s25] =	ssyncset.done $0x0  }
0x180: {  	[sflag:s25] =	ssyncadd.s32 $0xFFFFF380  }
0x181: {  	_ =	swait.ge [sflag:s22], $0xC80  }
0x182: {  	[sflag:s22] =	ssyncset.done $0x0  }
0x183: {  	s5 =	simm.s32 $0x12628;
	s8 =	simm.s32 $0x18A28;
	[sflag:s22] =	ssyncadd.s32 $0xFFFFF380  }
0x184: {  	[tilespmem:s8], [sflag:$0xD] =	stream.indirect.gather [spmem:s4], $0x1, s5, s10, $0xb8;
	[tilespmem:$0x1BC28] =	vst v63  }
0x185: {  	_ =	swait.ge [sflag:s28], $0xC80  }
0x186: {  	[sflag:s28] =	ssyncset.done $0x0  }
0x187: {  	s8 =	simm.s32 $0x132A8;
	s5 =	rddreg [dreg:$0x1c];
	[sflag:s28] =	ssyncadd.s32 $0xFFFFF380  }
0x188: {  	[tilespmem:s8], [sflag:$0x6] =	stream.linear.gather [hbm4b:s5+s2], $0xC80, $0x38;
	[tilespmem:$0x1BC28] =	vst v63  }
0x189: {  	s2 =	simm.s32 $0x0;
	s5 =	simm.s32 $0x40  }
.LBB2_24:
0x18a: {  	p1 =	sne.s32 s5, $0x31C0;
	v0 =	vld [tilespmem:s2+$0x17DA8];
	_ =	sdelay $0x4  }
0x18b: {  	v1 =	vmul.f32 $1.442695020e+00, v0;
	_ =	sdelay $0x1  }
0x18c: {  	(erf) = vpow2.f32 v1;
	_ =	sdelay $0x6  }
.Ltmp11:
0x18d: {  	(pc) =	sbr.rel @p1 .LBB2_24-.Ltmp11, $4  }
0x18e: {  	v1 =	vadd.f32 $1.000000000e+00, v0  }
0x18f: {  	vm0 =	vgt.f32 v0, $0.0e+00;
	v0 =	vpop (erf)  }
0x190: {  	v0 =	vsel vm0, v1, v0  }
0x191: {  	[tilespmem:s2+$0x17DA8] =	vst v0;
	s2 =	sshra.s32 s5, $0x2;
	s5 =	sadd.s32 $0x40, s5  }
0x192: {  	v0 =	vld [tilespmem:s2+$0x17DA8];
	_ =	sdelay $0x4  }
0x193: {  	v1 =	vmul.f32 $1.442695020e+00, v0;
	_ =	sdelay $0x1  }
0x194: {  	(erf) = vpow2.f32 v1;
	_ =	sdelay $0x7  }
0x195: {  	v62 =	vadd.f32 $1.000000000e+00, v0  }
0x196: {  	vm0 =	vgt.f32 v0, $0.0e+00;
	v63 =	vpop (erf)  }
0x197: {  	v0 =	vsel vm0, v62, v63  }
0x198: {  	s5 =	rddreg [dreg:$0x19];
	s8 =	simm.s32 $0x17DA8;
	[tilespmem:s2+$0x17DA8] =	vst v0;
	s2 =	simm.s32 $0x0  }
0x199: {  	[hbm4b:s5+s2] =	stream.linear.scatter [tilespmem:s8], [sflag:$0x14], $0xC80, $0x38;
	[tilespmem:$0x1BC28] =	vst v63  }
0x19a: {  	_ =	swait.ge [sflag:s30], $0xC80  }
0x19b: {  	[sflag:s30] =	ssyncset.done $0x0  }
0x19c: {  	[sflag:s30] =	ssyncadd.s32 $0xFFFFF380  }
0x19d: {  	_ =	swait.ge [sflag:s24], $0xC80  }
0x19e: {  	[sflag:s24] =	ssyncset.done $0x0  }
0x19f: {  	s5 =	simm.s32 $0x132A8;
	s8 =	simm.s32 $0x196A8;
	[sflag:s24] =	ssyncadd.s32 $0xFFFFF380  }
0x1a0: {  	[tilespmem:s8], [sflag:$0xE] =	stream.indirect.gather [spmem:s4], $0x1, s5, s10, $0xb8;
	[tilespmem:$0x1BC28] =	vst v63  }
0x1a1: {  	_ =	swait.ge [sflag:s1], $0xC80  }
0x1a2: {  	[sflag:s1] =	ssyncset.done $0x0  }
0x1a3: {  	s8 =	simm.s32 $0x13F28;
	s5 =	rddreg [dreg:$0x1e];
	[sflag:s1] =	ssyncadd.s32 $0xFFFFF380  }
0x1a4: {  	[tilespmem:s8], [sflag:$0x7] =	stream.linear.gather [hbm4b:s5+s2], $0xC80, $0x38;
	[tilespmem:$0x1BC28] =	vst v63  }
0x1a5: {  	s2 =	simm.s32 $0x0;
	s5 =	simm.s32 $0x40  }
.LBB2_26:
0x1a6: {  	p1 =	sne.s32 s5, $0x31C0;
	v0 =	vld [tilespmem:s2+$0x18A28];
	_ =	sdelay $0x4  }
0x1a7: {  	v1 =	vmul.f32 $1.442695020e+00, v0;
	_ =	sdelay $0x1  }
0x1a8: {  	(erf) = vpow2.f32 v1;
	_ =	sdelay $0x6  }
.Ltmp12:
0x1a9: {  	(pc) =	sbr.rel @p1 .LBB2_26-.Ltmp12, $4  }
0x1aa: {  	v1 =	vadd.f32 $1.000000000e+00, v0  }
0x1ab: {  	vm0 =	vgt.f32 v0, $0.0e+00;
	v0 =	vpop (erf)  }
0x1ac: {  	v0 =	vsel vm0, v1, v0  }
0x1ad: {  	[tilespmem:s2+$0x18A28] =	vst v0;
	s2 =	sshra.s32 s5, $0x2;
	s5 =	sadd.s32 $0x40, s5  }
0x1ae: {  	v0 =	vld [tilespmem:s2+$0x18A28];
	_ =	sdelay $0x4  }
0x1af: {  	v1 =	vmul.f32 $1.442695020e+00, v0;
	_ =	sdelay $0x1  }
0x1b0: {  	(erf) = vpow2.f32 v1;
	_ =	sdelay $0x7  }
0x1b1: {  	v62 =	vadd.f32 $1.000000000e+00, v0  }
0x1b2: {  	vm0 =	vgt.f32 v0, $0.0e+00;
	v63 =	vpop (erf)  }
0x1b3: {  	v0 =	vsel vm0, v62, v63  }
0x1b4: {  	s5 =	rddreg [dreg:$0x1b];
	s8 =	simm.s32 $0x18A28;
	[tilespmem:s2+$0x18A28] =	vst v0;
	s2 =	simm.s32 $0x0  }
0x1b5: {  	[hbm4b:s5+s2] =	stream.linear.scatter [tilespmem:s8], [sflag:$0x15], $0xC80, $0x38;
	[tilespmem:$0x1BC28] =	vst v63  }
0x1b6: {  	_ =	swait.ge [sflag:s3], $0xC80  }
0x1b7: {  	[sflag:s3] =	ssyncset.done $0x0  }
0x1b8: {  	[sflag:s3] =	ssyncadd.s32 $0xFFFFF380  }
0x1b9: {  	_ =	swait.ge [sflag:s26], $0xC80  }
0x1ba: {  	[sflag:s26] =	ssyncset.done $0x0  }
0x1bb: {  	s5 =	simm.s32 $0x13F28;
	s8 =	simm.s32 $0x1A328;
	[sflag:s26] =	ssyncadd.s32 $0xFFFFF380  }
0x1bc: {  	[tilespmem:s8], [sflag:$0xF] =	stream.indirect.gather [spmem:s4], $0x1, s5, s10, $0xb8;
	[tilespmem:$0x1BC28] =	vst v63  }
0x1bd: {  	_ =	swait.ge [sflag:s6], $0xC80  }
0x1be: {  	s5 =	sld [smem:$0x7D8]  }
0x1bf: {  	[sflag:s6] =	ssyncset.done $0x0  }
0x1c0: {  	s8 =	simm.s32 $0x14BA8;
	[sflag:s6] =	ssyncadd.s32 $0xFFFFF380  }
0x1c1: {  	[tilespmem:s8], [sflag:$0x8] =	stream.linear.gather [hbm4b:s5+s2], $0xC80, $0x38;
	[tilespmem:$0x1BC28] =	vst v63  }
0x1c2: {  	s2 =	simm.s32 $0x0;
	s5 =	simm.s32 $0x40  }
.LBB2_28:
0x1c3: {  	p1 =	sne.s32 s5, $0x31C0;
	v0 =	vld [tilespmem:s2+$0x196A8];
	_ =	sdelay $0x4  }
0x1c4: {  	v1 =	vmul.f32 $1.442695020e+00, v0;
	_ =	sdelay $0x1  }
0x1c5: {  	(erf) = vpow2.f32 v1;
	_ =	sdelay $0x6  }
.Ltmp13:
0x1c6: {  	(pc) =	sbr.rel @p1 .LBB2_28-.Ltmp13, $4  }
0x1c7: {  	v1 =	vadd.f32 $1.000000000e+00, v0  }
0x1c8: {  	vm0 =	vgt.f32 v0, $0.0e+00;
	v0 =	vpop (erf)  }
0x1c9: {  	v0 =	vsel vm0, v1, v0  }
0x1ca: {  	[tilespmem:s2+$0x196A8] =	vst v0;
	s2 =	sshra.s32 s5, $0x2;
	s5 =	sadd.s32 $0x40, s5  }
0x1cb: {  	v0 =	vld [tilespmem:s2+$0x196A8];
	_ =	sdelay $0x4  }
0x1cc: {  	v1 =	vmul.f32 $1.442695020e+00, v0;
	_ =	sdelay $0x1  }
0x1cd: {  	(erf) = vpow2.f32 v1;
	_ =	sdelay $0x7  }
0x1ce: {  	v62 =	vadd.f32 $1.000000000e+00, v0  }
0x1cf: {  	vm0 =	vgt.f32 v0, $0.0e+00;
	v63 =	vpop (erf)  }
0x1d0: {  	v0 =	vsel vm0, v62, v63  }
0x1d1: {  	s5 =	rddreg [dreg:$0x1d];
	s8 =	simm.s32 $0x196A8;
	[tilespmem:s2+$0x196A8] =	vst v0;
	s2 =	simm.s32 $0x0  }
0x1d2: {  	[hbm4b:s5+s2] =	stream.linear.scatter [tilespmem:s8], [sflag:$0x16], $0xC80, $0x38;
	[tilespmem:$0x1BC28] =	vst v63  }
0x1d3: {  	_ =	swait.ge [sflag:s0], $0xC80  }
0x1d4: {  	[sflag:s0] =	ssyncset.done $0x0  }
0x1d5: {  	[sflag:s0] =	ssyncadd.s32 $0xFFFFF380  }
0x1d6: {  	_ =	swait.ge [sflag:s29], $0xC80  }
0x1d7: {  	[sflag:s29] =	ssyncset.done $0x0  }
0x1d8: {  	s5 =	simm.s32 $0x14BA8;
	s8 =	simm.s32 $0x1AFA8;
	[sflag:s29] =	ssyncadd.s32 $0xFFFFF380  }
0x1d9: {  	[tilespmem:s8], [sflag:$0x10] =	stream.indirect.gather [spmem:s4], $0x1, s5, s10, $0xb8;
	[tilespmem:$0x1BC28] =	vst v63  }
0x1da: {  	_ =	swait.ge [sflag:s11], $0xC80  }
0x1db: {  	s8 =	sld [smem:$0x7DA]  }
0x1dc: {  	[sflag:s11] =	ssyncset.done $0x0  }
0x1dd: {  	[sflag:s11] =	ssyncadd.s32 $0xFFFFF380  }
0x1de: {  	[tilespmem:s7], [sflag:$0x1] =	stream.linear.gather [hbm4b:s8+s2], $0xC80, $0x38;
	[tilespmem:$0x1BC28] =	vst v63  }
0x1df: {  	s5 =	simm.s32 $0x40;
	s2 =	simm.s32 $0x0  }
.LBB2_30:
0x1e0: {  	p1 =	sne.s32 s5, $0x31C0;
	v0 =	vld [tilespmem:s2+$0x1A328];
	_ =	sdelay $0x4  }
0x1e1: {  	v1 =	vmul.f32 $1.442695020e+00, v0;
	_ =	sdelay $0x1  }
0x1e2: {  	(erf) = vpow2.f32 v1;
	_ =	sdelay $0x6  }
.Ltmp14:
0x1e3: {  	(pc) =	sbr.rel @p1 .LBB2_30-.Ltmp14, $4  }
0x1e4: {  	v1 =	vadd.f32 $1.000000000e+00, v0  }
0x1e5: {  	vm0 =	vgt.f32 v0, $0.0e+00;
	v0 =	vpop (erf)  }
0x1e6: {  	v0 =	vsel vm0, v1, v0  }
0x1e7: {  	[tilespmem:s2+$0x1A328] =	vst v0;
	s2 =	sshra.s32 s5, $0x2;
	s5 =	sadd.s32 $0x40, s5  }
0x1e8: {  	v0 =	vld [tilespmem:s2+$0x1A328];
	_ =	sdelay $0x4  }
0x1e9: {  	v1 =	vmul.f32 $1.442695020e+00, v0;
	_ =	sdelay $0x1  }
0x1ea: {  	(erf) = vpow2.f32 v1;
	_ =	sdelay $0x7  }
0x1eb: {  	v62 =	vadd.f32 $1.000000000e+00, v0  }
0x1ec: {  	vm0 =	vgt.f32 v0, $0.0e+00;
	v63 =	vpop (erf)  }
0x1ed: {  	v0 =	vsel vm0, v62, v63  }
0x1ee: {  	s5 =	rddreg [dreg:$0x1f];
	s8 =	simm.s32 $0x1A328;
	[tilespmem:s2+$0x1A328] =	vst v0;
	s2 =	simm.s32 $0x0  }
0x1ef: {  	[hbm4b:s5+s2] =	stream.linear.scatter [tilespmem:s8], [sflag:$0x17], $0xC80, $0x38;
	[tilespmem:$0x1BC28] =	vst v63  }
0x1f0: {  	s8 =	simm.s32 $0x1  }
0x1f1: {  	_ =	swait.ge [sflag:s8], $0xC80  }
0x1f2: {  	[sflag:s8] =	ssyncset.done $0x0  }
0x1f3: {  	[sflag:s8] =	ssyncadd.s32 $0xFFFFF380  }
0x1f4: {  	_ =	swait.ge [sflag:s12], $0xC80  }
0x1f5: {  	[sflag:s12] =	ssyncset.done $0x0  }
0x1f6: {  	s8 =	simm.s32 $0x15828;
	[sflag:s12] =	ssyncadd.s32 $0xFFFFF380  }
0x1f7: {  	[tilespmem:s8], [sflag:$0x9] =	stream.indirect.gather [spmem:s4], $0x1, s7, s10, $0xb8;
	[tilespmem:$0x1BC28] =	vst v63  }
0x1f8: {  	_ =	swait.ge [sflag:s14], $0xC80  }
0x1f9: {  	s8 =	sld [smem:$0x7DC]  }
0x1fa: {  	[sflag:s14] =	ssyncset.done $0x0  }
0x1fb: {  	[sflag:s14] =	ssyncadd.s32 $0xFFFFF380  }
0x1fc: {  	[tilespmem:s9], [sflag:$0x2] =	stream.linear.gather [hbm4b:s8+s2], $0xC80, $0x38;
	[tilespmem:$0x1BC28] =	vst v63  }
0x1fd: {  	s5 =	simm.s32 $0x40;
	s2 =	simm.s32 $0x0  }
.LBB2_32:
0x1fe: {  	p1 =	sne.s32 s5, $0x31C0;
	v0 =	vld [tilespmem:s2+$0x1AFA8];
	_ =	sdelay $0x4  }
0x1ff: {  	v1 =	vmul.f32 $1.442695020e+00, v0;
	_ =	sdelay $0x1  }
0x200: {  	(erf) = vpow2.f32 v1;
	_ =	sdelay $0x6  }
.Ltmp15:
0x201: {  	(pc) =	sbr.rel @p1 .LBB2_32-.Ltmp15, $4  }
0x202: {  	v1 =	vadd.f32 $1.000000000e+00, v0  }
0x203: {  	vm0 =	vgt.f32 v0, $0.0e+00;
	v0 =	vpop (erf)  }
0x204: {  	v0 =	vsel vm0, v1, v0  }
0x205: {  	[tilespmem:s2+$0x1AFA8] =	vst v0;
	s2 =	sshra.s32 s5, $0x2;
	s5 =	sadd.s32 $0x40, s5  }
0x206: {  	v0 =	vld [tilespmem:s2+$0x1AFA8];
	_ =	sdelay $0x4  }
0x207: {  	v1 =	vmul.f32 $1.442695020e+00, v0;
	_ =	sdelay $0x1  }
0x208: {  	(erf) = vpow2.f32 v1;
	_ =	sdelay $0x7  }
0x209: {  	v62 =	vadd.f32 $1.000000000e+00, v0  }
0x20a: {  	s5 =	sld [smem:$0x7D9];
	vm0 =	vgt.f32 v0, $0.0e+00;
	v63 =	vpop (erf)  }
0x20b: {  	v0 =	vsel vm0, v62, v63  }
0x20c: {  	s8 =	simm.s32 $0x1AFA8;
	[tilespmem:s2+$0x1AFA8] =	vst v0;
	s2 =	simm.s32 $0x0  }
0x20d: {  	[hbm4b:s5+s2] =	stream.linear.scatter [tilespmem:s8], [sflag:$0x18], $0xC80, $0x38;
	[tilespmem:$0x1BC28] =	vst v63  }
0x20e: {  	_ =	swait.ge [sflag:s13], $0xC80  }
0x20f: {  	[sflag:s13] =	ssyncset.done $0x0  }
0x210: {  	[sflag:s13] =	ssyncadd.s32 $0xFFFFF380  }
0x211: {  	_ =	swait.ge [sflag:s16], $0xC80  }
0x212: {  	[sflag:s16] =	ssyncset.done $0x0  }
0x213: {  	s8 =	simm.s32 $0x164A8;
	[sflag:s16] =	ssyncadd.s32 $0xFFFFF380  }
0x214: {  	[tilespmem:s8], [sflag:$0xA] =	stream.indirect.gather [spmem:s4], $0x1, s9, s10, $0xb8;
	[tilespmem:$0x1BC28] =	vst v63  }
0x215: {  	_ =	swait.ge [sflag:s15], $0xC80  }
0x216: {  	s5 =	sld [smem:$0x7DE]  }
0x217: {  	[sflag:s15] =	ssyncset.done $0x0  }
0x218: {  	s8 =	simm.s32 $0x10D28;
	[sflag:s15] =	ssyncadd.s32 $0xFFFFF380  }
0x219: {  	[tilespmem:s8], [sflag:$0x3] =	stream.linear.gather [hbm4b:s5+s2], $0xC80, $0x38;
	[tilespmem:$0x1BC28] =	vst v63  }
0x21a: {  	s2 =	simm.s32 $0x0;
	s5 =	simm.s32 $0x40  }
.LBB2_34:
0x21b: {  	p1 =	sne.s32 s5, $0x31C0;
	v0 =	vld [tilespmem:s2+$0x15828];
	_ =	sdelay $0x4  }
0x21c: {  	v1 =	vmul.f32 $1.442695020e+00, v0;
	_ =	sdelay $0x1  }
0x21d: {  	(erf) = vpow2.f32 v1;
	_ =	sdelay $0x6  }
.Ltmp16:
0x21e: {  	(pc) =	sbr.rel @p1 .LBB2_34-.Ltmp16, $4  }
0x21f: {  	v1 =	vadd.f32 $1.000000000e+00, v0  }
0x220: {  	vm0 =	vgt.f32 v0, $0.0e+00;
	v0 =	vpop (erf)  }
0x221: {  	v0 =	vsel vm0, v1, v0  }
0x222: {  	[tilespmem:s2+$0x15828] =	vst v0;
	s2 =	sshra.s32 s5, $0x2;
	s5 =	sadd.s32 $0x40, s5  }
0x223: {  	v0 =	vld [tilespmem:s2+$0x15828];
	_ =	sdelay $0x4  }
0x224: {  	v1 =	vmul.f32 $1.442695020e+00, v0;
	_ =	sdelay $0x1  }
0x225: {  	(erf) = vpow2.f32 v1;
	_ =	sdelay $0x7  }
0x226: {  	v62 =	vadd.f32 $1.000000000e+00, v0  }
0x227: {  	s5 =	sld [smem:$0x7DB];
	vm0 =	vgt.f32 v0, $0.0e+00;
	v63 =	vpop (erf)  }
0x228: {  	v0 =	vsel vm0, v62, v63  }
0x229: {  	s8 =	simm.s32 $0x15828;
	[tilespmem:s2+$0x15828] =	vst v0;
	s2 =	simm.s32 $0x0  }
0x22a: {  	[hbm4b:s5+s2] =	stream.linear.scatter [tilespmem:s8], [sflag:$0x11], $0xC80, $0x38;
	[tilespmem:$0x1BC28] =	vst v63  }
0x22b: {  	_ =	swait.ge [sflag:s17], $0xC80  }
0x22c: {  	[sflag:s17] =	ssyncset.done $0x0  }
0x22d: {  	[sflag:s17] =	ssyncadd.s32 $0xFFFFF380  }
0x22e: {  	_ =	swait.ge [sflag:s18], $0xC80  }
0x22f: {  	[sflag:s18] =	ssyncset.done $0x0  }
0x230: {  	s5 =	simm.s32 $0x10D28;
	s8 =	simm.s32 $0x17128;
	[sflag:s18] =	ssyncadd.s32 $0xFFFFF380  }
0x231: {  	[tilespmem:s8], [sflag:$0xB] =	stream.indirect.gather [spmem:s4], $0x1, s5, s10, $0xb8;
	[tilespmem:$0x1BC28] =	vst v63  }
0x232: {  	_ =	swait.ge [sflag:s19], $0xC80  }
0x233: {  	s5 =	sld [smem:$0x7E0]  }
0x234: {  	[sflag:s19] =	ssyncset.done $0x0  }
0x235: {  	s8 =	simm.s32 $0x119A8;
	[sflag:s19] =	ssyncadd.s32 $0xFFFFF380  }
0x236: {  	[tilespmem:s8], [sflag:$0x4] =	stream.linear.gather [hbm4b:s5+s2], $0xC80, $0x38;
	[tilespmem:$0x1BC28] =	vst v63  }
0x237: {  	s2 =	simm.s32 $0x0;
	s5 =	simm.s32 $0x40  }
.LBB2_36:
0x238: {  	p1 =	sne.s32 s5, $0x31C0;
	v0 =	vld [tilespmem:s2+$0x164A8];
	_ =	sdelay $0x4  }
0x239: {  	v1 =	vmul.f32 $1.442695020e+00, v0;
	_ =	sdelay $0x1  }
0x23a: {  	(erf) = vpow2.f32 v1;
	_ =	sdelay $0x6  }
.Ltmp17:
0x23b: {  	(pc) =	sbr.rel @p1 .LBB2_36-.Ltmp17, $4  }
0x23c: {  	v1 =	vadd.f32 $1.000000000e+00, v0  }
0x23d: {  	vm0 =	vgt.f32 v0, $0.0e+00;
	v0 =	vpop (erf)  }
0x23e: {  	v0 =	vsel vm0, v1, v0  }
0x23f: {  	[tilespmem:s2+$0x164A8] =	vst v0;
	s2 =	sshra.s32 s5, $0x2;
	s5 =	sadd.s32 $0x40, s5  }
0x240: {  	v0 =	vld [tilespmem:s2+$0x164A8];
	_ =	sdelay $0x4  }
0x241: {  	v1 =	vmul.f32 $1.442695020e+00, v0;
	_ =	sdelay $0x1  }
0x242: {  	(erf) = vpow2.f32 v1;
	_ =	sdelay $0x7  }
0x243: {  	v62 =	vadd.f32 $1.000000000e+00, v0  }
0x244: {  	s5 =	sld [smem:$0x7DD];
	vm0 =	vgt.f32 v0, $0.0e+00;
	v63 =	vpop (erf)  }
0x245: {  	v0 =	vsel vm0, v62, v63  }
0x246: {  	s8 =	simm.s32 $0x164A8;
	[tilespmem:s2+$0x164A8] =	vst v0;
	s2 =	simm.s32 $0x0  }
0x247: {  	[hbm4b:s5+s2] =	stream.linear.scatter [tilespmem:s8], [sflag:$0x12], $0xC80, $0x38;
	[tilespmem:$0x1BC28] =	vst v63  }
0x248: {  	_ =	swait.ge [sflag:s21], $0xC80  }
0x249: {  	[sflag:s21] =	ssyncset.done $0x0  }
0x24a: {  	[sflag:s21] =	ssyncadd.s32 $0xFFFFF380  }
0x24b: {  	_ =	swait.ge [sflag:s20], $0xC80  }
0x24c: {  	[sflag:s20] =	ssyncset.done $0x0  }
0x24d: {  	s5 =	simm.s32 $0x119A8;
	s8 =	simm.s32 $0x17DA8;
	[sflag:s20] =	ssyncadd.s32 $0xFFFFF380  }
0x24e: {  	[tilespmem:s8], [sflag:$0xC] =	stream.indirect.gather [spmem:s4], $0x1, s5, s10, $0xb8;
	[tilespmem:$0x1BC28] =	vst v63  }
0x24f: {  	_ =	swait.ge [sflag:s23], $0xC80  }
0x250: {  	s5 =	sld [smem:$0x7E2]  }
0x251: {  	[sflag:s23] =	ssyncset.done $0x0  }
0x252: {  	s8 =	simm.s32 $0x12628;
	[sflag:s23] =	ssyncadd.s32 $0xFFFFF380  }
0x253: {  	[tilespmem:s8], [sflag:$0x5] =	stream.linear.gather [hbm4b:s5+s2], $0xC80, $0x38;
	[tilespmem:$0x1BC28] =	vst v63  }
0x254: {  	s2 =	simm.s32 $0x0;
	s5 =	simm.s32 $0x40  }
.LBB2_38:
0x255: {  	p1 =	sne.s32 s5, $0x31C0;
	v0 =	vld [tilespmem:s2+$0x17128];
	_ =	sdelay $0x4  }
0x256: {  	v1 =	vmul.f32 $1.442695020e+00, v0;
	_ =	sdelay $0x1  }
0x257: {  	(erf) = vpow2.f32 v1;
	_ =	sdelay $0x6  }
.Ltmp18:
0x258: {  	(pc) =	sbr.rel @p1 .LBB2_38-.Ltmp18, $4  }
0x259: {  	v1 =	vadd.f32 $1.000000000e+00, v0  }
0x25a: {  	vm0 =	vgt.f32 v0, $0.0e+00;
	v0 =	vpop (erf)  }
0x25b: {  	v0 =	vsel vm0, v1, v0  }
0x25c: {  	[tilespmem:s2+$0x17128] =	vst v0;
	s2 =	sshra.s32 s5, $0x2;
	s5 =	sadd.s32 $0x40, s5  }
0x25d: {  	v0 =	vld [tilespmem:s2+$0x17128];
	_ =	sdelay $0x4  }
0x25e: {  	v1 =	vmul.f32 $1.442695020e+00, v0;
	_ =	sdelay $0x1  }
0x25f: {  	(erf) = vpow2.f32 v1;
	_ =	sdelay $0x7  }
0x260: {  	v62 =	vadd.f32 $1.000000000e+00, v0  }
0x261: {  	s5 =	sld [smem:$0x7DF];
	vm0 =	vgt.f32 v0, $0.0e+00;
	v63 =	vpop (erf)  }
0x262: {  	v0 =	vsel vm0, v62, v63  }
0x263: {  	s8 =	simm.s32 $0x17128;
	[tilespmem:s2+$0x17128] =	vst v0;
	s2 =	simm.s32 $0x0  }
0x264: {  	[hbm4b:s5+s2] =	stream.linear.scatter [tilespmem:s8], [sflag:$0x13], $0xC80, $0x38;
	[tilespmem:$0x1BC28] =	vst v63  }
0x265: {  	_ =	swait.ge [sflag:s25], $0xC80  }
0x266: {  	[sflag:s25] =	ssyncset.done $0x0  }
0x267: {  	[sflag:s25] =	ssyncadd.s32 $0xFFFFF380  }
0x268: {  	_ =	swait.ge [sflag:s22], $0xC80  }
0x269: {  	[sflag:s22] =	ssyncset.done $0x0  }
0x26a: {  	s5 =	simm.s32 $0x12628;
	s8 =	simm.s32 $0x18A28;
	[sflag:s22] =	ssyncadd.s32 $0xFFFFF380  }
0x26b: {  	[tilespmem:s8], [sflag:$0xD] =	stream.indirect.gather [spmem:s4], $0x1, s5, s10, $0xb8;
	[tilespmem:$0x1BC28] =	vst v63  }
0x26c: {  	_ =	swait.ge [sflag:s28], $0xC80  }
0x26d: {  	s5 =	sld [smem:$0x7E4]  }
0x26e: {  	[sflag:s28] =	ssyncset.done $0x0  }
0x26f: {  	s8 =	simm.s32 $0x132A8;
	[sflag:s28] =	ssyncadd.s32 $0xFFFFF380  }
0x270: {  	[tilespmem:s8], [sflag:$0x6] =	stream.linear.gather [hbm4b:s5+s2], $0xC80, $0x38;
	[tilespmem:$0x1BC28] =	vst v63  }
0x271: {  	s2 =	simm.s32 $0x0;
	s5 =	simm.s32 $0x40  }
.LBB2_40:
0x272: {  	p1 =	sne.s32 s5, $0x31C0;
	v0 =	vld [tilespmem:s2+$0x17DA8];
	_ =	sdelay $0x4  }
0x273: {  	v1 =	vmul.f32 $1.442695020e+00, v0;
	_ =	sdelay $0x1  }
0x274: {  	(erf) = vpow2.f32 v1;
	_ =	sdelay $0x6  }
.Ltmp19:
0x275: {  	(pc) =	sbr.rel @p1 .LBB2_40-.Ltmp19, $4  }
0x276: {  	v1 =	vadd.f32 $1.000000000e+00, v0  }
0x277: {  	vm0 =	vgt.f32 v0, $0.0e+00;
	v0 =	vpop (erf)  }
0x278: {  	v0 =	vsel vm0, v1, v0  }
0x279: {  	[tilespmem:s2+$0x17DA8] =	vst v0;
	s2 =	sshra.s32 s5, $0x2;
	s5 =	sadd.s32 $0x40, s5  }
0x27a: {  	v0 =	vld [tilespmem:s2+$0x17DA8];
	_ =	sdelay $0x4  }
0x27b: {  	v1 =	vmul.f32 $1.442695020e+00, v0;
	_ =	sdelay $0x1  }
0x27c: {  	(erf) = vpow2.f32 v1;
	_ =	sdelay $0x7  }
0x27d: {  	v62 =	vadd.f32 $1.000000000e+00, v0  }
0x27e: {  	s5 =	sld [smem:$0x7E1];
	vm0 =	vgt.f32 v0, $0.0e+00;
	v63 =	vpop (erf)  }
0x27f: {  	v0 =	vsel vm0, v62, v63  }
0x280: {  	s8 =	simm.s32 $0x17DA8;
	[tilespmem:s2+$0x17DA8] =	vst v0;
	s2 =	simm.s32 $0x0  }
0x281: {  	[hbm4b:s5+s2] =	stream.linear.scatter [tilespmem:s8], [sflag:$0x14], $0xC80, $0x38;
	[tilespmem:$0x1BC28] =	vst v63  }
0x282: {  	_ =	swait.ge [sflag:s30], $0xC80  }
0x283: {  	[sflag:s30] =	ssyncset.done $0x0  }
0x284: {  	[sflag:s30] =	ssyncadd.s32 $0xFFFFF380  }
0x285: {  	_ =	swait.ge [sflag:s24], $0xC80  }
0x286: {  	[sflag:s24] =	ssyncset.done $0x0  }
0x287: {  	s5 =	simm.s32 $0x132A8;
	s8 =	simm.s32 $0x196A8;
	[sflag:s24] =	ssyncadd.s32 $0xFFFFF380  }
0x288: {  	[tilespmem:s8], [sflag:$0xE] =	stream.indirect.gather [spmem:s4], $0x1, s5, s10, $0xb8;
	[tilespmem:$0x1BC28] =	vst v63  }
0x289: {  	_ =	swait.ge [sflag:s1], $0xC80  }
0x28a: {  	s5 =	sld [smem:$0x7E6]  }
0x28b: {  	[sflag:s1] =	ssyncset.done $0x0  }
0x28c: {  	s8 =	simm.s32 $0x13F28;
	[sflag:s1] =	ssyncadd.s32 $0xFFFFF380  }
0x28d: {  	[tilespmem:s8], [sflag:$0x7] =	stream.linear.gather [hbm4b:s5+s2], $0xC80, $0x38;
	[tilespmem:$0x1BC28] =	vst v63  }
0x28e: {  	s2 =	simm.s32 $0x0;
	s5 =	simm.s32 $0x40  }
.LBB2_42:
0x28f: {  	p1 =	sne.s32 s5, $0x31C0;
	v0 =	vld [tilespmem:s2+$0x18A28];
	_ =	sdelay $0x4  }
0x290: {  	v1 =	vmul.f32 $1.442695020e+00, v0;
	_ =	sdelay $0x1  }
0x291: {  	(erf) = vpow2.f32 v1;
	_ =	sdelay $0x6  }
.Ltmp20:
0x292: {  	(pc) =	sbr.rel @p1 .LBB2_42-.Ltmp20, $4  }
0x293: {  	v1 =	vadd.f32 $1.000000000e+00, v0  }
0x294: {  	vm0 =	vgt.f32 v0, $0.0e+00;
	v0 =	vpop (erf)  }
0x295: {  	v0 =	vsel vm0, v1, v0  }
0x296: {  	[tilespmem:s2+$0x18A28] =	vst v0;
	s2 =	sshra.s32 s5, $0x2;
	s5 =	sadd.s32 $0x40, s5  }
0x297: {  	v0 =	vld [tilespmem:s2+$0x18A28];
	_ =	sdelay $0x4  }
0x298: {  	v1 =	vmul.f32 $1.442695020e+00, v0;
	_ =	sdelay $0x1  }
0x299: {  	(erf) = vpow2.f32 v1;
	_ =	sdelay $0x7  }
0x29a: {  	v62 =	vadd.f32 $1.000000000e+00, v0  }
0x29b: {  	s5 =	sld [smem:$0x7E3];
	vm0 =	vgt.f32 v0, $0.0e+00;
	v63 =	vpop (erf)  }
0x29c: {  	v0 =	vsel vm0, v62, v63  }
0x29d: {  	s8 =	simm.s32 $0x18A28;
	[tilespmem:s2+$0x18A28] =	vst v0;
	s2 =	simm.s32 $0x0  }
0x29e: {  	[hbm4b:s5+s2] =	stream.linear.scatter [tilespmem:s8], [sflag:$0x15], $0xC80, $0x38;
	[tilespmem:$0x1BC28] =	vst v63  }
0x29f: {  	_ =	swait.ge [sflag:s3], $0xC80  }
0x2a0: {  	[sflag:s3] =	ssyncset.done $0x0  }
0x2a1: {  	[sflag:s3] =	ssyncadd.s32 $0xFFFFF380  }
0x2a2: {  	_ =	swait.ge [sflag:s26], $0xC80  }
0x2a3: {  	[sflag:s26] =	ssyncset.done $0x0  }
0x2a4: {  	s5 =	simm.s32 $0x13F28;
	s8 =	simm.s32 $0x1A328;
	[sflag:s26] =	ssyncadd.s32 $0xFFFFF380  }
0x2a5: {  	[tilespmem:s8], [sflag:$0xF] =	stream.indirect.gather [spmem:s4], $0x1, s5, s10, $0xb8;
	[tilespmem:$0x1BC28] =	vst v63  }
0x2a6: {  	_ =	swait.ge [sflag:s6], $0xC80  }
0x2a7: {  	s5 =	sld [smem:$0x7E8]  }
0x2a8: {  	[sflag:s6] =	ssyncset.done $0x0  }
0x2a9: {  	s8 =	simm.s32 $0x14BA8;
	[sflag:s6] =	ssyncadd.s32 $0xFFFFF380  }
0x2aa: {  	[tilespmem:s8], [sflag:$0x8] =	stream.linear.gather [hbm4b:s5+s2], $0xC80, $0x38;
	[tilespmem:$0x1BC28] =	vst v63  }
0x2ab: {  	s2 =	simm.s32 $0x0;
	s5 =	simm.s32 $0x40  }
.LBB2_44:
0x2ac: {  	p1 =	sne.s32 s5, $0x31C0;
	v0 =	vld [tilespmem:s2+$0x196A8];
	_ =	sdelay $0x4  }
0x2ad: {  	v1 =	vmul.f32 $1.442695020e+00, v0;
	_ =	sdelay $0x1  }
0x2ae: {  	(erf) = vpow2.f32 v1;
	_ =	sdelay $0x6  }
.Ltmp21:
0x2af: {  	(pc) =	sbr.rel @p1 .LBB2_44-.Ltmp21, $4  }
0x2b0: {  	v1 =	vadd.f32 $1.000000000e+00, v0  }
0x2b1: {  	vm0 =	vgt.f32 v0, $0.0e+00;
	v0 =	vpop (erf)  }
0x2b2: {  	v0 =	vsel vm0, v1, v0  }
0x2b3: {  	[tilespmem:s2+$0x196A8] =	vst v0;
	s2 =	sshra.s32 s5, $0x2;
	s5 =	sadd.s32 $0x40, s5  }
0x2b4: {  	v0 =	vld [tilespmem:s2+$0x196A8];
	_ =	sdelay $0x4  }
0x2b5: {  	v1 =	vmul.f32 $1.442695020e+00, v0;
	_ =	sdelay $0x1  }
0x2b6: {  	(erf) = vpow2.f32 v1;
	_ =	sdelay $0x7  }
0x2b7: {  	v62 =	vadd.f32 $1.000000000e+00, v0  }
0x2b8: {  	s5 =	sld [smem:$0x7E5];
	vm0 =	vgt.f32 v0, $0.0e+00;
	v63 =	vpop (erf)  }
0x2b9: {  	v0 =	vsel vm0, v62, v63  }
0x2ba: {  	s8 =	simm.s32 $0x196A8;
	[tilespmem:s2+$0x196A8] =	vst v0;
	s2 =	simm.s32 $0x0  }
0x2bb: {  	[hbm4b:s5+s2] =	stream.linear.scatter [tilespmem:s8], [sflag:$0x16], $0xC80, $0x38;
	[tilespmem:$0x1BC28] =	vst v63  }
0x2bc: {  	_ =	swait.ge [sflag:s0], $0xC80  }
0x2bd: {  	[sflag:s0] =	ssyncset.done $0x0  }
0x2be: {  	[sflag:s0] =	ssyncadd.s32 $0xFFFFF380  }
0x2bf: {  	_ =	swait.ge [sflag:s29], $0xC80  }
0x2c0: {  	[sflag:s29] =	ssyncset.done $0x0  }
0x2c1: {  	s5 =	simm.s32 $0x14BA8;
	s8 =	simm.s32 $0x1AFA8;
	[sflag:s29] =	ssyncadd.s32 $0xFFFFF380  }
0x2c2: {  	[tilespmem:s8], [sflag:$0x10] =	stream.indirect.gather [spmem:s4], $0x1, s5, s10, $0xb8;
	[tilespmem:$0x1BC28] =	vst v63  }
0x2c3: {  	_ =	swait.ge [sflag:s11], $0xC80  }
0x2c4: {  	s8 =	sld [smem:$0x7EA]  }
0x2c5: {  	[sflag:s11] =	ssyncset.done $0x0  }
0x2c6: {  	[sflag:s11] =	ssyncadd.s32 $0xFFFFF380  }
0x2c7: {  	[tilespmem:s7], [sflag:$0x1] =	stream.linear.gather [hbm4b:s8+s2], $0xC80, $0x38;
	[tilespmem:$0x1BC28] =	vst v63  }
0x2c8: {  	s5 =	simm.s32 $0x40;
	s2 =	simm.s32 $0x0  }
.LBB2_46:
0x2c9: {  	p1 =	sne.s32 s5, $0x31C0;
	v0 =	vld [tilespmem:s2+$0x1A328];
	_ =	sdelay $0x4  }
0x2ca: {  	v1 =	vmul.f32 $1.442695020e+00, v0;
	_ =	sdelay $0x1  }
0x2cb: {  	(erf) = vpow2.f32 v1;
	_ =	sdelay $0x6  }
.Ltmp22:
0x2cc: {  	(pc) =	sbr.rel @p1 .LBB2_46-.Ltmp22, $4  }
0x2cd: {  	v1 =	vadd.f32 $1.000000000e+00, v0  }
0x2ce: {  	vm0 =	vgt.f32 v0, $0.0e+00;
	v0 =	vpop (erf)  }
0x2cf: {  	v0 =	vsel vm0, v1, v0  }
0x2d0: {  	[tilespmem:s2+$0x1A328] =	vst v0;
	s2 =	sshra.s32 s5, $0x2;
	s5 =	sadd.s32 $0x40, s5  }
0x2d1: {  	v0 =	vld [tilespmem:s2+$0x1A328];
	_ =	sdelay $0x4  }
0x2d2: {  	v1 =	vmul.f32 $1.442695020e+00, v0;
	_ =	sdelay $0x1  }
0x2d3: {  	(erf) = vpow2.f32 v1;
	_ =	sdelay $0x7  }
0x2d4: {  	v62 =	vadd.f32 $1.000000000e+00, v0  }
0x2d5: {  	s5 =	sld [smem:$0x7E7];
	vm0 =	vgt.f32 v0, $0.0e+00;
	v63 =	vpop (erf)  }
0x2d6: {  	v0 =	vsel vm0, v62, v63  }
0x2d7: {  	s8 =	simm.s32 $0x1A328;
	[tilespmem:s2+$0x1A328] =	vst v0;
	s2 =	simm.s32 $0x0  }
0x2d8: {  	[hbm4b:s5+s2] =	stream.linear.scatter [tilespmem:s8], [sflag:$0x17], $0xC80, $0x38;
	[tilespmem:$0x1BC28] =	vst v63  }
0x2d9: {  	s8 =	simm.s32 $0x1  }
0x2da: {  	_ =	swait.ge [sflag:s8], $0xC80  }
0x2db: {  	[sflag:s8] =	ssyncset.done $0x0  }
0x2dc: {  	[sflag:s8] =	ssyncadd.s32 $0xFFFFF380  }
0x2dd: {  	_ =	swait.ge [sflag:s12], $0xC80  }
0x2de: {  	[sflag:s12] =	ssyncset.done $0x0  }
0x2df: {  	s8 =	simm.s32 $0x15828;
	[sflag:s12] =	ssyncadd.s32 $0xFFFFF380  }
0x2e0: {  	[tilespmem:s8], [sflag:$0x9] =	stream.indirect.gather [spmem:s4], $0x1, s7, s10, $0xb8;
	[tilespmem:$0x1BC28] =	vst v63  }
0x2e1: {  	_ =	swait.ge [sflag:s14], $0xC80  }
0x2e2: {  	s8 =	sld [smem:$0x7EC]  }
0x2e3: {  	[sflag:s14] =	ssyncset.done $0x0  }
0x2e4: {  	[sflag:s14] =	ssyncadd.s32 $0xFFFFF380  }
0x2e5: {  	[tilespmem:s9], [sflag:$0x2] =	stream.linear.gather [hbm4b:s8+s2], $0xC80, $0x38;
	[tilespmem:$0x1BC28] =	vst v63  }
0x2e6: {  	s5 =	simm.s32 $0x40;
	s2 =	simm.s32 $0x0  }
.LBB2_48:
0x2e7: {  	p1 =	sne.s32 s5, $0x31C0;
	v0 =	vld [tilespmem:s2+$0x1AFA8];
	_ =	sdelay $0x4  }
0x2e8: {  	v1 =	vmul.f32 $1.442695020e+00, v0;
	_ =	sdelay $0x1  }
0x2e9: {  	(erf) = vpow2.f32 v1;
	_ =	sdelay $0x6  }
.Ltmp23:
0x2ea: {  	(pc) =	sbr.rel @p1 .LBB2_48-.Ltmp23, $4  }
0x2eb: {  	v1 =	vadd.f32 $1.000000000e+00, v0  }
0x2ec: {  	vm0 =	vgt.f32 v0, $0.0e+00;
	v0 =	vpop (erf)  }
0x2ed: {  	v0 =	vsel vm0, v1, v0  }
0x2ee: {  	[tilespmem:s2+$0x1AFA8] =	vst v0;
	s2 =	sshra.s32 s5, $0x2;
	s5 =	sadd.s32 $0x40, s5  }
0x2ef: {  	v0 =	vld [tilespmem:s2+$0x1AFA8];
	_ =	sdelay $0x4  }
0x2f0: {  	v1 =	vmul.f32 $1.442695020e+00, v0;
	_ =	sdelay $0x1  }
0x2f1: {  	(erf) = vpow2.f32 v1;
	_ =	sdelay $0x7  }
0x2f2: {  	v62 =	vadd.f32 $1.000000000e+00, v0  }
0x2f3: {  	s5 =	sld [smem:$0x7E9];
	vm0 =	vgt.f32 v0, $0.0e+00;
	v63 =	vpop (erf)  }
0x2f4: {  	v0 =	vsel vm0, v62, v63  }
0x2f5: {  	s7 =	simm.s32 $0x1AFA8;
	[tilespmem:s2+$0x1AFA8] =	vst v0;
	s2 =	simm.s32 $0x0  }
0x2f6: {  	[hbm4b:s5+s2] =	stream.linear.scatter [tilespmem:s7], [sflag:$0x18], $0xC80, $0x38;
	[tilespmem:$0x1BC28] =	vst v63  }
0x2f7: {  	_ =	swait.ge [sflag:s13], $0xC80  }
0x2f8: {  	[sflag:s13] =	ssyncset.done $0x0  }
0x2f9: {  	[sflag:s13] =	ssyncadd.s32 $0xFFFFF380  }
0x2fa: {  	_ =	swait.ge [sflag:s16], $0xC80  }
0x2fb: {  	[sflag:s16] =	ssyncset.done $0x0  }
0x2fc: {  	s7 =	simm.s32 $0x164A8;
	[sflag:s16] =	ssyncadd.s32 $0xFFFFF380  }
0x2fd: {  	[tilespmem:s7], [sflag:$0xA] =	stream.indirect.gather [spmem:s4], $0x1, s9, s10, $0xb8;
	[tilespmem:$0x1BC28] =	vst v63  }
0x2fe: {  	_ =	swait.ge [sflag:s15], $0xC80  }
0x2ff: {  	s8 =	sld [smem:$0x7EE]  }
0x300: {  	[sflag:s15] =	ssyncset.done $0x0  }
0x301: {  	s9 =	simm.s32 $0x10D28;
	[sflag:s15] =	ssyncadd.s32 $0xFFFFF380  }
0x302: {  	[tilespmem:s9], [sflag:$0x3] =	stream.linear.gather [hbm4b:s8+s2], $0xC80, $0x38;
	[tilespmem:$0x1BC28] =	vst v63  }
0x303: {  	s5 =	simm.s32 $0x40;
	s2 =	simm.s32 $0x0  }
.LBB2_50:
0x304: {  	p1 =	sne.s32 s5, $0x31C0;
	v0 =	vld [tilespmem:s2+$0x15828];
	_ =	sdelay $0x4  }
0x305: {  	v1 =	vmul.f32 $1.442695020e+00, v0;
	_ =	sdelay $0x1  }
0x306: {  	(erf) = vpow2.f32 v1;
	_ =	sdelay $0x6  }
.Ltmp24:
0x307: {  	(pc) =	sbr.rel @p1 .LBB2_50-.Ltmp24, $4  }
0x308: {  	v1 =	vadd.f32 $1.000000000e+00, v0  }
0x309: {  	vm0 =	vgt.f32 v0, $0.0e+00;
	v0 =	vpop (erf)  }
0x30a: {  	v0 =	vsel vm0, v1, v0  }
0x30b: {  	[tilespmem:s2+$0x15828] =	vst v0;
	s2 =	sshra.s32 s5, $0x2;
	s5 =	sadd.s32 $0x40, s5  }
0x30c: {  	v0 =	vld [tilespmem:s2+$0x15828];
	_ =	sdelay $0x4  }
0x30d: {  	v1 =	vmul.f32 $1.442695020e+00, v0;
	_ =	sdelay $0x1  }
0x30e: {  	(erf) = vpow2.f32 v1;
	_ =	sdelay $0x7  }
0x30f: {  	v62 =	vadd.f32 $1.000000000e+00, v0  }
0x310: {  	s5 =	sld [smem:$0x7EB];
	vm0 =	vgt.f32 v0, $0.0e+00;
	v63 =	vpop (erf)  }
0x311: {  	v0 =	vsel vm0, v62, v63  }
0x312: {  	s7 =	simm.s32 $0x15828;
	[tilespmem:s2+$0x15828] =	vst v0;
	s2 =	simm.s32 $0x0  }
0x313: {  	[hbm4b:s5+s2] =	stream.linear.scatter [tilespmem:s7], [sflag:$0x11], $0xC80, $0x38;
	[tilespmem:$0x1BC28] =	vst v63  }
0x314: {  	_ =	swait.ge [sflag:s17], $0xC80  }
0x315: {  	[sflag:s17] =	ssyncset.done $0x0  }
0x316: {  	[sflag:s17] =	ssyncadd.s32 $0xFFFFF380  }
0x317: {  	_ =	swait.ge [sflag:s18], $0xC80  }
0x318: {  	[sflag:s18] =	ssyncset.done $0x0  }
0x319: {  	s8 =	simm.s32 $0x10D28;
	s9 =	simm.s32 $0x17128;
	[sflag:s18] =	ssyncadd.s32 $0xFFFFF380  }
0x31a: {  	[tilespmem:s9], [sflag:$0xB] =	stream.indirect.gather [spmem:s4], $0x1, s8, s10, $0xb8;
	[tilespmem:$0x1BC28] =	vst v63  }
0x31b: {  	_ =	swait.ge [sflag:s19], $0xC80  }
0x31c: {  	s8 =	sld [smem:$0x7F0]  }
0x31d: {  	[sflag:s19] =	ssyncset.done $0x0  }
0x31e: {  	s9 =	simm.s32 $0x119A8;
	[sflag:s19] =	ssyncadd.s32 $0xFFFFF380  }
0x31f: {  	[tilespmem:s9], [sflag:$0x4] =	stream.linear.gather [hbm4b:s8+s2], $0xC80, $0x38;
	[tilespmem:$0x1BC28] =	vst v63  }
0x320: {  	s5 =	simm.s32 $0x40;
	s2 =	simm.s32 $0x0  }
.LBB2_52:
0x321: {  	p1 =	sne.s32 s5, $0x31C0;
	v0 =	vld [tilespmem:s2+$0x164A8];
	_ =	sdelay $0x4  }
0x322: {  	v1 =	vmul.f32 $1.442695020e+00, v0;
	_ =	sdelay $0x1  }
0x323: {  	(erf) = vpow2.f32 v1;
	_ =	sdelay $0x6  }
.Ltmp25:
0x324: {  	(pc) =	sbr.rel @p1 .LBB2_52-.Ltmp25, $4  }
0x325: {  	v1 =	vadd.f32 $1.000000000e+00, v0  }
0x326: {  	vm0 =	vgt.f32 v0, $0.0e+00;
	v0 =	vpop (erf)  }
0x327: {  	v0 =	vsel vm0, v1, v0  }
0x328: {  	[tilespmem:s2+$0x164A8] =	vst v0;
	s2 =	sshra.s32 s5, $0x2;
	s5 =	sadd.s32 $0x40, s5  }
0x329: {  	v0 =	vld [tilespmem:s2+$0x164A8];
	_ =	sdelay $0x4  }
0x32a: {  	v1 =	vmul.f32 $1.442695020e+00, v0;
	_ =	sdelay $0x1  }
0x32b: {  	(erf) = vpow2.f32 v1;
	_ =	sdelay $0x7  }
0x32c: {  	v62 =	vadd.f32 $1.000000000e+00, v0  }
0x32d: {  	s5 =	sld [smem:$0x7ED];
	vm0 =	vgt.f32 v0, $0.0e+00;
	v63 =	vpop (erf)  }
0x32e: {  	v0 =	vsel vm0, v62, v63  }
0x32f: {  	s7 =	simm.s32 $0x164A8;
	[tilespmem:s2+$0x164A8] =	vst v0;
	s2 =	simm.s32 $0x0  }
0x330: {  	[hbm4b:s5+s2] =	stream.linear.scatter [tilespmem:s7], [sflag:$0x12], $0xC80, $0x38;
	[tilespmem:$0x1BC28] =	vst v63  }
0x331: {  	_ =	swait.ge [sflag:s21], $0xC80  }
0x332: {  	[sflag:s21] =	ssyncset.done $0x0  }
0x333: {  	[sflag:s21] =	ssyncadd.s32 $0xFFFFF380  }
0x334: {  	_ =	swait.ge [sflag:s20], $0xC80  }
0x335: {  	[sflag:s20] =	ssyncset.done $0x0  }
0x336: {  	s8 =	simm.s32 $0x119A8;
	s9 =	simm.s32 $0x17DA8;
	[sflag:s20] =	ssyncadd.s32 $0xFFFFF380  }
0x337: {  	[tilespmem:s9], [sflag:$0xC] =	stream.indirect.gather [spmem:s4], $0x1, s8, s10, $0xb8;
	[tilespmem:$0x1BC28] =	vst v63  }
0x338: {  	_ =	swait.ge [sflag:s23], $0xC80  }
0x339: {  	s8 =	sld [smem:$0x7F2]  }
0x33a: {  	[sflag:s23] =	ssyncset.done $0x0  }
0x33b: {  	s9 =	simm.s32 $0x12628;
	[sflag:s23] =	ssyncadd.s32 $0xFFFFF380  }
0x33c: {  	[tilespmem:s9], [sflag:$0x5] =	stream.linear.gather [hbm4b:s8+s2], $0xC80, $0x38;
	[tilespmem:$0x1BC28] =	vst v63  }
0x33d: {  	s5 =	simm.s32 $0x40;
	s2 =	simm.s32 $0x0  }
.LBB2_54:
0x33e: {  	p1 =	sne.s32 s5, $0x31C0;
	v0 =	vld [tilespmem:s2+$0x17128];
	_ =	sdelay $0x4  }
0x33f: {  	v1 =	vmul.f32 $1.442695020e+00, v0;
	_ =	sdelay $0x1  }
0x340: {  	(erf) = vpow2.f32 v1;
	_ =	sdelay $0x6  }
.Ltmp26:
0x341: {  	(pc) =	sbr.rel @p1 .LBB2_54-.Ltmp26, $4  }
0x342: {  	v1 =	vadd.f32 $1.000000000e+00, v0  }
0x343: {  	vm0 =	vgt.f32 v0, $0.0e+00;
	v0 =	vpop (erf)  }
0x344: {  	v0 =	vsel vm0, v1, v0  }
0x345: {  	[tilespmem:s2+$0x17128] =	vst v0;
	s2 =	sshra.s32 s5, $0x2;
	s5 =	sadd.s32 $0x40, s5  }
0x346: {  	v0 =	vld [tilespmem:s2+$0x17128];
	_ =	sdelay $0x4  }
0x347: {  	v1 =	vmul.f32 $1.442695020e+00, v0;
	_ =	sdelay $0x1  }
0x348: {  	(erf) = vpow2.f32 v1;
	_ =	sdelay $0x7  }
0x349: {  	v62 =	vadd.f32 $1.000000000e+00, v0  }
0x34a: {  	s5 =	sld [smem:$0x7EF];
	vm0 =	vgt.f32 v0, $0.0e+00;
	v63 =	vpop (erf)  }
0x34b: {  	v0 =	vsel vm0, v62, v63  }
0x34c: {  	s7 =	simm.s32 $0x17128;
	[tilespmem:s2+$0x17128] =	vst v0;
	s2 =	simm.s32 $0x0  }
0x34d: {  	[hbm4b:s5+s2] =	stream.linear.scatter [tilespmem:s7], [sflag:$0x13], $0xC80, $0x38;
	[tilespmem:$0x1BC28] =	vst v63  }
0x34e: {  	_ =	swait.ge [sflag:s25], $0xC80  }
0x34f: {  	[sflag:s25] =	ssyncset.done $0x0  }
0x350: {  	[sflag:s25] =	ssyncadd.s32 $0xFFFFF380  }
0x351: {  	_ =	swait.ge [sflag:s22], $0xC80  }
0x352: {  	[sflag:s22] =	ssyncset.done $0x0  }
0x353: {  	s8 =	simm.s32 $0x12628;
	s9 =	simm.s32 $0x18A28;
	[sflag:s22] =	ssyncadd.s32 $0xFFFFF380  }
0x354: {  	[tilespmem:s9], [sflag:$0xD] =	stream.indirect.gather [spmem:s4], $0x1, s8, s10, $0xb8;
	[tilespmem:$0x1BC28] =	vst v63  }
0x355: {  	_ =	swait.ge [sflag:s28], $0xC80  }
0x356: {  	s8 =	sld [smem:$0x7F6]  }
0x357: {  	[sflag:s28] =	ssyncset.done $0x0  }
0x358: {  	s9 =	simm.s32 $0x132A8;
	[sflag:s28] =	ssyncadd.s32 $0xFFFFF380  }
0x359: {  	[tilespmem:s9], [sflag:$0x6] =	stream.linear.gather [hbm4b:s8+s2], $0xC80, $0x38;
	[tilespmem:$0x1BC28] =	vst v63  }
0x35a: {  	s5 =	simm.s32 $0x40;
	s2 =	simm.s32 $0x0  }
.LBB2_56:
0x35b: {  	p1 =	sne.s32 s5, $0x31C0;
	v0 =	vld [tilespmem:s2+$0x17DA8];
	_ =	sdelay $0x4  }
0x35c: {  	v1 =	vmul.f32 $1.442695020e+00, v0;
	_ =	sdelay $0x1  }
0x35d: {  	(erf) = vpow2.f32 v1;
	_ =	sdelay $0x6  }
.Ltmp27:
0x35e: {  	(pc) =	sbr.rel @p1 .LBB2_56-.Ltmp27, $4  }
0x35f: {  	v1 =	vadd.f32 $1.000000000e+00, v0  }
0x360: {  	vm0 =	vgt.f32 v0, $0.0e+00;
	v0 =	vpop (erf)  }
0x361: {  	v0 =	vsel vm0, v1, v0  }
0x362: {  	[tilespmem:s2+$0x17DA8] =	vst v0;
	s2 =	sshra.s32 s5, $0x2;
	s5 =	sadd.s32 $0x40, s5  }
0x363: {  	v0 =	vld [tilespmem:s2+$0x17DA8];
	_ =	sdelay $0x4  }
0x364: {  	v1 =	vmul.f32 $1.442695020e+00, v0;
	_ =	sdelay $0x1  }
0x365: {  	(erf) = vpow2.f32 v1;
	_ =	sdelay $0x7  }
0x366: {  	v62 =	vadd.f32 $1.000000000e+00, v0  }
0x367: {  	s5 =	sld [smem:$0x7F1];
	vm0 =	vgt.f32 v0, $0.0e+00;
	v63 =	vpop (erf)  }
0x368: {  	v0 =	vsel vm0, v62, v63  }
0x369: {  	s7 =	simm.s32 $0x17DA8;
	[tilespmem:s2+$0x17DA8] =	vst v0;
	s2 =	simm.s32 $0x0  }
0x36a: {  	[hbm4b:s5+s2] =	stream.linear.scatter [tilespmem:s7], [sflag:$0x14], $0xC80, $0x38;
	[tilespmem:$0x1BC28] =	vst v63  }
0x36b: {  	_ =	swait.ge [sflag:s30], $0xC80  }
0x36c: {  	[sflag:s30] =	ssyncset.done $0x0  }
0x36d: {  	[sflag:s30] =	ssyncadd.s32 $0xFFFFF380  }
0x36e: {  	_ =	swait.ge [sflag:s24], $0xC80  }
0x36f: {  	[sflag:s24] =	ssyncset.done $0x0  }
0x370: {  	s8 =	simm.s32 $0x132A8;
	s9 =	simm.s32 $0x196A8;
	[sflag:s24] =	ssyncadd.s32 $0xFFFFF380  }
0x371: {  	[tilespmem:s9], [sflag:$0xE] =	stream.indirect.gather [spmem:s4], $0x1, s8, s10, $0xb8;
	[tilespmem:$0x1BC28] =	vst v63  }
0x372: {  	_ =	swait.ge [sflag:s1], $0xC80  }
0x373: {  	s8 =	sld [smem:$0x7F7]  }
0x374: {  	[sflag:s1] =	ssyncset.done $0x0  }
0x375: {  	s9 =	simm.s32 $0x13F28;
	[sflag:s1] =	ssyncadd.s32 $0xFFFFF380  }
0x376: {  	[tilespmem:s9], [sflag:$0x7] =	stream.linear.gather [hbm4b:s8+s2], $0xC80, $0x38;
	[tilespmem:$0x1BC28] =	vst v63  }
0x377: {  	s5 =	simm.s32 $0x40;
	s2 =	simm.s32 $0x0  }
.LBB2_58:
0x378: {  	p1 =	sne.s32 s5, $0x31C0;
	v0 =	vld [tilespmem:s2+$0x18A28];
	_ =	sdelay $0x4  }
0x379: {  	v1 =	vmul.f32 $1.442695020e+00, v0;
	_ =	sdelay $0x1  }
0x37a: {  	(erf) = vpow2.f32 v1;
	_ =	sdelay $0x6  }
.Ltmp28:
0x37b: {  	(pc) =	sbr.rel @p1 .LBB2_58-.Ltmp28, $4  }
0x37c: {  	v1 =	vadd.f32 $1.000000000e+00, v0  }
0x37d: {  	vm0 =	vgt.f32 v0, $0.0e+00;
	v0 =	vpop (erf)  }
0x37e: {  	v0 =	vsel vm0, v1, v0  }
0x37f: {  	[tilespmem:s2+$0x18A28] =	vst v0;
	s2 =	sshra.s32 s5, $0x2;
	s5 =	sadd.s32 $0x40, s5  }
0x380: {  	v0 =	vld [tilespmem:s2+$0x18A28];
	_ =	sdelay $0x4  }
0x381: {  	v1 =	vmul.f32 $1.442695020e+00, v0;
	_ =	sdelay $0x1  }
0x382: {  	(erf) = vpow2.f32 v1;
	_ =	sdelay $0x7  }
0x383: {  	v62 =	vadd.f32 $1.000000000e+00, v0  }
0x384: {  	s5 =	sld [smem:$0x7F3];
	vm0 =	vgt.f32 v0, $0.0e+00;
	v63 =	vpop (erf)  }
0x385: {  	v0 =	vsel vm0, v62, v63  }
0x386: {  	s7 =	simm.s32 $0x18A28;
	[tilespmem:s2+$0x18A28] =	vst v0;
	s2 =	simm.s32 $0x0  }
0x387: {  	[hbm4b:s5+s2] =	stream.linear.scatter [tilespmem:s7], [sflag:$0x15], $0xC80, $0x38;
	[tilespmem:$0x1BC28] =	vst v63  }
0x388: {  	_ =	swait.ge [sflag:s3], $0xC80  }
0x389: {  	[sflag:s3] =	ssyncset.done $0x0  }
0x38a: {  	[sflag:s3] =	ssyncadd.s32 $0xFFFFF380  }
0x38b: {  	_ =	swait.ge [sflag:s26], $0xC80  }
0x38c: {  	[sflag:s26] =	ssyncset.done $0x0  }
0x38d: {  	s8 =	simm.s32 $0x13F28;
	s9 =	simm.s32 $0x1A328;
	[sflag:s26] =	ssyncadd.s32 $0xFFFFF380  }
0x38e: {  	[tilespmem:s9], [sflag:$0xF] =	stream.indirect.gather [spmem:s4], $0x1, s8, s10, $0xb8;
	[tilespmem:$0x1BC28] =	vst v63  }
0x38f: {  	_ =	swait.ge [sflag:s6], $0xC80  }
0x390: {  	s8 =	sld [smem:$0x7F8]  }
0x391: {  	[sflag:s6] =	ssyncset.done $0x0  }
0x392: {  	s9 =	simm.s32 $0x14BA8;
	[sflag:s6] =	ssyncadd.s32 $0xFFFFF380  }
0x393: {  	[tilespmem:s9], [sflag:$0x8] =	stream.linear.gather [hbm4b:s8+s2], $0xC80, $0x38;
	[tilespmem:$0x1BC28] =	vst v63  }
0x394: {  	s5 =	simm.s32 $0x40;
	s2 =	simm.s32 $0x0  }
.LBB2_60:
0x395: {  	p1 =	sne.s32 s5, $0x31C0;
	v0 =	vld [tilespmem:s2+$0x196A8];
	_ =	sdelay $0x4  }
0x396: {  	v1 =	vmul.f32 $1.442695020e+00, v0;
	_ =	sdelay $0x1  }
0x397: {  	(erf) = vpow2.f32 v1;
	_ =	sdelay $0x6  }
.Ltmp29:
0x398: {  	(pc) =	sbr.rel @p1 .LBB2_60-.Ltmp29, $4  }
0x399: {  	v1 =	vadd.f32 $1.000000000e+00, v0  }
0x39a: {  	vm0 =	vgt.f32 v0, $0.0e+00;
	v0 =	vpop (erf)  }
0x39b: {  	v0 =	vsel vm0, v1, v0  }
0x39c: {  	[tilespmem:s2+$0x196A8] =	vst v0;
	s2 =	sshra.s32 s5, $0x2;
	s5 =	sadd.s32 $0x40, s5  }
0x39d: {  	v0 =	vld [tilespmem:s2+$0x196A8];
	_ =	sdelay $0x4  }
0x39e: {  	v1 =	vmul.f32 $1.442695020e+00, v0;
	_ =	sdelay $0x1  }
0x39f: {  	(erf) = vpow2.f32 v1;
	_ =	sdelay $0x7  }
0x3a0: {  	v62 =	vadd.f32 $1.000000000e+00, v0  }
0x3a1: {  	s5 =	sld [smem:$0x7F9];
	vm0 =	vgt.f32 v0, $0.0e+00;
	v63 =	vpop (erf)  }
0x3a2: {  	v0 =	vsel vm0, v62, v63  }
0x3a3: {  	s9 =	simm.s32 $0x0;
	s7 =	simm.s32 $0x196A8;
	[tilespmem:s2+$0x196A8] =	vst v0  }
0x3a4: {  	[hbm4b:s5+s9] =	stream.linear.scatter [tilespmem:s7], [sflag:$0x16], $0xC80, $0x38;
	[tilespmem:$0x1BC28] =	vst v63  }
0x3a5: {  	_ =	swait.ge [sflag:s0], $0xC80  }
0x3a6: {  	[sflag:s0] =	ssyncset.done $0x0  }
0x3a7: {  	[sflag:s0] =	ssyncadd.s32 $0xFFFFF380  }
0x3a8: {  	_ =	swait.ge [sflag:s29], $0xC80  }
0x3a9: {  	[sflag:s29] =	ssyncset.done $0x0  }
0x3aa: {  	s8 =	simm.s32 $0x14BA8;
	s9 =	simm.s32 $0x1AFA8;
	[sflag:s29] =	ssyncadd.s32 $0xFFFFF380  }
0x3ab: {  	[tilespmem:s9], [sflag:$0x10] =	stream.indirect.gather [spmem:s4], $0x1, s8, s10, $0xb8;
	[tilespmem:$0x1BC28] =	vst v63  }
0x3ac: {  	_ =	swait.ge [sflag:s11], $0xC80  }
0x3ad: {  	[sflag:s11] =	ssyncset.done $0x0  }
0x3ae: {  	s2 =	simm.s32 $0x0;
	s5 =	simm.s32 $0x40;
	[sflag:s11] =	ssyncadd.s32 $0xFFFFF380  }
.LBB2_62:
0x3af: {  	p1 =	sne.s32 s5, $0x31C0;
	v0 =	vld [tilespmem:s2+$0x1A328];
	_ =	sdelay $0x4  }
0x3b0: {  	v1 =	vmul.f32 $1.442695020e+00, v0;
	_ =	sdelay $0x1  }
0x3b1: {  	(erf) = vpow2.f32 v1;
	_ =	sdelay $0x6  }
.Ltmp30:
0x3b2: {  	(pc) =	sbr.rel @p1 .LBB2_62-.Ltmp30, $4  }
0x3b3: {  	v1 =	vadd.f32 $1.000000000e+00, v0  }
0x3b4: {  	vm0 =	vgt.f32 v0, $0.0e+00;
	v0 =	vpop (erf)  }
0x3b5: {  	v0 =	vsel vm0, v1, v0  }
0x3b6: {  	[tilespmem:s2+$0x1A328] =	vst v0;
	s2 =	sshra.s32 s5, $0x2;
	s5 =	sadd.s32 $0x40, s5  }
0x3b7: {  	v0 =	vld [tilespmem:s2+$0x1A328];
	_ =	sdelay $0x4  }
0x3b8: {  	v1 =	vmul.f32 $1.442695020e+00, v0;
	_ =	sdelay $0x1  }
0x3b9: {  	(erf) = vpow2.f32 v1;
	_ =	sdelay $0x7  }
0x3ba: {  	v62 =	vadd.f32 $1.000000000e+00, v0  }
0x3bb: {  	s5 =	sld [smem:$0x7FA];
	vm0 =	vgt.f32 v0, $0.0e+00;
	v63 =	vpop (erf)  }
0x3bc: {  	v0 =	vsel vm0, v62, v63  }
0x3bd: {  	s8 =	simm.s32 $0x0;
	s7 =	simm.s32 $0x1A328;
	[tilespmem:s2+$0x1A328] =	vst v0  }
0x3be: {  	[hbm4b:s5+s8] =	stream.linear.scatter [tilespmem:s7], [sflag:$0x17], $0xC80, $0x38;
	[tilespmem:$0x1BC28] =	vst v63  }
0x3bf: {  	_ =	swait.ge [sflag:s14], $0xC80  }
0x3c0: {  	s9 =	simm.s32 $0x15828;
	[sflag:s14] =	ssyncset.done $0x0  }
0x3c1: {  	s2 =	simm.s32 $0x0;
	s5 =	simm.s32 $0x40;
	[sflag:s14] =	ssyncadd.s32 $0xFFFFF380  }
.LBB2_64:
0x3c2: {  	p1 =	sne.s32 s5, $0x31C0;
	v0 =	vld [tilespmem:s2+$0x1AFA8];
	_ =	sdelay $0x4  }
0x3c3: {  	v1 =	vmul.f32 $1.442695020e+00, v0;
	_ =	sdelay $0x1  }
0x3c4: {  	(erf) = vpow2.f32 v1;
	_ =	sdelay $0x6  }
.Ltmp31:
0x3c5: {  	(pc) =	sbr.rel @p1 .LBB2_64-.Ltmp31, $4  }
0x3c6: {  	v1 =	vadd.f32 $1.000000000e+00, v0  }
0x3c7: {  	vm0 =	vgt.f32 v0, $0.0e+00;
	v0 =	vpop (erf)  }
0x3c8: {  	v0 =	vsel vm0, v1, v0  }
0x3c9: {  	[tilespmem:s2+$0x1AFA8] =	vst v0;
	s2 =	sshra.s32 s5, $0x2;
	s5 =	sadd.s32 $0x40, s5  }
0x3ca: {  	v0 =	vld [tilespmem:s2+$0x1AFA8];
	_ =	sdelay $0x4  }
0x3cb: {  	v1 =	vmul.f32 $1.442695020e+00, v0;
	_ =	sdelay $0x1  }
0x3cc: {  	(erf) = vpow2.f32 v1;
	_ =	sdelay $0x7  }
0x3cd: {  	v62 =	vadd.f32 $1.000000000e+00, v0  }
0x3ce: {  	s7 =	sld [smem:$0x7FB];
	vm0 =	vgt.f32 v0, $0.0e+00;
	v63 =	vpop (erf)  }
0x3cf: {  	v0 =	vsel vm0, v62, v63  }
0x3d0: {  	s8 =	simm.s32 $0x0;
	s5 =	simm.s32 $0x1AFA8;
	[tilespmem:s2+$0x1AFA8] =	vst v0  }
0x3d1: {  	[hbm4b:s7+s8] =	stream.linear.scatter [tilespmem:s5], [sflag:$0x18], $0xC80, $0x38;
	[tilespmem:$0x1BC28] =	vst v63  }
0x3d2: {  	_ =	swait.ge [sflag:s12], $0xC80  }
0x3d3: {  	[sflag:s12] =	ssyncset.done $0x0  }
0x3d4: {  	[sflag:s12] =	ssyncadd.s32 $0xFFFFF380  }
0x3d5: {  	_ =	swait.ge [sflag:s16], $0xC80  }
0x3d6: {  	[sflag:s16] =	ssyncset.done $0x0  }
0x3d7: {  	[sflag:s16] =	ssyncadd.s32 $0xFFFFF380  }
0x3d8: {  	_ =	swait.ge [sflag:s18], $0xC80  }
0x3d9: {  	[sflag:s18] =	ssyncset.done $0x0  }
0x3da: {  	[sflag:s18] =	ssyncadd.s32 $0xFFFFF380  }
0x3db: {  	_ =	swait.ge [sflag:s20], $0xC80  }
0x3dc: {  	[sflag:s20] =	ssyncset.done $0x0  }
0x3dd: {  	[sflag:s20] =	ssyncadd.s32 $0xFFFFF380  }
0x3de: {  	_ =	swait.ge [sflag:s22], $0xC80  }
0x3df: {  	[sflag:s22] =	ssyncset.done $0x0  }
0x3e0: {  	[sflag:s22] =	ssyncadd.s32 $0xFFFFF380  }
0x3e1: {  	_ =	swait.ge [sflag:s24], $0xC80  }
0x3e2: {  	[sflag:s24] =	ssyncset.done $0x0  }
0x3e3: {  	[sflag:s24] =	ssyncadd.s32 $0xFFFFF380  }
0x3e4: {  	_ =	swait.ge [sflag:s26], $0xC80  }
0x3e5: {  	[sflag:s26] =	ssyncset.done $0x0  }
0x3e6: {  	[sflag:s26] =	ssyncadd.s32 $0xFFFFF380  }
0x3e7: {  	_ =	swait.ge [sflag:s29], $0xC80  }
0x3e8: {  	s7 =	sld [smem:$0x7FD];
	_ =	sdelay $0x1  }
0x3e9: {  	s31 =	sadd.s32 $0x1, s31  }
0x3ea: {  	p1 =	sne.s32 s31, s7  }
.Ltmp32:
0x3eb: {  	_ = 	snop;
	(pc) =	sbr.rel @p1 .LBB2_1-.Ltmp32, $3  }
0x3ec: {  	_ =	sdelay $0x1  }
0x3ed: {  	[sflag:s29] =	ssyncset.done $0x0  }
0x3ee: {  	[sflag:s29] =	ssyncadd.s32 $0xFFFFF380  }
0x3ef: {  	_ =	sfence.sel $0x180000  }
0x3f0: {  	[bflag:$0x0] =	sbarrier.arrive $0xFFFF  }
0x3f1: {  	_ =	strace $0x90000047  }
0x3f2: {  	[bflag:$0x2] =	sbarrier.arrive $0xFFFF  }
0x3f3: {  	s0 =	rddreg [dreg:$0x3]  }
0x3f4: {  	s0 =	sadd.s32 @!p0 $0x100000, s0  }
0x3f5: {  	[sflag:s0] =	ssyncadd.tile.s32 @!p0 $0x1;
	_ =	shalt  }
.Lfunc_end2:
_tile_overlayer_lowered:
.L_overlay_start_2:
0x3f6: {  	(tag) =	ssettag $0x2  }
0x3f7: {  	s0 =	rddreg [dreg:$0x0];
	s2 =	stileid.u32  }
0x3f8: {  	s1 =	rddreg [dreg:$0x1];
	p0 =	sne.s32 s2, $0x0  }
0x3f9: {  	s3 =	rddreg [dreg:$0x2];
	[bflag:$0x3] =	sbarrier.arrive $0xFFFF;
	s2 =	simm.s32 @!p0 $0x1C19  }
0x3fa: {  	[timem:s3], [sflag:s2] =	dma.local @!p0 [hbm:s0], s1  }
0x3fb: {  	s0 =	simm.s32 @!p0 $0x19  }
0x3fc: {  	_ =	swait.ge @!p0 [sflag:s0], s1  }
0x3fd: {  	s1 =	ssub.s32 @!p0 $0x0, s1;
	[sflag:s0] =	ssyncset.done @!p0 $0x0  }
0x3fe: {  	[sflag:s0] =	ssyncadd.s32 @!p0 s1  }
0x3ff: {  	[bflag:$0x3] =	sbarrier.arrive $0xFFFF  }
0x400: {  	_ =	shalt  }

</sc_bundles>
